<compile_context>
chip_gen: v7x
topology: tpu7x:2x2x1
jax: 0.10.2.dev20260603
libtpu: 0.0.44.dev20260713+nightly
codegen_flags: <defaults>
</compile_context>

<pallas_src>
import jax
import jax.numpy as jnp
from jax import lax
from jax.experimental import pallas as pl
from jax.experimental.pallas import tpu as pltpu
from jax.experimental.pallas import tpu_sc as plsc

_N = 10000
_E = 160000
_NTILES = 16
_NCORES = 2
_NP = 10240
_CHUNK = 80
_NCHUNK = 125
_RPT = _NP // _NTILES
_ZROWS = 128
_NZ = _RPT // _ZROWS

_mesh = plsc.VectorSubcoreMesh(
    core_axis_name="c", subcore_axis_name="s",
    num_cores=_NCORES, num_subcores=_NTILES)

_f32 = jnp.float32


def _zero_acc(s, zrows, stage_v, acc_sh):
    r0 = s * _RPT
    pltpu.sync_copy(zrows, stage_v)
    for i in range(_NZ):
        pltpu.sync_copy(stage_v, acc_sh.at[pl.ds(r0 + i * _ZROWS, _ZROWS)])


def _edge_loop(table, src_v, dst_v, rows_v, acc_sh):
    def body(j, carry):
        pltpu.sync_copy(table.at[src_v.at[j]], rows_v)
        pltpu.sync_copy(rows_v, acc_sh.at[dst_v.at[j]], add=True)
        return carry
    lax.fori_loop(0, _NCHUNK, body, 0)


def _flush(s, acc_sh, stage_v, out):
    r0 = s * _RPT
    for i in range(_NZ):
        pltpu.sync_copy(acc_sh.at[pl.ds(r0 + i * _ZROWS, _ZROWS)], stage_v)
        pltpu.sync_copy(stage_v, out.at[pl.ds(r0 + i * _ZROWS, _ZROWS)])


def _sc_deg_body(dst3, dst3b, zdeg, ones,
                 deg_out, deg2_out,
                 dst_v, ones_v, zdeg_v, deg_sh):
    c = lax.axis_index("c")
    s = lax.axis_index("s")
    r0 = s * _RPT
    pltpu.sync_copy(zdeg, zdeg_v)
    pltpu.sync_copy(zdeg_v, deg_sh.at[pl.ds(r0, _RPT)])
    plsc.subcore_barrier()
    pltpu.sync_copy(ones, ones_v)

    @pl.when(c == 0)
    def _():
        pltpu.sync_copy(dst3.at[s], dst_v)

    @pl.when(c == 1)
    def _():
        pltpu.sync_copy(dst3b.at[s], dst_v)

    def body(j, carry):
        pltpu.sync_copy(ones_v, deg_sh.at[dst_v.at[j]], add=True)
        return carry
    lax.fori_loop(0, _NCHUNK, body, 0)
    plsc.subcore_barrier()
    pltpu.sync_copy(deg_sh.at[pl.ds(r0, _RPT)], zdeg_v)

    @pl.when(c == 0)
    def _():
        pltpu.sync_copy(zdeg_v, deg_out.at[pl.ds(r0, _RPT)])

    @pl.when(c == 1)
    def _():
        pltpu.sync_copy(zdeg_v, deg2_out.at[pl.ds(r0, _RPT)])


def _sc_agg_body(tlo, thi, src3, dst3, zrows,
                 slo_out, shi_out,
                 src_v, dst_v, rows_v, stage_v, acc_sh):
    c = lax.axis_index("c")
    s = lax.axis_index("s")
    _zero_acc(s, zrows, stage_v, acc_sh)
    plsc.subcore_barrier()
    pltpu.sync_copy(src3.at[s], src_v)
    pltpu.sync_copy(dst3.at[s], dst_v)

    @pl.when(c == 0)
    def _():
        _edge_loop(tlo, src_v, dst_v, rows_v, acc_sh)

    @pl.when(c == 1)
    def _():
        _edge_loop(thi, src_v, dst_v, rows_v, acc_sh)

    plsc.subcore_barrier()

    @pl.when(c == 0)
    def _():
        _flush(s, acc_sh, stage_v, slo_out)

    @pl.when(c == 1)
    def _():
        _flush(s, acc_sh, stage_v, shi_out)


_sc_deg = pl.kernel(
    _sc_deg_body,
    out_type=[
        jax.ShapeDtypeStruct((_NP,), _f32),
        jax.ShapeDtypeStruct((_NP,), _f32),
    ],
    mesh=_mesh,
    compiler_params=pltpu.CompilerParams(use_tc_tiling_on_sc=False),
    scratch_types=[
        pltpu.VMEM((_NCHUNK, _CHUNK), jnp.int32),
        pltpu.VMEM((_CHUNK,), _f32),
        pltpu.VMEM((_RPT,), _f32),
        pltpu.VMEM_SHARED((_NP,), _f32),
    ],
)

_sc_agg = pl.kernel(
    _sc_agg_body,
    out_type=[
        jax.ShapeDtypeStruct((_NP, 128), _f32),
        jax.ShapeDtypeStruct((_NP, 128), _f32),
    ],
    mesh=_mesh,
    compiler_params=pltpu.CompilerParams(use_tc_tiling_on_sc=False),
    scratch_types=[
        pltpu.VMEM((_NCHUNK, _CHUNK), jnp.int32),
        pltpu.VMEM((_NCHUNK, _CHUNK), jnp.int32),
        pltpu.VMEM((_CHUNK, 128), _f32),
        pltpu.VMEM((_ZROWS, 128), _f32),
        pltpu.VMEM_SHARED((_NP, 128), _f32),
    ],
)


def _sc23_body(elo, ehi, src3, dst3, src3b, dst3b, zrows,
               s2lo_out, s2hi_out, s3lo_out, s3hi_out,
               src_v, dst_v, rows_v, stage_v, acc_sh):
    c = lax.axis_index("c")
    s = lax.axis_index("s")
    _zero_acc(s, zrows, stage_v, acc_sh)
    plsc.subcore_barrier()
    pltpu.sync_copy(src3.at[s], src_v)
    pltpu.sync_copy(dst3.at[s], dst_v)

    @pl.when(c == 0)
    def _():
        _edge_loop(elo, src_v, dst_v, rows_v, acc_sh)

    @pl.when(c == 1)
    def _():
        _edge_loop(ehi, src_v, dst_v, rows_v, acc_sh)

    plsc.subcore_barrier()

    @pl.when(c == 0)
    def _():
        _flush(s, acc_sh, stage_v, s2lo_out)

    @pl.when(c == 1)
    def _():
        _flush(s, acc_sh, stage_v, s2hi_out)

    _zero_acc(s, zrows, stage_v, acc_sh)
    pltpu.sync_copy(src3b.at[s], src_v)
    pltpu.sync_copy(dst3b.at[s], dst_v)
    plsc.subcore_barrier()

    @pl.when(c == 0)
    def _():
        _edge_loop(elo, src_v, dst_v, rows_v, acc_sh)

    @pl.when(c == 1)
    def _():
        _edge_loop(ehi, src_v, dst_v, rows_v, acc_sh)

    plsc.subcore_barrier()

    @pl.when(c == 0)
    def _():
        _flush(s, acc_sh, stage_v, s3lo_out)

    @pl.when(c == 1)
    def _():
        _flush(s, acc_sh, stage_v, s3hi_out)


_sc23 = pl.kernel(
    _sc23_body,
    out_type=[jax.ShapeDtypeStruct((_NP, 128), _f32)] * 4,
    mesh=_mesh,
    compiler_params=pltpu.CompilerParams(use_tc_tiling_on_sc=False),
    scratch_types=[
        pltpu.VMEM((_NCHUNK, _CHUNK), jnp.int32),
        pltpu.VMEM((_NCHUNK, _CHUNK), jnp.int32),
        pltpu.VMEM((_CHUNK, 128), _f32),
        pltpu.VMEM((_ZROWS, 128), _f32),
        pltpu.VMEM_SHARED((_NP, 128), _f32),
    ],
)


_BLK = 1024


def _tc1_body(s1lo_ref, s1hi_ref, deg_ref, x_ref,
              wl1_ref, wr1_ref, b1_ref,
              elo_ref, ehi_ref):
    s1 = jnp.concatenate([s1lo_ref[...], s1hi_ref[...]], axis=1)
    agg = s1 / jnp.maximum(deg_ref[...], 1.0)
    h = (jnp.dot(agg, wl1_ref[...], preferred_element_type=_f32)
         + b1_ref[...]
         + jnp.dot(x_ref[...], wr1_ref[...], preferred_element_type=_f32))
    emb = jnp.maximum(h, 0.0)
    elo_ref[...] = emb[:, :128]
    ehi_ref[...] = emb[:, 128:]


_tc1 = pl.pallas_call(
    _tc1_body,
    grid=(_NP // _BLK,),
    in_specs=[
        pl.BlockSpec((_BLK, 128), lambda i: (i, 0)),
        pl.BlockSpec((_BLK, 128), lambda i: (i, 0)),
        pl.BlockSpec((_BLK, 1), lambda i: (i, 0)),
        pl.BlockSpec((_BLK, 256), lambda i: (i, 0)),
        pl.BlockSpec((256, 256), lambda i: (0, 0)),
        pl.BlockSpec((256, 256), lambda i: (0, 0)),
        pl.BlockSpec((256,), lambda i: (0,)),
    ],
    out_specs=[pl.BlockSpec((_BLK, 128), lambda i: (i, 0))] * 2,
    out_shape=[jax.ShapeDtypeStruct((_NP, 128), _f32)] * 2,
)


def _tc2_body(s2lo_ref, s2hi_ref, s3lo_ref, s3hi_ref, deg_ref, deg2_ref,
              elo_ref, ehi_ref, wl2_ref, wr2_ref, b2_ref,
              wl3_ref, wr3_ref, b3_ref,
              logits_ref, logits2_ref, pred_ref):
    emb = jnp.concatenate([elo_ref[...], ehi_ref[...]], axis=1)

    agg2 = (jnp.concatenate([s2lo_ref[...], s2hi_ref[...]], axis=1)
            / jnp.maximum(deg_ref[...], 1.0))
    x1 = (jnp.dot(agg2, wl2_ref[...], preferred_element_type=_f32)
          + b2_ref[...]
          + jnp.dot(emb, wr2_ref[...], preferred_element_type=_f32))
    m1 = jnp.max(x1, axis=1, keepdims=True)
    e1 = jnp.exp(x1 - m1)
    logits_ref[...] = e1 / jnp.sum(e1, axis=1, keepdims=True)
    col = lax.broadcasted_iota(jnp.int32, x1.shape, 1)
    i = pl.program_id(0)
    pred_ref[pl.ds(i * _BLK, _BLK)] = jnp.min(
        jnp.where(x1 == m1, col, x1.shape[1]), axis=1)

    agg3 = (jnp.concatenate([s3lo_ref[...], s3hi_ref[...]], axis=1)
            / jnp.maximum(deg2_ref[...], 1.0))
    x2 = (jnp.dot(agg3, wl3_ref[...], preferred_element_type=_f32)
          + b3_ref[...]
          + jnp.dot(emb, wr3_ref[...], preferred_element_type=_f32))
    m2 = jnp.max(x2, axis=1, keepdims=True)
    e2 = jnp.exp(x2 - m2)
    logits2_ref[...] = e2 / jnp.sum(e2, axis=1, keepdims=True)


_tc2 = pl.pallas_call(
    _tc2_body,
    grid=(_NP // _BLK,),
    in_specs=[
        pl.BlockSpec((_BLK, 128), lambda i: (i, 0)),
        pl.BlockSpec((_BLK, 128), lambda i: (i, 0)),
        pl.BlockSpec((_BLK, 128), lambda i: (i, 0)),
        pl.BlockSpec((_BLK, 128), lambda i: (i, 0)),
        pl.BlockSpec((_BLK, 1), lambda i: (i, 0)),
        pl.BlockSpec((_BLK, 1), lambda i: (i, 0)),
        pl.BlockSpec((_BLK, 128), lambda i: (i, 0)),
        pl.BlockSpec((_BLK, 128), lambda i: (i, 0)),
        pl.BlockSpec((256, 128), lambda i: (0, 0)),
        pl.BlockSpec((256, 128), lambda i: (0, 0)),
        pl.BlockSpec((128,), lambda i: (0,)),
        pl.BlockSpec((256, 128), lambda i: (0, 0)),
        pl.BlockSpec((256, 128), lambda i: (0, 0)),
        pl.BlockSpec((128,), lambda i: (0,)),
    ],
    out_specs=[
        pl.BlockSpec((_BLK, 128), lambda i: (i, 0)),
        pl.BlockSpec((_BLK, 128), lambda i: (i, 0)),
        pl.BlockSpec((_NP,), lambda i: (0,)),
    ],
    out_shape=[
        jax.ShapeDtypeStruct((_NP, 128), _f32),
        jax.ShapeDtypeStruct((_NP, 128), _f32),
        jax.ShapeDtypeStruct((_NP,), jnp.int32),
    ],
)


def kernel(x, edge_index, edge_index_2,
           W_l1, W_r1, b1, W_l2, W_r2, b2, W_l3, W_r3, b3):
    x_lo = x[:, :128]
    x_hi = x[:, 128:]
    src3 = edge_index[0].reshape(_NTILES, _NCHUNK, _CHUNK)
    dst3 = edge_index[1].reshape(_NTILES, _NCHUNK, _CHUNK)
    src3b = edge_index_2[0].reshape(_NTILES, _NCHUNK, _CHUNK)
    dst3b = edge_index_2[1].reshape(_NTILES, _NCHUNK, _CHUNK)
    zrows = jnp.zeros((_ZROWS, 128), _f32)
    zdeg = jnp.zeros((_RPT,), _f32)
    ones = jnp.ones((_CHUNK,), _f32)
    xp = jnp.pad(x, ((0, _NP - _N), (0, 0)))

    deg, deg2 = _sc_deg(dst3, dst3b, zdeg, ones)
    deg = deg.reshape(_NP, 1)
    deg2 = deg2.reshape(_NP, 1)
    s1lo, s1hi = _sc_agg(x_lo, x_hi, src3, dst3, zrows)
    elo, ehi = _tc1(s1lo, s1hi, deg, xp, W_l1, W_r1, b1)
    s2lo, s2hi, s3lo, s3hi = _sc23(
        elo, ehi, src3, dst3, src3b, dst3b, zrows)
    logits, logits2, pred = _tc2(
        s2lo, s2hi, s3lo, s3hi, deg, deg2, elo, ehi,
        W_l2, W_r2, b2, W_l3, W_r3, b3)
    return (logits[:_N], logits2[:_N], pred[:_N])

# --- scband reference (transcript-rebuilt; emitter-appended) ---
"""Pipeline reference for scband-graph-sage-80977313399738 (READ-ONLY COPY).

The authoritative reference and input builder live on the scoring server;
editing this copy changes nothing except your own understanding.
"""

import jax, jax.numpy as jnp
import numpy as np

N = 10000
E = 160000
D_IN = 256
D_H = 256
C = 128


def setup_inputs(seed: int = 0) -> dict:
    key = jax.random.key(seed)
    ks = jax.random.split(key, 12)
    x = jax.random.normal(ks[0], (N, D_IN), dtype=jnp.float32)
    edge_index = jax.random.randint(ks[1], (2, E), 0, N, dtype=jnp.int32)
    edge_index_2 = jax.random.randint(ks[2], (2, E), 0, N, dtype=jnp.int32)
    # SAGEConv params (PyG-style): out = lin_l(mean_agg(x_j)) + lin_r(x_i); bias on lin_l
    s1 = 1.0 / np.sqrt(D_IN)
    s2 = 1.0 / np.sqrt(D_H)
    W_l1 = jax.random.normal(ks[3], (D_IN, D_H), dtype=jnp.float32) * s1
    W_r1 = jax.random.normal(ks[4], (D_IN, D_H), dtype=jnp.float32) * s1
    b1 = jnp.zeros((D_H,), dtype=jnp.float32)
    W_l2 = jax.random.normal(ks[5], (D_H, C), dtype=jnp.float32) * s2
    W_r2 = jax.random.normal(ks[6], (D_H, C), dtype=jnp.float32) * s2
    b2 = jnp.zeros((C,), dtype=jnp.float32)
    W_l3 = jax.random.normal(ks[7], (D_H, C), dtype=jnp.float32) * s2
    W_r3 = jax.random.normal(ks[8], (D_H, C), dtype=jnp.float32) * s2
    b3 = jnp.zeros((C,), dtype=jnp.float32)
    return {"x": x, "edge_index": edge_index, "edge_index_2": edge_index_2,
            "W_l1": W_l1, "W_r1": W_r1, "b1": b1,
            "W_l2": W_l2, "W_r2": W_r2, "b2": b2,
            "W_l3": W_l3, "W_r3": W_r3, "b3": b3}


def _sage_conv(x, edge_index, W_l, W_r, b):
    src = edge_index[0]
    dst = edge_index[1]
    msgs = jnp.take(x, src, axis=0)                      # gather source features
    agg_sum = jax.ops.segment_sum(msgs, dst, num_segments=x.shape[0])
    deg = jax.ops.segment_sum(jnp.ones((src.shape[0],), dtype=x.dtype), dst,
                              num_segments=x.shape[0])
    agg = agg_sum / jnp.clip(deg, 1.0, None)[:, None]    # mean aggregation
    return agg @ W_l + b + x @ W_r


def reference(x, edge_index, edge_index_2,
              W_l1, W_r1, b1, W_l2, W_r2, b2, W_l3, W_r3, b3):
    h = _sage_conv(x, edge_index, W_l1, W_r1, b1)
    embeddings = jax.nn.relu(h)
    x_1 = _sage_conv(embeddings, edge_index, W_l2, W_r2, b2)
    x_2 = _sage_conv(embeddings, edge_index_2, W_l3, W_r3, b3)
    logits = jax.nn.softmax(x_1, axis=1)   # nn.Softmax() on 2D -> dim=1
    logits_2 = jax.nn.softmax(x_2, axis=1)
    predictions = jnp.argmax(logits, axis=1)
    return (logits, logits_2, predictions)

if __name__ == "__main__":
    import jax
    _d = setup_inputs()
    print(jax.jit(kernel)(*tuple(_d.values())))

</pallas_src>

<mosaic_0001>
#map = affine_map<(d0, d1) -> (0, 0, 0)>
#map1 = affine_map<(d0, d1) -> (0)>
module attributes {stable_mosaic.version = 14 : i64} {
  func.func @_sc_deg_body(%arg0: i32, %arg1: i32, %arg2: memref<16x125x80xi32, #tpu.memory_space<hbm>>, %arg3: memref<16x125x80xi32, #tpu.memory_space<hbm>>, %arg4: memref<640xf32, #tpu.memory_space<hbm>>, %arg5: memref<80xf32, #tpu.memory_space<hbm>>, %arg6: memref<10240xf32, #tpu.memory_space<hbm>>, %arg7: memref<10240xf32, #tpu.memory_space<hbm>>, %arg8: memref<125x80xi32, #tpu.memory_space<vmem>>, %arg9: memref<80xf32, #tpu.memory_space<vmem>>, %arg10: memref<640xf32, #tpu.memory_space<vmem>>, %arg11: memref<10240xf32, #tpu.memory_space<vmem_shared>>) attributes {dimension_semantics = [#tpu.dimension_semantics<core_parallel>, #tpu.dimension_semantics<subcore_parallel>], iteration_bounds = array<i64: 2, 16>, scalar_prefetch = 0 : i64, scratch_operands = 4 : i64, tpu.core_type = #tpu.core_type<sc_vector_subcore>, window_params = [{transform_indices = #map}, {transform_indices = #map}, {transform_indices = #map1}, {transform_indices = #map1}, {transform_indices = #map1}, {transform_indices = #map1}]} {
    %mul3A = arith.constant 640 : i32
    %mul3A_0 = arith.muli %arg1, %mul3A : i32
    "tpu.region"() ({
      %run_scoped3A = tpu.sem_alloc : memref<!tpu.dma_semaphore, #tpu.memory_space<semaphore_mem>>
      tpu.enqueue_dma source(%arg4 : memref<640xf32, #tpu.memory_space<hbm>>) target(%arg10 : memref<640xf32, #tpu.memory_space<vmem>>) target_semaphore(%run_scoped3A : memref<!tpu.dma_semaphore, #tpu.memory_space<semaphore_mem>>)
      tpu.wait_dma2 semaphore(%run_scoped3A : memref<!tpu.dma_semaphore, #tpu.memory_space<semaphore_mem>>) src(%arg4 : memref<640xf32, #tpu.memory_space<hbm>>) dst(%arg10 : memref<640xf32, #tpu.memory_space<vmem>>)
      tpu.yield
    }) : () -> ()
    "tpu.region"() ({
      %run_scoped3A = tpu.sem_alloc : memref<!tpu.dma_semaphore, #tpu.memory_space<semaphore_mem>>
      %dma_start3A = tpu.memref_slice %arg11[%mul3A_0] : memref<10240xf32, #tpu.memory_space<vmem_shared>> -> memref<640xf32, #tpu.memory_space<vmem_shared>>
      %dma_start3A_24 = tpu.memref_slice %arg11[%mul3A_0] : memref<10240xf32, #tpu.memory_space<vmem_shared>> -> memref<640xf32, #tpu.memory_space<vmem_shared>>
      tpu.enqueue_dma source(%arg10 : memref<640xf32, #tpu.memory_space<vmem>>) target(%dma_start3A_24 : memref<640xf32, #tpu.memory_space<vmem_shared>>) target_semaphore(%run_scoped3A : memref<!tpu.dma_semaphore, #tpu.memory_space<semaphore_mem>>)
      %dma_wait3A = tpu.memref_slice %arg11[%mul3A_0] : memref<10240xf32, #tpu.memory_space<vmem_shared>> -> memref<640xf32, #tpu.memory_space<vmem_shared>>
      %dma_wait3A_25 = tpu.memref_slice %arg11[%mul3A_0] : memref<10240xf32, #tpu.memory_space<vmem_shared>> -> memref<640xf32, #tpu.memory_space<vmem_shared>>
      tpu.wait_dma2 semaphore(%run_scoped3A : memref<!tpu.dma_semaphore, #tpu.memory_space<semaphore_mem>>) src(%arg10 : memref<640xf32, #tpu.memory_space<vmem>>) dst(%dma_wait3A_25 : memref<640xf32, #tpu.memory_space<vmem_shared>>)
      tpu.yield
    }) : () -> ()
    %barrier3A = arith.constant 0 : index
    tpu.barrier barrier_id(%barrier3A)
    "tpu.region"() ({
      %run_scoped3A = tpu.sem_alloc : memref<!tpu.dma_semaphore, #tpu.memory_space<semaphore_mem>>
      tpu.enqueue_dma source(%arg5 : memref<80xf32, #tpu.memory_space<hbm>>) target(%arg9 : memref<80xf32, #tpu.memory_space<vmem>>) target_semaphore(%run_scoped3A : memref<!tpu.dma_semaphore, #tpu.memory_space<semaphore_mem>>)
      tpu.wait_dma2 semaphore(%run_scoped3A : memref<!tpu.dma_semaphore, #tpu.memory_space<semaphore_mem>>) src(%arg5 : memref<80xf32, #tpu.memory_space<hbm>>) dst(%arg9 : memref<80xf32, #tpu.memory_space<vmem>>)
      tpu.yield
    }) : () -> ()
    %eq3A = arith.constant 0 : i32
    %eq3A_1 = arith.cmpi eq, %arg0, %eq3A : i32
    %convert_element_type3A = arith.extui %eq3A_1 : i1 to i32
    %cond3A = arith.constant 0 : i32
    %cond3A_2 = arith.cmpi ne, %convert_element_type3A, %cond3A : i32
    scf.if %cond3A_2 {
      "tpu.region"() ({
        %run_scoped3A = tpu.sem_alloc : memref<!tpu.dma_semaphore, #tpu.memory_space<semaphore_mem>>
        %dma_start3A = arith.constant 0 : i32
        %dma_start3A_24 = arith.constant 0 : i32
        %dma_start3A_25 = tpu.memref_slice %arg2[%arg1, %dma_start3A, %dma_start3A_24] : memref<16x125x80xi32, #tpu.memory_space<hbm>> -> memref<1x125x80xi32, #tpu.memory_space<hbm>>
        %dma_start3A_26 = tpu.memref_squeeze %dma_start3A_25 : memref<1x125x80xi32, #tpu.memory_space<hbm>> -> memref<125x80xi32, #tpu.memory_space<hbm>>
        %dma_start3A_27 = arith.constant 0 : i32
        %dma_start3A_28 = arith.constant 0 : i32
        %dma_start3A_29 = tpu.memref_slice %arg2[%arg1, %dma_start3A_27, %dma_start3A_28] : memref<16x125x80xi32, #tpu.memory_space<hbm>> -> memref<1x125x80xi32, #tpu.memory_space<hbm>>
        %dma_start3A_30 = tpu.memref_squeeze %dma_start3A_29 : memref<1x125x80xi32, #tpu.memory_space<hbm>> -> memref<125x80xi32, #tpu.memory_space<hbm>>
        tpu.enqueue_dma source(%dma_start3A_30 : memref<125x80xi32, #tpu.memory_space<hbm>>) target(%arg8 : memref<125x80xi32, #tpu.memory_space<vmem>>) target_semaphore(%run_scoped3A : memref<!tpu.dma_semaphore, #tpu.memory_space<semaphore_mem>>)
        %dma_wait3A = arith.constant 0 : i32
        %dma_wait3A_31 = arith.constant 0 : i32
        %dma_wait3A_32 = tpu.memref_slice %arg2[%arg1, %dma_wait3A, %dma_wait3A_31] : memref<16x125x80xi32, #tpu.memory_space<hbm>> -> memref<1x125x80xi32, #tpu.memory_space<hbm>>
        %dma_wait3A_33 = tpu.memref_squeeze %dma_wait3A_32 : memref<1x125x80xi32, #tpu.memory_space<hbm>> -> memref<125x80xi32, #tpu.memory_space<hbm>>
        %dma_wait3A_34 = arith.constant 0 : i32
        %dma_wait3A_35 = arith.constant 0 : i32
        %dma_wait3A_36 = tpu.memref_slice %arg2[%arg1, %dma_wait3A_34, %dma_wait3A_35] : memref<16x125x80xi32, #tpu.memory_space<hbm>> -> memref<1x125x80xi32, #tpu.memory_space<hbm>>
        %dma_wait3A_37 = tpu.memref_squeeze %dma_wait3A_36 : memref<1x125x80xi32, #tpu.memory_space<hbm>> -> memref<125x80xi32, #tpu.memory_space<hbm>>
        tpu.wait_dma2 semaphore(%run_scoped3A : memref<!tpu.dma_semaphore, #tpu.memory_space<semaphore_mem>>) src(%dma_wait3A_37 : memref<125x80xi32, #tpu.memory_space<hbm>>) dst(%arg8 : memref<125x80xi32, #tpu.memory_space<vmem>>)
        tpu.yield
      }) : () -> ()
    } else {
    }
    %eq3A_3 = arith.constant 1 : i32
    %eq3A_4 = arith.cmpi eq, %arg0, %eq3A_3 : i32
    %convert_element_type3A_5 = arith.extui %eq3A_4 : i1 to i32
    %cond3A_6 = arith.constant 0 : i32
    %cond3A_7 = arith.cmpi ne, %convert_element_type3A_5, %cond3A_6 : i32
    scf.if %cond3A_7 {
      "tpu.region"() ({
        %run_scoped3A = tpu.sem_alloc : memref<!tpu.dma_semaphore, #tpu.memory_space<semaphore_mem>>
        %dma_start3A = arith.constant 0 : i32
        %dma_start3A_24 = arith.constant 0 : i32
        %dma_start3A_25 = tpu.memref_slice %arg3[%arg1, %dma_start3A, %dma_start3A_24] : memref<16x125x80xi32, #tpu.memory_space<hbm>> -> memref<1x125x80xi32, #tpu.memory_space<hbm>>
        %dma_start3A_26 = tpu.memref_squeeze %dma_start3A_25 : memref<1x125x80xi32, #tpu.memory_space<hbm>> -> memref<125x80xi32, #tpu.memory_space<hbm>>
        %dma_start3A_27 = arith.constant 0 : i32
        %dma_start3A_28 = arith.constant 0 : i32
        %dma_start3A_29 = tpu.memref_slice %arg3[%arg1, %dma_start3A_27, %dma_start3A_28] : memref<16x125x80xi32, #tpu.memory_space<hbm>> -> memref<1x125x80xi32, #tpu.memory_space<hbm>>
        %dma_start3A_30 = tpu.memref_squeeze %dma_start3A_29 : memref<1x125x80xi32, #tpu.memory_space<hbm>> -> memref<125x80xi32, #tpu.memory_space<hbm>>
        tpu.enqueue_dma source(%dma_start3A_30 : memref<125x80xi32, #tpu.memory_space<hbm>>) target(%arg8 : memref<125x80xi32, #tpu.memory_space<vmem>>) target_semaphore(%run_scoped3A : memref<!tpu.dma_semaphore, #tpu.memory_space<semaphore_mem>>)
        %dma_wait3A = arith.constant 0 : i32
        %dma_wait3A_31 = arith.constant 0 : i32
        %dma_wait3A_32 = tpu.memref_slice %arg3[%arg1, %dma_wait3A, %dma_wait3A_31] : memref<16x125x80xi32, #tpu.memory_space<hbm>> -> memref<1x125x80xi32, #tpu.memory_space<hbm>>
        %dma_wait3A_33 = tpu.memref_squeeze %dma_wait3A_32 : memref<1x125x80xi32, #tpu.memory_space<hbm>> -> memref<125x80xi32, #tpu.memory_space<hbm>>
        %dma_wait3A_34 = arith.constant 0 : i32
        %dma_wait3A_35 = arith.constant 0 : i32
        %dma_wait3A_36 = tpu.memref_slice %arg3[%arg1, %dma_wait3A_34, %dma_wait3A_35] : memref<16x125x80xi32, #tpu.memory_space<hbm>> -> memref<1x125x80xi32, #tpu.memory_space<hbm>>
        %dma_wait3A_37 = tpu.memref_squeeze %dma_wait3A_36 : memref<1x125x80xi32, #tpu.memory_space<hbm>> -> memref<125x80xi32, #tpu.memory_space<hbm>>
        tpu.wait_dma2 semaphore(%run_scoped3A : memref<!tpu.dma_semaphore, #tpu.memory_space<semaphore_mem>>) src(%dma_wait3A_37 : memref<125x80xi32, #tpu.memory_space<hbm>>) dst(%arg8 : memref<125x80xi32, #tpu.memory_space<vmem>>)
        tpu.yield
      }) : () -> ()
    } else {
    }
    %scan3A = arith.constant 0 : i32
    %scan3A_8 = arith.constant 0 : i32
    %scan3A_9 = arith.constant 125 : i32
    %scan3A_10 = arith.addi %scan3A_8, %scan3A_9 : i32
    %scan3A_11 = arith.constant 1 : i32
    scf.for %scan3A_24 = %scan3A_8 to %scan3A_10 step %scan3A_11  : i32 {
      "tpu.region"() ({
        %run_scoped3A = tpu.sem_alloc : memref<!tpu.dma_semaphore, #tpu.memory_space<semaphore_mem>>
        %dma_start3A = arith.constant 0 : i32
        %dma_start3A_25 = tpu.memref_slice %arg8[%scan3A_24, %dma_start3A] : memref<125x80xi32, #tpu.memory_space<vmem>> -> memref<1x80xi32, #tpu.memory_space<vmem>>
        %dma_start3A_26 = tpu.memref_squeeze %dma_start3A_25 : memref<1x80xi32, #tpu.memory_space<vmem>> -> memref<80xi32, #tpu.memory_space<vmem>>
        %dma_start3A_27 = arith.constant 0 : i32
        %dma_start3A_28 = tpu.memref_slice %arg11[%dma_start3A_27] : memref<10240xf32, #tpu.memory_space<vmem_shared>> -> memref<10240xf32, #tpu.memory_space<vmem_shared>>
        tpu.enqueue_indirect_dma source(%arg9 : memref<80xf32, #tpu.memory_space<vmem>>) target(%dma_start3A_28 : memref<10240xf32, #tpu.memory_space<vmem_shared>>) offsets(%dma_start3A_26 : memref<80xi32, #tpu.memory_space<vmem>>) semaphore(%run_scoped3A : memref<!tpu.dma_semaphore, #tpu.memory_space<semaphore_mem>>) {add = true}
        %dma_wait3A = arith.constant 0 : i32
        %dma_wait3A_29 = tpu.memref_slice %arg8[%scan3A_24, %dma_wait3A] : memref<125x80xi32, #tpu.memory_space<vmem>> -> memref<1x80xi32, #tpu.memory_space<vmem>>
        %dma_wait3A_30 = tpu.memref_squeeze %dma_wait3A_29 : memref<1x80xi32, #tpu.memory_space<vmem>> -> memref<80xi32, #tpu.memory_space<vmem>>
        %dma_wait3A_31 = arith.constant 0 : i32
        %dma_wait3A_32 = tpu.memref_slice %arg11[%dma_wait3A_31] : memref<10240xf32, #tpu.memory_space<vmem_shared>> -> memref<10240xf32, #tpu.memory_space<vmem_shared>>
        tpu.wait_indirect_dma semaphore(%run_scoped3A : memref<!tpu.dma_semaphore, #tpu.memory_space<semaphore_mem>>) src(%arg9 : memref<80xf32, #tpu.memory_space<vmem>>) dst(%dma_wait3A_32 : memref<10240xf32, #tpu.memory_space<vmem_shared>>)
        tpu.yield
      }) : () -> ()
    }
    %scan3A_12 = arith.constant 125 : i32
    %barrier3A_13 = arith.constant 0 : index
    tpu.barrier barrier_id(%barrier3A_13)
    "tpu.region"() ({
      %run_scoped3A = tpu.sem_alloc : memref<!tpu.dma_semaphore, #tpu.memory_space<semaphore_mem>>
      %dma_start3A = tpu.memref_slice %arg11[%mul3A_0] : memref<10240xf32, #tpu.memory_space<vmem_shared>> -> memref<640xf32, #tpu.memory_space<vmem_shared>>
      %dma_start3A_24 = tpu.memref_slice %arg11[%mul3A_0] : memref<10240xf32, #tpu.memory_space<vmem_shared>> -> memref<640xf32, #tpu.memory_space<vmem_shared>>
      tpu.enqueue_dma source(%dma_start3A_24 : memref<640xf32, #tpu.memory_space<vmem_shared>>) target(%arg10 : memref<640xf32, #tpu.memory_space<vmem>>) target_semaphore(%run_scoped3A : memref<!tpu.dma_semaphore, #tpu.memory_space<semaphore_mem>>)
      %dma_wait3A = tpu.memref_slice %arg11[%mul3A_0] : memref<10240xf32, #tpu.memory_space<vmem_shared>> -> memref<640xf32, #tpu.memory_space<vmem_shared>>
      %dma_wait3A_25 = tpu.memref_slice %arg11[%mul3A_0] : memref<10240xf32, #tpu.memory_space<vmem_shared>> -> memref<640xf32, #tpu.memory_space<vmem_shared>>
      tpu.wait_dma2 semaphore(%run_scoped3A : memref<!tpu.dma_semaphore, #tpu.memory_space<semaphore_mem>>) src(%dma_wait3A_25 : memref<640xf32, #tpu.memory_space<vmem_shared>>) dst(%arg10 : memref<640xf32, #tpu.memory_space<vmem>>)
      tpu.yield
    }) : () -> ()
    %eq3A_14 = arith.constant 0 : i32
    %eq3A_15 = arith.cmpi eq, %arg0, %eq3A_14 : i32
    %convert_element_type3A_16 = arith.extui %eq3A_15 : i1 to i32
    %cond3A_17 = arith.constant 0 : i32
    %cond3A_18 = arith.cmpi ne, %convert_element_type3A_16, %cond3A_17 : i32
    scf.if %cond3A_18 {
      "tpu.region"() ({
        %run_scoped3A = tpu.sem_alloc : memref<!tpu.dma_semaphore, #tpu.memory_space<semaphore_mem>>
        %dma_start3A = tpu.memref_slice %arg6[%mul3A_0] : memref<10240xf32, #tpu.memory_space<hbm>> -> memref<640xf32, #tpu.memory_space<hbm>>
        %dma_start3A_24 = tpu.memref_slice %arg6[%mul3A_0] : memref<10240xf32, #tpu.memory_space<hbm>> -> memref<640xf32, #tpu.memory_space<hbm>>
        tpu.enqueue_dma source(%arg10 : memref<640xf32, #tpu.memory_space<vmem>>) target(%dma_start3A_24 : memref<640xf32, #tpu.memory_space<hbm>>) target_semaphore(%run_scoped3A : memref<!tpu.dma_semaphore, #tpu.memory_space<semaphore_mem>>)
        %dma_wait3A = tpu.memref_slice %arg6[%mul3A_0] : memref<10240xf32, #tpu.memory_space<hbm>> -> memref<640xf32, #tpu.memory_space<hbm>>
        %dma_wait3A_25 = tpu.memref_slice %arg6[%mul3A_0] : memref<10240xf32, #tpu.memory_space<hbm>> -> memref<640xf32, #tpu.memory_space<hbm>>
        tpu.wait_dma2 semaphore(%run_scoped3A : memref<!tpu.dma_semaphore, #tpu.memory_space<semaphore_mem>>) src(%arg10 : memref<640xf32, #tpu.memory_space<vmem>>) dst(%dma_wait3A_25 : memref<640xf32, #tpu.memory_space<hbm>>)
        tpu.yield
      }) : () -> ()
    } else {
    }
    %eq3A_19 = arith.constant 1 : i32
    %eq3A_20 = arith.cmpi eq, %arg0, %eq3A_19 : i32
    %convert_element_type3A_21 = arith.extui %eq3A_20 : i1 to i32
    %cond3A_22 = arith.constant 0 : i32
    %cond3A_23 = arith.cmpi ne, %convert_element_type3A_21, %cond3A_22 : i32
    scf.if %cond3A_23 {
      "tpu.region"() ({
        %run_scoped3A = tpu.sem_alloc : memref<!tpu.dma_semaphore, #tpu.memory_space<semaphore_mem>>
        %dma_start3A = tpu.memref_slice %arg7[%mul3A_0] : memref<10240xf32, #tpu.memory_space<hbm>> -> memref<640xf32, #tpu.memory_space<hbm>>
        %dma_start3A_24 = tpu.memref_slice %arg7[%mul3A_0] : memref<10240xf32, #tpu.memory_space<hbm>> -> memref<640xf32, #tpu.memory_space<hbm>>
        tpu.enqueue_dma source(%arg10 : memref<640xf32, #tpu.memory_space<vmem>>) target(%dma_start3A_24 : memref<640xf32, #tpu.memory_space<hbm>>) target_semaphore(%run_scoped3A : memref<!tpu.dma_semaphore, #tpu.memory_space<semaphore_mem>>)
        %dma_wait3A = tpu.memref_slice %arg7[%mul3A_0] : memref<10240xf32, #tpu.memory_space<hbm>> -> memref<640xf32, #tpu.memory_space<hbm>>
        %dma_wait3A_25 = tpu.memref_slice %arg7[%mul3A_0] : memref<10240xf32, #tpu.memory_space<hbm>> -> memref<640xf32, #tpu.memory_space<hbm>>
        tpu.wait_dma2 semaphore(%run_scoped3A : memref<!tpu.dma_semaphore, #tpu.memory_space<semaphore_mem>>) src(%arg10 : memref<640xf32, #tpu.memory_space<vmem>>) dst(%dma_wait3A_25 : memref<640xf32, #tpu.memory_space<hbm>>)
        tpu.yield
      }) : () -> ()
    } else {
    }
    return
  }
}

#map = affine_map<(d0, d1) -> (0, 0)>
#map1 = affine_map<(d0, d1) -> (0, 0, 0)>
module attributes {stable_mosaic.version = 14 : i64} {
  func.func @_sc_agg_body(%arg0: i32, %arg1: i32, %arg2: memref<10000x128xf32, #tpu.memory_space<hbm>>, %arg3: memref<10000x128xf32, #tpu.memory_space<hbm>>, %arg4: memref<16x125x80xi32, #tpu.memory_space<hbm>>, %arg5: memref<16x125x80xi32, #tpu.memory_space<hbm>>, %arg6: memref<128x128xf32, #tpu.memory_space<hbm>>, %arg7: memref<10240x128xf32, #tpu.memory_space<hbm>>, %arg8: memref<10240x128xf32, #tpu.memory_space<hbm>>, %arg9: memref<125x80xi32, #tpu.memory_space<vmem>>, %arg10: memref<125x80xi32, #tpu.memory_space<vmem>>, %arg11: memref<80x128xf32, #tpu.memory_space<vmem>>, %arg12: memref<128x128xf32, #tpu.memory_space<vmem>>, %arg13: memref<10240x128xf32, #tpu.memory_space<vmem_shared>>) attributes {dimension_semantics = [#tpu.dimension_semantics<core_parallel>, #tpu.dimension_semantics<subcore_parallel>], iteration_bounds = array<i64: 2, 16>, scalar_prefetch = 0 : i64, scratch_operands = 5 : i64, tpu.core_type = #tpu.core_type<sc_vector_subcore>, window_params = [{transform_indices = #map}, {transform_indices = #map}, {transform_indices = #map1}, {transform_indices = #map1}, {transform_indices = #map}, {transform_indices = #map}, {transform_indices = #map}]} {
    %mul3A = arith.constant 640 : i32
    %mul3A_0 = arith.muli %arg1, %mul3A : i32
    "tpu.region"() ({
      %run_scoped3A = tpu.sem_alloc : memref<!tpu.dma_semaphore, #tpu.memory_space<semaphore_mem>>
      tpu.enqueue_dma source(%arg6 : memref<128x128xf32, #tpu.memory_space<hbm>>) target(%arg12 : memref<128x128xf32, #tpu.memory_space<vmem>>) target_semaphore(%run_scoped3A : memref<!tpu.dma_semaphore, #tpu.memory_space<semaphore_mem>>)
      tpu.wait_dma2 semaphore(%run_scoped3A : memref<!tpu.dma_semaphore, #tpu.memory_space<semaphore_mem>>) src(%arg6 : memref<128x128xf32, #tpu.memory_space<hbm>>) dst(%arg12 : memref<128x128xf32, #tpu.memory_space<vmem>>)
      tpu.yield
    }) : () -> ()
    %add3A = arith.constant 0 : i32
    %add3A_1 = arith.addi %mul3A_0, %add3A : i32
    "tpu.region"() ({
      %run_scoped3A = tpu.sem_alloc : memref<!tpu.dma_semaphore, #tpu.memory_space<semaphore_mem>>
      %dma_start3A = arith.constant 0 : i32
      %dma_start3A_28 = tpu.memref_slice %arg13[%add3A_1, %dma_start3A] : memref<10240x128xf32, #tpu.memory_space<vmem_shared>> -> memref<128x128xf32, #tpu.memory_space<vmem_shared>>
      %dma_start3A_29 = arith.constant 0 : i32
      %dma_start3A_30 = tpu.memref_slice %arg13[%add3A_1, %dma_start3A_29] : memref<10240x128xf32, #tpu.memory_space<vmem_shared>> -> memref<128x128xf32, #tpu.memory_space<vmem_shared>>
      tpu.enqueue_dma source(%arg12 : memref<128x128xf32, #tpu.memory_space<vmem>>) target(%dma_start3A_30 : memref<128x128xf32, #tpu.memory_space<vmem_shared>>) target_semaphore(%run_scoped3A : memref<!tpu.dma_semaphore, #tpu.memory_space<semaphore_mem>>)
      %dma_wait3A = arith.constant 0 : i32
      %dma_wait3A_31 = tpu.memref_slice %arg13[%add3A_1, %dma_wait3A] : memref<10240x128xf32, #tpu.memory_space<vmem_shared>> -> memref<128x128xf32, #tpu.memory_space<vmem_shared>>
      %dma_wait3A_32 = arith.constant 0 : i32
      %dma_wait3A_33 = tpu.memref_slice %arg13[%add3A_1, %dma_wait3A_32] : memref<10240x128xf32, #tpu.memory_space<vmem_shared>> -> memref<128x128xf32, #tpu.memory_space<vmem_shared>>
      tpu.wait_dma2 semaphore(%run_scoped3A : memref<!tpu.dma_semaphore, #tpu.memory_space<semaphore_mem>>) src(%arg12 : memref<128x128xf32, #tpu.memory_space<vmem>>) dst(%dma_wait3A_33 : memref<128x128xf32, #tpu.memory_space<vmem_shared>>)
      tpu.yield
    }) : () -> ()
    %add3A_2 = arith.constant 128 : i32
    %add3A_3 = arith.addi %mul3A_0, %add3A_2 : i32
    "tpu.region"() ({
      %run_scoped3A = tpu.sem_alloc : memref<!tpu.dma_semaphore, #tpu.memory_space<semaphore_mem>>
      %dma_start3A = arith.constant 0 : i32
      %dma_start3A_28 = tpu.memref_slice %arg13[%add3A_3, %dma_start3A] : memref<10240x128xf32, #tpu.memory_space<vmem_shared>> -> memref<128x128xf32, #tpu.memory_space<vmem_shared>>
      %dma_start3A_29 = arith.constant 0 : i32
      %dma_start3A_30 = tpu.memref_slice %arg13[%add3A_3, %dma_start3A_29] : memref<10240x128xf32, #tpu.memory_space<vmem_shared>> -> memref<128x128xf32, #tpu.memory_space<vmem_shared>>
      tpu.enqueue_dma source(%arg12 : memref<128x128xf32, #tpu.memory_space<vmem>>) target(%dma_start3A_30 : memref<128x128xf32, #tpu.memory_space<vmem_shared>>) target_semaphore(%run_scoped3A : memref<!tpu.dma_semaphore, #tpu.memory_space<semaphore_mem>>)
      %dma_wait3A = arith.constant 0 : i32
      %dma_wait3A_31 = tpu.memref_slice %arg13[%add3A_3, %dma_wait3A] : memref<10240x128xf32, #tpu.memory_space<vmem_shared>> -> memref<128x128xf32, #tpu.memory_space<vmem_shared>>
      %dma_wait3A_32 = arith.constant 0 : i32
      %dma_wait3A_33 = tpu.memref_slice %arg13[%add3A_3, %dma_wait3A_32] : memref<10240x128xf32, #tpu.memory_space<vmem_shared>> -> memref<128x128xf32, #tpu.memory_space<vmem_shared>>
      tpu.wait_dma2 semaphore(%run_scoped3A : memref<!tpu.dma_semaphore, #tpu.memory_space<semaphore_mem>>) src(%arg12 : memref<128x128xf32, #tpu.memory_space<vmem>>) dst(%dma_wait3A_33 : memref<128x128xf32, #tpu.memory_space<vmem_shared>>)
      tpu.yield
    }) : () -> ()
    %add3A_4 = arith.constant 256 : i32
    %add3A_5 = arith.addi %mul3A_0, %add3A_4 : i32
    "tpu.region"() ({
      %run_scoped3A = tpu.sem_alloc : memref<!tpu.dma_semaphore, #tpu.memory_space<semaphore_mem>>
      %dma_start3A = arith.constant 0 : i32
      %dma_start3A_28 = tpu.memref_slice %arg13[%add3A_5, %dma_start3A] : memref<10240x128xf32, #tpu.memory_space<vmem_shared>> -> memref<128x128xf32, #tpu.memory_space<vmem_shared>>
      %dma_start3A_29 = arith.constant 0 : i32
      %dma_start3A_30 = tpu.memref_slice %arg13[%add3A_5, %dma_start3A_29] : memref<10240x128xf32, #tpu.memory_space<vmem_shared>> -> memref<128x128xf32, #tpu.memory_space<vmem_shared>>
      tpu.enqueue_dma source(%arg12 : memref<128x128xf32, #tpu.memory_space<vmem>>) target(%dma_start3A_30 : memref<128x128xf32, #tpu.memory_space<vmem_shared>>) target_semaphore(%run_scoped3A : memref<!tpu.dma_semaphore, #tpu.memory_space<semaphore_mem>>)
      %dma_wait3A = arith.constant 0 : i32
      %dma_wait3A_31 = tpu.memref_slice %arg13[%add3A_5, %dma_wait3A] : memref<10240x128xf32, #tpu.memory_space<vmem_shared>> -> memref<128x128xf32, #tpu.memory_space<vmem_shared>>
      %dma_wait3A_32 = arith.constant 0 : i32
      %dma_wait3A_33 = tpu.memref_slice %arg13[%add3A_5, %dma_wait3A_32] : memref<10240x128xf32, #tpu.memory_space<vmem_shared>> -> memref<128x128xf32, #tpu.memory_space<vmem_shared>>
      tpu.wait_dma2 semaphore(%run_scoped3A : memref<!tpu.dma_semaphore, #tpu.memory_space<semaphore_mem>>) src(%arg12 : memref<128x128xf32, #tpu.memory_space<vmem>>) dst(%dma_wait3A_33 : memref<128x128xf32, #tpu.memory_space<vmem_shared>>)
      tpu.yield
    }) : () -> ()
    %add3A_6 = arith.constant 384 : i32
    %add3A_7 = arith.addi %mul3A_0, %add3A_6 : i32
    "tpu.region"() ({
      %run_scoped3A = tpu.sem_alloc : memref<!tpu.dma_semaphore, #tpu.memory_space<semaphore_mem>>
      %dma_start3A = arith.constant 0 : i32
      %dma_start3A_28 = tpu.memref_slice %arg13[%add3A_7, %dma_start3A] : memref<10240x128xf32, #tpu.memory_space<vmem_shared>> -> memref<128x128xf32, #tpu.memory_space<vmem_shared>>
      %dma_start3A_29 = arith.constant 0 : i32
      %dma_start3A_30 = tpu.memref_slice %arg13[%add3A_7, %dma_start3A_29] : memref<10240x128xf32, #tpu.memory_space<vmem_shared>> -> memref<128x128xf32, #tpu.memory_space<vmem_shared>>
      tpu.enqueue_dma source(%arg12 : memref<128x128xf32, #tpu.memory_space<vmem>>) target(%dma_start3A_30 : memref<128x128xf32, #tpu.memory_space<vmem_shared>>) target_semaphore(%run_scoped3A : memref<!tpu.dma_semaphore, #tpu.memory_space<semaphore_mem>>)
      %dma_wait3A = arith.constant 0 : i32
      %dma_wait3A_31 = tpu.memref_slice %arg13[%add3A_7, %dma_wait3A] : memref<10240x128xf32, #tpu.memory_space<vmem_shared>> -> memref<128x128xf32, #tpu.memory_space<vmem_shared>>
      %dma_wait3A_32 = arith.constant 0 : i32
      %dma_wait3A_33 = tpu.memref_slice %arg13[%add3A_7, %dma_wait3A_32] : memref<10240x128xf32, #tpu.memory_space<vmem_shared>> -> memref<128x128xf32, #tpu.memory_space<vmem_shared>>
      tpu.wait_dma2 semaphore(%run_scoped3A : memref<!tpu.dma_semaphore, #tpu.memory_space<semaphore_mem>>) src(%arg12 : memref<128x128xf32, #tpu.memory_space<vmem>>) dst(%dma_wait3A_33 : memref<128x128xf32, #tpu.memory_space<vmem_shared>>)
      tpu.yield
    }) : () -> ()
    %add3A_8 = arith.constant 512 : i32
    %add3A_9 = arith.addi %mul3A_0, %add3A_8 : i32
    "tpu.region"() ({
      %run_scoped3A = tpu.sem_alloc : memref<!tpu.dma_semaphore, #tpu.memory_space<semaphore_mem>>
      %dma_start3A = arith.constant 0 : i32
      %dma_start3A_28 = tpu.memref_slice %arg13[%add3A_9, %dma_start3A] : memref<10240x128xf32, #tpu.memory_space<vmem_shared>> -> memref<128x128xf32, #tpu.memory_space<vmem_shared>>
      %dma_start3A_29 = arith.constant 0 : i32
      %dma_start3A_30 = tpu.memref_slice %arg13[%add3A_9, %dma_start3A_29] : memref<10240x128xf32, #tpu.memory_space<vmem_shared>> -> memref<128x128xf32, #tpu.memory_space<vmem_shared>>
      tpu.enqueue_dma source(%arg12 : memref<128x128xf32, #tpu.memory_space<vmem>>) target(%dma_start3A_30 : memref<128x128xf32, #tpu.memory_space<vmem_shared>>) target_semaphore(%run_scoped3A : memref<!tpu.dma_semaphore, #tpu.memory_space<semaphore_mem>>)
      %dma_wait3A = arith.constant 0 : i32
      %dma_wait3A_31 = tpu.memref_slice %arg13[%add3A_9, %dma_wait3A] : memref<10240x128xf32, #tpu.memory_space<vmem_shared>> -> memref<128x128xf32, #tpu.memory_space<vmem_shared>>
      %dma_wait3A_32 = arith.constant 0 : i32
      %dma_wait3A_33 = tpu.memref_slice %arg13[%add3A_9, %dma_wait3A_32] : memref<10240x128xf32, #tpu.memory_space<vmem_shared>> -> memref<128x128xf32, #tpu.memory_space<vmem_shared>>
      tpu.wait_dma2 semaphore(%run_scoped3A : memref<!tpu.dma_semaphore, #tpu.memory_space<semaphore_mem>>) src(%arg12 : memref<128x128xf32, #tpu.memory_space<vmem>>) dst(%dma_wait3A_33 : memref<128x128xf32, #tpu.memory_space<vmem_shared>>)
      tpu.yield
    }) : () -> ()
    %barrier3A = arith.constant 0 : index
    tpu.barrier barrier_id(%barrier3A)
    "tpu.region"() ({
      %run_scoped3A = tpu.sem_alloc : memref<!tpu.dma_semaphore, #tpu.memory_space<semaphore_mem>>
      %dma_start3A = arith.constant 0 : i32
      %dma_start3A_28 = arith.constant 0 : i32
      %dma_start3A_29 = tpu.memref_slice %arg4[%arg1, %dma_start3A, %dma_start3A_28] : memref<16x125x80xi32, #tpu.memory_space<hbm>> -> memref<1x125x80xi32, #tpu.memory_space<hbm>>
      %dma_start3A_30 = tpu.memref_squeeze %dma_start3A_29 : memref<1x125x80xi32, #tpu.memory_space<hbm>> -> memref<125x80xi32, #tpu.memory_space<hbm>>
      %dma_start3A_31 = arith.constant 0 : i32
      %dma_start3A_32 = arith.constant 0 : i32
      %dma_start3A_33 = tpu.memref_slice %arg4[%arg1, %dma_start3A_31, %dma_start3A_32] : memref<16x125x80xi32, #tpu.memory_space<hbm>> -> memref<1x125x80xi32, #tpu.memory_space<hbm>>
      %dma_start3A_34 = tpu.memref_squeeze %dma_start3A_33 : memref<1x125x80xi32, #tpu.memory_space<hbm>> -> memref<125x80xi32, #tpu.memory_space<hbm>>
      tpu.enqueue_dma source(%dma_start3A_34 : memref<125x80xi32, #tpu.memory_space<hbm>>) target(%arg9 : memref<125x80xi32, #tpu.memory_space<vmem>>) target_semaphore(%run_scoped3A : memref<!tpu.dma_semaphore, #tpu.memory_space<semaphore_mem>>)
      %dma_wait3A = arith.constant 0 : i32
      %dma_wait3A_35 = arith.constant 0 : i32
      %dma_wait3A_36 = tpu.memref_slice %arg4[%arg1, %dma_wait3A, %dma_wait3A_35] : memref<16x125x80xi32, #tpu.memory_space<hbm>> -> memref<1x125x80xi32, #tpu.memory_space<hbm>>
      %dma_wait3A_37 = tpu.memref_squeeze %dma_wait3A_36 : memref<1x125x80xi32, #tpu.memory_space<hbm>> -> memref<125x80xi32, #tpu.memory_space<hbm>>
      %dma_wait3A_38 = arith.constant 0 : i32
      %dma_wait3A_39 = arith.constant 0 : i32
      %dma_wait3A_40 = tpu.memref_slice %arg4[%arg1, %dma_wait3A_38, %dma_wait3A_39] : memref<16x125x80xi32, #tpu.memory_space<hbm>> -> memref<1x125x80xi32, #tpu.memory_space<hbm>>
      %dma_wait3A_41 = tpu.memref_squeeze %dma_wait3A_40 : memref<1x125x80xi32, #tpu.memory_space<hbm>> -> memref<125x80xi32, #tpu.memory_space<hbm>>
      tpu.wait_dma2 semaphore(%run_scoped3A : memref<!tpu.dma_semaphore, #tpu.memory_space<semaphore_mem>>) src(%dma_wait3A_41 : memref<125x80xi32, #tpu.memory_space<hbm>>) dst(%arg9 : memref<125x80xi32, #tpu.memory_space<vmem>>)
      tpu.yield
    }) : () -> ()
    "tpu.region"() ({
      %run_scoped3A = tpu.sem_alloc : memref<!tpu.dma_semaphore, #tpu.memory_space<semaphore_mem>>
      %dma_start3A = arith.constant 0 : i32
      %dma_start3A_28 = arith.constant 0 : i32
      %dma_start3A_29 = tpu.memref_slice %arg5[%arg1, %dma_start3A, %dma_start3A_28] : memref<16x125x80xi32, #tpu.memory_space<hbm>> -> memref<1x125x80xi32, #tpu.memory_space<hbm>>
      %dma_start3A_30 = tpu.memref_squeeze %dma_start3A_29 : memref<1x125x80xi32, #tpu.memory_space<hbm>> -> memref<125x80xi32, #tpu.memory_space<hbm>>
      %dma_start3A_31 = arith.constant 0 : i32
      %dma_start3A_32 = arith.constant 0 : i32
      %dma_start3A_33 = tpu.memref_slice %arg5[%arg1, %dma_start3A_31, %dma_start3A_32] : memref<16x125x80xi32, #tpu.memory_space<hbm>> -> memref<1x125x80xi32, #tpu.memory_space<hbm>>
      %dma_start3A_34 = tpu.memref_squeeze %dma_start3A_33 : memref<1x125x80xi32, #tpu.memory_space<hbm>> -> memref<125x80xi32, #tpu.memory_space<hbm>>
      tpu.enqueue_dma source(%dma_start3A_34 : memref<125x80xi32, #tpu.memory_space<hbm>>) target(%arg10 : memref<125x80xi32, #tpu.memory_space<vmem>>) target_semaphore(%run_scoped3A : memref<!tpu.dma_semaphore, #tpu.memory_space<semaphore_mem>>)
      %dma_wait3A = arith.constant 0 : i32
      %dma_wait3A_35 = arith.constant 0 : i32
      %dma_wait3A_36 = tpu.memref_slice %arg5[%arg1, %dma_wait3A, %dma_wait3A_35] : memref<16x125x80xi32, #tpu.memory_space<hbm>> -> memref<1x125x80xi32, #tpu.memory_space<hbm>>
      %dma_wait3A_37 = tpu.memref_squeeze %dma_wait3A_36 : memref<1x125x80xi32, #tpu.memory_space<hbm>> -> memref<125x80xi32, #tpu.memory_space<hbm>>
      %dma_wait3A_38 = arith.constant 0 : i32
      %dma_wait3A_39 = arith.constant 0 : i32
      %dma_wait3A_40 = tpu.memref_slice %arg5[%arg1, %dma_wait3A_38, %dma_wait3A_39] : memref<16x125x80xi32, #tpu.memory_space<hbm>> -> memref<1x125x80xi32, #tpu.memory_space<hbm>>
      %dma_wait3A_41 = tpu.memref_squeeze %dma_wait3A_40 : memref<1x125x80xi32, #tpu.memory_space<hbm>> -> memref<125x80xi32, #tpu.memory_space<hbm>>
      tpu.wait_dma2 semaphore(%run_scoped3A : memref<!tpu.dma_semaphore, #tpu.memory_space<semaphore_mem>>) src(%dma_wait3A_41 : memref<125x80xi32, #tpu.memory_space<hbm>>) dst(%arg10 : memref<125x80xi32, #tpu.memory_space<vmem>>)
      tpu.yield
    }) : () -> ()
    %eq3A = arith.constant 0 : i32
    %eq3A_10 = arith.cmpi eq, %arg0, %eq3A : i32
    %convert_element_type3A = arith.extui %eq3A_10 : i1 to i32
    %cond3A = arith.constant 0 : i32
    %cond3A_11 = arith.cmpi ne, %convert_element_type3A, %cond3A : i32
    scf.if %cond3A_11 {
      %scan3A = arith.constant 0 : i32
      %scan3A_28 = arith.constant 0 : i32
      %scan3A_29 = arith.constant 125 : i32
      %scan3A_30 = arith.addi %scan3A_28, %scan3A_29 : i32
      %scan3A_31 = arith.constant 1 : i32
      scf.for %scan3A_33 = %scan3A_28 to %scan3A_30 step %scan3A_31  : i32 {
        "tpu.region"() ({
          %run_scoped3A = tpu.sem_alloc : memref<!tpu.dma_semaphore, #tpu.memory_space<semaphore_mem>>
          %dma_start3A = arith.constant 0 : i32
          %dma_start3A_34 = tpu.memref_slice %arg9[%scan3A_33, %dma_start3A] : memref<125x80xi32, #tpu.memory_space<vmem>> -> memref<1x80xi32, #tpu.memory_space<vmem>>
          %dma_start3A_35 = tpu.memref_squeeze %dma_start3A_34 : memref<1x80xi32, #tpu.memory_space<vmem>> -> memref<80xi32, #tpu.memory_space<vmem>>
          %dma_start3A_36 = arith.constant 0 : i32
          %dma_start3A_37 = arith.constant 0 : i32
          %dma_start3A_38 = tpu.memref_slice %arg2[%dma_start3A_36, %dma_start3A_37] : memref<10000x128xf32, #tpu.memory_space<hbm>> -> memref<10000x128xf32, #tpu.memory_space<hbm>>
          tpu.enqueue_indirect_dma source(%dma_start3A_38 : memref<10000x128xf32, #tpu.memory_space<hbm>>) target(%arg11 : memref<80x128xf32, #tpu.memory_space<vmem>>) offsets(%dma_start3A_35 : memref<80xi32, #tpu.memory_space<vmem>>) semaphore(%run_scoped3A : memref<!tpu.dma_semaphore, #tpu.memory_space<semaphore_mem>>)
          %dma_wait3A = arith.constant 0 : i32
          %dma_wait3A_39 = tpu.memref_slice %arg9[%scan3A_33, %dma_wait3A] : memref<125x80xi32, #tpu.memory_space<vmem>> -> memref<1x80xi32, #tpu.memory_space<vmem>>
          %dma_wait3A_40 = tpu.memref_squeeze %dma_wait3A_39 : memref<1x80xi32, #tpu.memory_space<vmem>> -> memref<80xi32, #tpu.memory_space<vmem>>
          %dma_wait3A_41 = arith.constant 0 : i32
          %dma_wait3A_42 = arith.constant 0 : i32
          %dma_wait3A_43 = tpu.memref_slice %arg2[%dma_wait3A_41, %dma_wait3A_42] : memref<10000x128xf32, #tpu.memory_space<hbm>> -> memref<10000x128xf32, #tpu.memory_space<hbm>>
          tpu.wait_indirect_dma semaphore(%run_scoped3A : memref<!tpu.dma_semaphore, #tpu.memory_space<semaphore_mem>>) src(%dma_wait3A_43 : memref<10000x128xf32, #tpu.memory_space<hbm>>) dst(%arg11 : memref<80x128xf32, #tpu.memory_space<vmem>>)
          tpu.yield
        }) : () -> ()
        "tpu.region"() ({
          %run_scoped3A = tpu.sem_alloc : memref<!tpu.dma_semaphore, #tpu.memory_space<semaphore_mem>>
          %dma_start3A = arith.constant 0 : i32
          %dma_start3A_34 = tpu.memref_slice %arg10[%scan3A_33, %dma_start3A] : memref<125x80xi32, #tpu.memory_space<vmem>> -> memref<1x80xi32, #tpu.memory_space<vmem>>
          %dma_start3A_35 = tpu.memref_squeeze %dma_start3A_34 : memref<1x80xi32, #tpu.memory_space<vmem>> -> memref<80xi32, #tpu.memory_space<vmem>>
          %dma_start3A_36 = arith.constant 0 : i32
          %dma_start3A_37 = arith.constant 0 : i32
          %dma_start3A_38 = tpu.memref_slice %arg13[%dma_start3A_36, %dma_start3A_37] : memref<10240x128xf32, #tpu.memory_space<vmem_shared>> -> memref<10240x128xf32, #tpu.memory_space<vmem_shared>>
          tpu.enqueue_indirect_dma source(%arg11 : memref<80x128xf32, #tpu.memory_space<vmem>>) target(%dma_start3A_38 : memref<10240x128xf32, #tpu.memory_space<vmem_shared>>) offsets(%dma_start3A_35 : memref<80xi32, #tpu.memory_space<vmem>>) semaphore(%run_scoped3A : memref<!tpu.dma_semaphore, #tpu.memory_space<semaphore_mem>>) {add = true}
          %dma_wait3A = arith.constant 0 : i32
          %dma_wait3A_39 = tpu.memref_slice %arg10[%scan3A_33, %dma_wait3A] : memref<125x80xi32, #tpu.memory_space<vmem>> -> memref<1x80xi32, #tpu.memory_space<vmem>>
          %dma_wait3A_40 = tpu.memref_squeeze %dma_wait3A_39 : memref<1x80xi32, #tpu.memory_space<vmem>> -> memref<80xi32, #tpu.memory_space<vmem>>
          %dma_wait3A_41 = arith.constant 0 : i32
          %dma_wait3A_42 = arith.constant 0 : i32
          %dma_wait3A_43 = tpu.memref_slice %arg13[%dma_wait3A_41, %dma_wait3A_42] : memref<10240x128xf32, #tpu.memory_space<vmem_shared>> -> memref<10240x128xf32, #tpu.memory_space<vmem_shared>>
          tpu.wait_indirect_dma semaphore(%run_scoped3A : memref<!tpu.dma_semaphore, #tpu.memory_space<semaphore_mem>>) src(%arg11 : memref<80x128xf32, #tpu.memory_space<vmem>>) dst(%dma_wait3A_43 : memref<10240x128xf32, #tpu.memory_space<vmem_shared>>)
          tpu.yield
        }) : () -> ()
      }
      %scan3A_32 = arith.constant 125 : i32
    } else {
    }
    %eq3A_12 = arith.constant 1 : i32
    %eq3A_13 = arith.cmpi eq, %arg0, %eq3A_12 : i32
    %convert_element_type3A_14 = arith.extui %eq3A_13 : i1 to i32
    %cond3A_15 = arith.constant 0 : i32
    %cond3A_16 = arith.cmpi ne, %convert_element_type3A_14, %cond3A_15 : i32
    scf.if %cond3A_16 {
      %scan3A = arith.constant 0 : i32
      %scan3A_28 = arith.constant 0 : i32
      %scan3A_29 = arith.constant 125 : i32
      %scan3A_30 = arith.addi %scan3A_28, %scan3A_29 : i32
      %scan3A_31 = arith.constant 1 : i32
      scf.for %scan3A_33 = %scan3A_28 to %scan3A_30 step %scan3A_31  : i32 {
        "tpu.region"() ({
          %run_scoped3A = tpu.sem_alloc : memref<!tpu.dma_semaphore, #tpu.memory_space<semaphore_mem>>
          %dma_start3A = arith.constant 0 : i32
          %dma_start3A_34 = tpu.memref_slice %arg9[%scan3A_33, %dma_start3A] : memref<125x80xi32, #tpu.memory_space<vmem>> -> memref<1x80xi32, #tpu.memory_space<vmem>>
          %dma_start3A_35 = tpu.memref_squeeze %dma_start3A_34 : memref<1x80xi32, #tpu.memory_space<vmem>> -> memref<80xi32, #tpu.memory_space<vmem>>
          %dma_start3A_36 = arith.constant 0 : i32
          %dma_start3A_37 = arith.constant 0 : i32
          %dma_start3A_38 = tpu.memref_slice %arg3[%dma_start3A_36, %dma_start3A_37] : memref<10000x128xf32, #tpu.memory_space<hbm>> -> memref<10000x128xf32, #tpu.memory_space<hbm>>
          tpu.enqueue_indirect_dma source(%dma_start3A_38 : memref<10000x128xf32, #tpu.memory_space<hbm>>) target(%arg11 : memref<80x128xf32, #tpu.memory_space<vmem>>) offsets(%dma_start3A_35 : memref<80xi32, #tpu.memory_space<vmem>>) semaphore(%run_scoped3A : memref<!tpu.dma_semaphore, #tpu.memory_space<semaphore_mem>>)
          %dma_wait3A = arith.constant 0 : i32
          %dma_wait3A_39 = tpu.memref_slice %arg9[%scan3A_33, %dma_wait3A] : memref<125x80xi32, #tpu.memory_space<vmem>> -> memref<1x80xi32, #tpu.memory_space<vmem>>
          %dma_wait3A_40 = tpu.memref_squeeze %dma_wait3A_39 : memref<1x80xi32, #tpu.memory_space<vmem>> -> memref<80xi32, #tpu.memory_space<vmem>>
          %dma_wait3A_41 = arith.constant 0 : i32
          %dma_wait3A_42 = arith.constant 0 : i32
          %dma_wait3A_43 = tpu.memref_slice %arg3[%dma_wait3A_41, %dma_wait3A_42] : memref<10000x128xf32, #tpu.memory_space<hbm>> -> memref<10000x128xf32, #tpu.memory_space<hbm>>
          tpu.wait_indirect_dma semaphore(%run_scoped3A : memref<!tpu.dma_semaphore, #tpu.memory_space<semaphore_mem>>) src(%dma_wait3A_43 : memref<10000x128xf32, #tpu.memory_space<hbm>>) dst(%arg11 : memref<80x128xf32, #tpu.memory_space<vmem>>)
          tpu.yield
        }) : () -> ()
        "tpu.region"() ({
          %run_scoped3A = tpu.sem_alloc : memref<!tpu.dma_semaphore, #tpu.memory_space<semaphore_mem>>
          %dma_start3A = arith.constant 0 : i32
          %dma_start3A_34 = tpu.memref_slice %arg10[%scan3A_33, %dma_start3A] : memref<125x80xi32, #tpu.memory_space<vmem>> -> memref<1x80xi32, #tpu.memory_space<vmem>>
          %dma_start3A_35 = tpu.memref_squeeze %dma_start3A_34 : memref<1x80xi32, #tpu.memory_space<vmem>> -> memref<80xi32, #tpu.memory_space<vmem>>
          %dma_start3A_36 = arith.constant 0 : i32
          %dma_start3A_37 = arith.constant 0 : i32
          %dma_start3A_38 = tpu.memref_slice %arg13[%dma_start3A_36, %dma_start3A_37] : memref<10240x128xf32, #tpu.memory_space<vmem_shared>> -> memref<10240x128xf32, #tpu.memory_space<vmem_shared>>
          tpu.enqueue_indirect_dma source(%arg11 : memref<80x128xf32, #tpu.memory_space<vmem>>) target(%dma_start3A_38 : memref<10240x128xf32, #tpu.memory_space<vmem_shared>>) offsets(%dma_start3A_35 : memref<80xi32, #tpu.memory_space<vmem>>) semaphore(%run_scoped3A : memref<!tpu.dma_semaphore, #tpu.memory_space<semaphore_mem>>) {add = true}
          %dma_wait3A = arith.constant 0 : i32
          %dma_wait3A_39 = tpu.memref_slice %arg10[%scan3A_33, %dma_wait3A] : memref<125x80xi32, #tpu.memory_space<vmem>> -> memref<1x80xi32, #tpu.memory_space<vmem>>
          %dma_wait3A_40 = tpu.memref_squeeze %dma_wait3A_39 : memref<1x80xi32, #tpu.memory_space<vmem>> -> memref<80xi32, #tpu.memory_space<vmem>>
          %dma_wait3A_41 = arith.constant 0 : i32
          %dma_wait3A_42 = arith.constant 0 : i32
          %dma_wait3A_43 = tpu.memref_slice %arg13[%dma_wait3A_41, %dma_wait3A_42] : memref<10240x128xf32, #tpu.memory_space<vmem_shared>> -> memref<10240x128xf32, #tpu.memory_space<vmem_shared>>
          tpu.wait_indirect_dma semaphore(%run_scoped3A : memref<!tpu.dma_semaphore, #tpu.memory_space<semaphore_mem>>) src(%arg11 : memref<80x128xf32, #tpu.memory_space<vmem>>) dst(%dma_wait3A_43 : memref<10240x128xf32, #tpu.memory_space<vmem_shared>>)
          tpu.yield
        }) : () -> ()
      }
      %scan3A_32 = arith.constant 125 : i32
    } else {
    }
    %barrier3A_17 = arith.constant 0 : index
    tpu.barrier barrier_id(%barrier3A_17)
    %eq3A_18 = arith.constant 0 : i32
    %eq3A_19 = arith.cmpi eq, %arg0, %eq3A_18 : i32
    %convert_element_type3A_20 = arith.extui %eq3A_19 : i1 to i32
    %cond3A_21 = arith.constant 0 : i32
    %cond3A_22 = arith.cmpi ne, %convert_element_type3A_20, %cond3A_21 : i32
    scf.if %cond3A_22 {
      %mul3A_28 = arith.constant 640 : i32
      %mul3A_29 = arith.muli %arg1, %mul3A_28 : i32
      %add3A_30 = arith.constant 0 : i32
      %add3A_31 = arith.addi %mul3A_29, %add3A_30 : i32
      "tpu.region"() ({
        %run_scoped3A = tpu.sem_alloc : memref<!tpu.dma_semaphore, #tpu.memory_space<semaphore_mem>>
        %dma_start3A = arith.constant 0 : i32
        %dma_start3A_50 = tpu.memref_slice %arg13[%add3A_31, %dma_start3A] : memref<10240x128xf32, #tpu.memory_space<vmem_shared>> -> memref<128x128xf32, #tpu.memory_space<vmem_shared>>
        %dma_start3A_51 = arith.constant 0 : i32
        %dma_start3A_52 = tpu.memref_slice %arg13[%add3A_31, %dma_start3A_51] : memref<10240x128xf32, #tpu.memory_space<vmem_shared>> -> memref<128x128xf32, #tpu.memory_space<vmem_shared>>
        tpu.enqueue_dma source(%dma_start3A_52 : memref<128x128xf32, #tpu.memory_space<vmem_shared>>) target(%arg12 : memref<128x128xf32, #tpu.memory_space<vmem>>) target_semaphore(%run_scoped3A : memref<!tpu.dma_semaphore, #tpu.memory_space<semaphore_mem>>)
        %dma_wait3A = arith.constant 0 : i32
        %dma_wait3A_53 = tpu.memref_slice %arg13[%add3A_31, %dma_wait3A] : memref<10240x128xf32, #tpu.memory_space<vmem_shared>> -> memref<128x128xf32, #tpu.memory_space<vmem_shared>>
        %dma_wait3A_54 = arith.constant 0 : i32
        %dma_wait3A_55 = tpu.memref_slice %arg13[%add3A_31, %dma_wait3A_54] : memref<10240x128xf32, #tpu.memory_space<vmem_shared>> -> memref<128x128xf32, #tpu.memory_space<vmem_shared>>
        tpu.wait_dma2 semaphore(%run_scoped3A : memref<!tpu.dma_semaphore, #tpu.memory_space<semaphore_mem>>) src(%dma_wait3A_55 : memref<128x128xf32, #tpu.memory_space<vmem_shared>>) dst(%arg12 : memref<128x128xf32, #tpu.memory_space<vmem>>)
        tpu.yield
      }) : () -> ()
      %add3A_32 = arith.constant 0 : i32
      %add3A_33 = arith.addi %mul3A_29, %add3A_32 : i32
      "tpu.region"() ({
        %run_scoped3A = tpu.sem_alloc : memref<!tpu.dma_semaphore, #tpu.memory_space<semaphore_mem>>
        %dma_start3A = arith.constant 0 : i32
        %dma_start3A_50 = tpu.memref_slice %arg7[%add3A_33, %dma_start3A] : memref<10240x128xf32, #tpu.memory_space<hbm>> -> memref<128x128xf32, #tpu.memory_space<hbm>>
        %dma_start3A_51 = arith.constant 0 : i32
        %dma_start3A_52 = tpu.memref_slice %arg7[%add3A_33, %dma_start3A_51] : memref<10240x128xf32, #tpu.memory_space<hbm>> -> memref<128x128xf32, #tpu.memory_space<hbm>>
        tpu.enqueue_dma source(%arg12 : memref<128x128xf32, #tpu.memory_space<vmem>>) target(%dma_start3A_52 : memref<128x128xf32, #tpu.memory_space<hbm>>) target_semaphore(%run_scoped3A : memref<!tpu.dma_semaphore, #tpu.memory_space<semaphore_mem>>)
        %dma_wait3A = arith.constant 0 : i32
        %dma_wait3A_53 = tpu.memref_slice %arg7[%add3A_33, %dma_wait3A] : memref<10240x128xf32, #tpu.memory_space<hbm>> -> memref<128x128xf32, #tpu.memory_space<hbm>>
        %dma_wait3A_54 = arith.constant 0 : i32
        %dma_wait3A_55 = tpu.memref_slice %arg7[%add3A_33, %dma_wait3A_54] : memref<10240x128xf32, #tpu.memory_space<hbm>> -> memref<128x128xf32, #tpu.memory_space<hbm>>
        tpu.wait_dma2 semaphore(%run_scoped3A : memref<!tpu.dma_semaphore, #tpu.memory_space<semaphore_mem>>) src(%arg12 : memref<128x128xf32, #tpu.memory_space<vmem>>) dst(%dma_wait3A_55 : memref<128x128xf32, #tpu.memory_space<hbm>>)
        tpu.yield
      }) : () -> ()
      %add3A_34 = arith.constant 128 : i32
      %add3A_35 = arith.addi %mul3A_29, %add3A_34 : i32
      "tpu.region"() ({
        %run_scoped3A = tpu.sem_alloc : memref<!tpu.dma_semaphore, #tpu.memory_space<semaphore_mem>>
        %dma_start3A = arith.constant 0 : i32
        %dma_start3A_50 = tpu.memref_slice %arg13[%add3A_35, %dma_start3A] : memref<10240x128xf32, #tpu.memory_space<vmem_shared>> -> memref<128x128xf32, #tpu.memory_space<vmem_shared>>
        %dma_start3A_51 = arith.constant 0 : i32
        %dma_start3A_52 = tpu.memref_slice %arg13[%add3A_35, %dma_start3A_51] : memref<10240x128xf32, #tpu.memory_space<vmem_shared>> -> memref<128x128xf32, #tpu.memory_space<vmem_shared>>
        tpu.enqueue_dma source(%dma_start3A_52 : memref<128x128xf32, #tpu.memory_space<vmem_shared>>) target(%arg12 : memref<128x128xf32, #tpu.memory_space<vmem>>) target_semaphore(%run_scoped3A : memref<!tpu.dma_semaphore, #tpu.memory_space<semaphore_mem>>)
        %dma_wait3A = arith.constant 0 : i32
        %dma_wait3A_53 = tpu.memref_slice %arg13[%add3A_35, %dma_wait3A] : memref<10240x128xf32, #tpu.memory_space<vmem_shared>> -> memref<128x128xf32, #tpu.memory_space<vmem_shared>>
        %dma_wait3A_54 = arith.constant 0 : i32
        %dma_wait3A_55 = tpu.memref_slice %arg13[%add3A_35, %dma_wait3A_54] : memref<10240x128xf32, #tpu.memory_space<vmem_shared>> -> memref<128x128xf32, #tpu.memory_space<vmem_shared>>
        tpu.wait_dma2 semaphore(%run_scoped3A : memref<!tpu.dma_semaphore, #tpu.memory_space<semaphore_mem>>) src(%dma_wait3A_55 : memref<128x128xf32, #tpu.memory_space<vmem_shared>>) dst(%arg12 : memref<128x128xf32, #tpu.memory_space<vmem>>)
        tpu.yield
      }) : () -> ()
      %add3A_36 = arith.constant 128 : i32
      %add3A_37 = arith.addi %mul3A_29, %add3A_36 : i32
      "tpu.region"() ({
        %run_scoped3A = tpu.sem_alloc : memref<!tpu.dma_semaphore, #tpu.memory_space<semaphore_mem>>
        %dma_start3A = arith.constant 0 : i32
        %dma_start3A_50 = tpu.memref_slice %arg7[%add3A_37, %dma_start3A] : memref<10240x128xf32, #tpu.memory_space<hbm>> -> memref<128x128xf32, #tpu.memory_space<hbm>>
        %dma_start3A_51 = arith.constant 0 : i32
        %dma_start3A_52 = tpu.memref_slice %arg7[%add3A_37, %dma_start3A_51] : memref<10240x128xf32, #tpu.memory_space<hbm>> -> memref<128x128xf32, #tpu.memory_space<hbm>>
        tpu.enqueue_dma source(%arg12 : memref<128x128xf32, #tpu.memory_space<vmem>>) target(%dma_start3A_52 : memref<128x128xf32, #tpu.memory_space<hbm>>) target_semaphore(%run_scoped3A : memref<!tpu.dma_semaphore, #tpu.memory_space<semaphore_mem>>)
        %dma_wait3A = arith.constant 0 : i32
        %dma_wait3A_53 = tpu.memref_slice %arg7[%add3A_37, %dma_wait3A] : memref<10240x128xf32, #tpu.memory_space<hbm>> -> memref<128x128xf32, #tpu.memory_space<hbm>>
        %dma_wait3A_54 = arith.constant 0 : i32
        %dma_wait3A_55 = tpu.memref_slice %arg7[%add3A_37, %dma_wait3A_54] : memref<10240x128xf32, #tpu.memory_space<hbm>> -> memref<128x128xf32, #tpu.memory_space<hbm>>
        tpu.wait_dma2 semaphore(%run_scoped3A : memref<!tpu.dma_semaphore, #tpu.memory_space<semaphore_mem>>) src(%arg12 : memref<128x128xf32, #tpu.memory_space<vmem>>) dst(%dma_wait3A_55 : memref<128x128xf32, #tpu.memory_space<hbm>>)
        tpu.yield
      }) : () -> ()
      %add3A_38 = arith.constant 256 : i32
      %add3A_39 = arith.addi %mul3A_29, %add3A_38 : i32
      "tpu.region"() ({
        %run_scoped3A = tpu.sem_alloc : memref<!tpu.dma_semaphore, #tpu.memory_space<semaphore_mem>>
        %dma_start3A = arith.constant 0 : i32
        %dma_start3A_50 = tpu.memref_slice %arg13[%add3A_39, %dma_start3A] : memref<10240x128xf32, #tpu.memory_space<vmem_shared>> -> memref<128x128xf32, #tpu.memory_space<vmem_shared>>
        %dma_start3A_51 = arith.constant 0 : i32
        %dma_start3A_52 = tpu.memref_slice %arg13[%add3A_39, %dma_start3A_51] : memref<10240x128xf32, #tpu.memory_space<vmem_shared>> -> memref<128x128xf32, #tpu.memory_space<vmem_shared>>
        tpu.enqueue_dma source(%dma_start3A_52 : memref<128x128xf32, #tpu.memory_space<vmem_shared>>) target(%arg12 : memref<128x128xf32, #tpu.memory_space<vmem>>) target_semaphore(%run_scoped3A : memref<!tpu.dma_semaphore, #tpu.memory_space<semaphore_mem>>)
        %dma_wait3A = arith.constant 0 : i32
        %dma_wait3A_53 = tpu.memref_slice %arg13[%add3A_39, %dma_wait3A] : memref<10240x128xf32, #tpu.memory_space<vmem_shared>> -> memref<128x128xf32, #tpu.memory_space<vmem_shared>>
        %dma_wait3A_54 = arith.constant 0 : i32
        %dma_wait3A_55 = tpu.memref_slice %arg13[%add3A_39, %dma_wait3A_54] : memref<10240x128xf32, #tpu.memory_space<vmem_shared>> -> memref<128x128xf32, #tpu.memory_space<vmem_shared>>
        tpu.wait_dma2 semaphore(%run_scoped3A : memref<!tpu.dma_semaphore, #tpu.memory_space<semaphore_mem>>) src(%dma_wait3A_55 : memref<128x128xf32, #tpu.memory_space<vmem_shared>>) dst(%arg12 : memref<128x128xf32, #tpu.memory_space<vmem>>)
        tpu.yield
      }) : () -> ()
      %add3A_40 = arith.constant 256 : i32
      %add3A_41 = arith.addi %mul3A_29, %add3A_40 : i32
      "tpu.region"() ({
        %run_scoped3A = tpu.sem_alloc : memref<!tpu.dma_semaphore, #tpu.memory_space<semaphore_mem>>
        %dma_start3A = arith.constant 0 : i32
        %dma_start3A_50 = tpu.memref_slice %arg7[%add3A_41, %dma_start3A] : memref<10240x128xf32, #tpu.memory_space<hbm>> -> memref<128x128xf32, #tpu.memory_space<hbm>>
        %dma_start3A_51 = arith.constant 0 : i32
        %dma_start3A_52 = tpu.memref_slice %arg7[%add3A_41, %dma_start3A_51] : memref<10240x128xf32, #tpu.memory_space<hbm>> -> memref<128x128xf32, #tpu.memory_space<hbm>>
        tpu.enqueue_dma source(%arg12 : memref<128x128xf32, #tpu.memory_space<vmem>>) target(%dma_start3A_52 : memref<128x128xf32, #tpu.memory_space<hbm>>) target_semaphore(%run_scoped3A : memref<!tpu.dma_semaphore, #tpu.memory_space<semaphore_mem>>)
        %dma_wait3A = arith.constant 0 : i32
        %dma_wait3A_53 = tpu.memref_slice %arg7[%add3A_41, %dma_wait3A] : memref<10240x128xf32, #tpu.memory_space<hbm>> -> memref<128x128xf32, #tpu.memory_space<hbm>>
        %dma_wait3A_54 = arith.constant 0 : i32
        %dma_wait3A_55 = tpu.memref_slice %arg7[%add3A_41, %dma_wait3A_54] : memref<10240x128xf32, #tpu.memory_space<hbm>> -> memref<128x128xf32, #tpu.memory_space<hbm>>
        tpu.wait_dma2 semaphore(%run_scoped3A : memref<!tpu.dma_semaphore, #tpu.memory_space<semaphore_mem>>) src(%arg12 : memref<128x128xf32, #tpu.memory_space<vmem>>) dst(%dma_wait3A_55 : memref<128x128xf32, #tpu.memory_space<hbm>>)
        tpu.yield
      }) : () -> ()
      %add3A_42 = arith.constant 384 : i32
      %add3A_43 = arith.addi %mul3A_29, %add3A_42 : i32
      "tpu.region"() ({
        %run_scoped3A = tpu.sem_alloc : memref<!tpu.dma_semaphore, #tpu.memory_space<semaphore_mem>>
        %dma_start3A = arith.constant 0 : i32
        %dma_start3A_50 = tpu.memref_slice %arg13[%add3A_43, %dma_start3A] : memref<10240x128xf32, #tpu.memory_space<vmem_shared>> -> memref<128x128xf32, #tpu.memory_space<vmem_shared>>
        %dma_start3A_51 = arith.constant 0 : i32
        %dma_start3A_52 = tpu.memref_slice %arg13[%add3A_43, %dma_start3A_51] : memref<10240x128xf32, #tpu.memory_space<vmem_shared>> -> memref<128x128xf32, #tpu.memory_space<vmem_shared>>
        tpu.enqueue_dma source(%dma_start3A_52 : memref<128x128xf32, #tpu.memory_space<vmem_shared>>) target(%arg12 : memref<128x128xf32, #tpu.memory_space<vmem>>) target_semaphore(%run_scoped3A : memref<!tpu.dma_semaphore, #tpu.memory_space<semaphore_mem>>)
        %dma_wait3A = arith.constant 0 : i32
        %dma_wait3A_53 = tpu.memref_slice %arg13[%add3A_43, %dma_wait3A] : memref<10240x128xf32, #tpu.memory_space<vmem_shared>> -> memref<128x128xf32, #tpu.memory_space<vmem_shared>>
        %dma_wait3A_54 = arith.constant 0 : i32
        %dma_wait3A_55 = tpu.memref_slice %arg13[%add3A_43, %dma_wait3A_54] : memref<10240x128xf32, #tpu.memory_space<vmem_shared>> -> memref<128x128xf32, #tpu.memory_space<vmem_shared>>
        tpu.wait_dma2 semaphore(%run_scoped3A : memref<!tpu.dma_semaphore, #tpu.memory_space<semaphore_mem>>) src(%dma_wait3A_55 : memref<128x128xf32, #tpu.memory_space<vmem_shared>>) dst(%arg12 : memref<128x128xf32, #tpu.memory_space<vmem>>)
        tpu.yield
      }) : () -> ()
      %add3A_44 = arith.constant 384 : i32
      %add3A_45 = arith.addi %mul3A_29, %add3A_44 : i32
      "tpu.region"() ({
        %run_scoped3A = tpu.sem_alloc : memref<!tpu.dma_semaphore, #tpu.memory_space<semaphore_mem>>
        %dma_start3A = arith.constant 0 : i32
        %dma_start3A_50 = tpu.memref_slice %arg7[%add3A_45, %dma_start3A] : memref<10240x128xf32, #tpu.memory_space<hbm>> -> memref<128x128xf32, #tpu.memory_space<hbm>>
        %dma_start3A_51 = arith.constant 0 : i32
        %dma_start3A_52 = tpu.memref_slice %arg7[%add3A_45, %dma_start3A_51] : memref<10240x128xf32, #tpu.memory_space<hbm>> -> memref<128x128xf32, #tpu.memory_space<hbm>>
        tpu.enqueue_dma source(%arg12 : memref<128x128xf32, #tpu.memory_space<vmem>>) target(%dma_start3A_52 : memref<128x128xf32, #tpu.memory_space<hbm>>) target_semaphore(%run_scoped3A : memref<!tpu.dma_semaphore, #tpu.memory_space<semaphore_mem>>)
        %dma_wait3A = arith.constant 0 : i32
        %dma_wait3A_53 = tpu.memref_slice %arg7[%add3A_45, %dma_wait3A] : memref<10240x128xf32, #tpu.memory_space<hbm>> -> memref<128x128xf32, #tpu.memory_space<hbm>>
        %dma_wait3A_54 = arith.constant 0 : i32
        %dma_wait3A_55 = tpu.memref_slice %arg7[%add3A_45, %dma_wait3A_54] : memref<10240x128xf32, #tpu.memory_space<hbm>> -> memref<128x128xf32, #tpu.memory_space<hbm>>
        tpu.wait_dma2 semaphore(%run_scoped3A : memref<!tpu.dma_semaphore, #tpu.memory_space<semaphore_mem>>) src(%arg12 : memref<128x128xf32, #tpu.memory_space<vmem>>) dst(%dma_wait3A_55 : memref<128x128xf32, #tpu.memory_space<hbm>>)
        tpu.yield
      }) : () -> ()
      %add3A_46 = arith.constant 512 : i32
      %add3A_47 = arith.addi %mul3A_29, %add3A_46 : i32
      "tpu.region"() ({
        %run_scoped3A = tpu.sem_alloc : memref<!tpu.dma_semaphore, #tpu.memory_space<semaphore_mem>>
        %dma_start3A = arith.constant 0 : i32
        %dma_start3A_50 = tpu.memref_slice %arg13[%add3A_47, %dma_start3A] : memref<10240x128xf32, #tpu.memory_space<vmem_shared>> -> memref<128x128xf32, #tpu.memory_space<vmem_shared>>
        %dma_start3A_51 = arith.constant 0 : i32
        %dma_start3A_52 = tpu.memref_slice %arg13[%add3A_47, %dma_start3A_51] : memref<10240x128xf32, #tpu.memory_space<vmem_shared>> -> memref<128x128xf32, #tpu.memory_space<vmem_shared>>
        tpu.enqueue_dma source(%dma_start3A_52 : memref<128x128xf32, #tpu.memory_space<vmem_shared>>) target(%arg12 : memref<128x128xf32, #tpu.memory_space<vmem>>) target_semaphore(%run_scoped3A : memref<!tpu.dma_semaphore, #tpu.memory_space<semaphore_mem>>)
        %dma_wait3A = arith.constant 0 : i32
        %dma_wait3A_53 = tpu.memref_slice %arg13[%add3A_47, %dma_wait3A] : memref<10240x128xf32, #tpu.memory_space<vmem_shared>> -> memref<128x128xf32, #tpu.memory_space<vmem_shared>>
        %dma_wait3A_54 = arith.constant 0 : i32
        %dma_wait3A_55 = tpu.memref_slice %arg13[%add3A_47, %dma_wait3A_54] : memref<10240x128xf32, #tpu.memory_space<vmem_shared>> -> memref<128x128xf32, #tpu.memory_space<vmem_shared>>
        tpu.wait_dma2 semaphore(%run_scoped3A : memref<!tpu.dma_semaphore, #tpu.memory_space<semaphore_mem>>) src(%dma_wait3A_55 : memref<128x128xf32, #tpu.memory_space<vmem_shared>>) dst(%arg12 : memref<128x128xf32, #tpu.memory_space<vmem>>)
        tpu.yield
      }) : () -> ()
      %add3A_48 = arith.constant 512 : i32
      %add3A_49 = arith.addi %mul3A_29, %add3A_48 : i32
      "tpu.region"() ({
        %run_scoped3A = tpu.sem_alloc : memref<!tpu.dma_semaphore, #tpu.memory_space<semaphore_mem>>
        %dma_start3A = arith.constant 0 : i32
        %dma_start3A_50 = tpu.memref_slice %arg7[%add3A_49, %dma_start3A] : memref<10240x128xf32, #tpu.memory_space<hbm>> -> memref<128x128xf32, #tpu.memory_space<hbm>>
        %dma_start3A_51 = arith.constant 0 : i32
        %dma_start3A_52 = tpu.memref_slice %arg7[%add3A_49, %dma_start3A_51] : memref<10240x128xf32, #tpu.memory_space<hbm>> -> memref<128x128xf32, #tpu.memory_space<hbm>>
        tpu.enqueue_dma source(%arg12 : memref<128x128xf32, #tpu.memory_space<vmem>>) target(%dma_start3A_52 : memref<128x128xf32, #tpu.memory_space<hbm>>) target_semaphore(%run_scoped3A : memref<!tpu.dma_semaphore, #tpu.memory_space<semaphore_mem>>)
        %dma_wait3A = arith.constant 0 : i32
        %dma_wait3A_53 = tpu.memref_slice %arg7[%add3A_49, %dma_wait3A] : memref<10240x128xf32, #tpu.memory_space<hbm>> -> memref<128x128xf32, #tpu.memory_space<hbm>>
        %dma_wait3A_54 = arith.constant 0 : i32
        %dma_wait3A_55 = tpu.memref_slice %arg7[%add3A_49, %dma_wait3A_54] : memref<10240x128xf32, #tpu.memory_space<hbm>> -> memref<128x128xf32, #tpu.memory_space<hbm>>
        tpu.wait_dma2 semaphore(%run_scoped3A : memref<!tpu.dma_semaphore, #tpu.memory_space<semaphore_mem>>) src(%arg12 : memref<128x128xf32, #tpu.memory_space<vmem>>) dst(%dma_wait3A_55 : memref<128x128xf32, #tpu.memory_space<hbm>>)
        tpu.yield
      }) : () -> ()
    } else {
    }
    %eq3A_23 = arith.constant 1 : i32
    %eq3A_24 = arith.cmpi eq, %arg0, %eq3A_23 : i32
    %convert_element_type3A_25 = arith.extui %eq3A_24 : i1 to i32
    %cond3A_26 = arith.constant 0 : i32
    %cond3A_27 = arith.cmpi ne, %convert_element_type3A_25, %cond3A_26 : i32
    scf.if %cond3A_27 {
      %mul3A_28 = arith.constant 640 : i32
      %mul3A_29 = arith.muli %arg1, %mul3A_28 : i32
      %add3A_30 = arith.constant 0 : i32
      %add3A_31 = arith.addi %mul3A_29, %add3A_30 : i32
      "tpu.region"() ({
        %run_scoped3A = tpu.sem_alloc : memref<!tpu.dma_semaphore, #tpu.memory_space<semaphore_mem>>
        %dma_start3A = arith.constant 0 : i32
        %dma_start3A_50 = tpu.memref_slice %arg13[%add3A_31, %dma_start3A] : memref<10240x128xf32, #tpu.memory_space<vmem_shared>> -> memref<128x128xf32, #tpu.memory_space<vmem_shared>>
        %dma_start3A_51 = arith.constant 0 : i32
        %dma_start3A_52 = tpu.memref_slice %arg13[%add3A_31, %dma_start3A_51] : memref<10240x128xf32, #tpu.memory_space<vmem_shared>> -> memref<128x128xf32, #tpu.memory_space<vmem_shared>>
        tpu.enqueue_dma source(%dma_start3A_52 : memref<128x128xf32, #tpu.memory_space<vmem_shared>>) target(%arg12 : memref<128x128xf32, #tpu.memory_space<vmem>>) target_semaphore(%run_scoped3A : memref<!tpu.dma_semaphore, #tpu.memory_space<semaphore_mem>>)
        %dma_wait3A = arith.constant 0 : i32
        %dma_wait3A_53 = tpu.memref_slice %arg13[%add3A_31, %dma_wait3A] : memref<10240x128xf32, #tpu.memory_space<vmem_shared>> -> memref<128x128xf32, #tpu.memory_space<vmem_shared>>
        %dma_wait3A_54 = arith.constant 0 : i32
        %dma_wait3A_55 = tpu.memref_slice %arg13[%add3A_31, %dma_wait3A_54] : memref<10240x128xf32, #tpu.memory_space<vmem_shared>> -> memref<128x128xf32, #tpu.memory_space<vmem_shared>>
        tpu.wait_dma2 semaphore(%run_scoped3A : memref<!tpu.dma_semaphore, #tpu.memory_space<semaphore_mem>>) src(%dma_wait3A_55 : memref<128x128xf32, #tpu.memory_space<vmem_shared>>) dst(%arg12 : memref<128x128xf32, #tpu.memory_space<vmem>>)
        tpu.yield
      }) : () -> ()
      %add3A_32 = arith.constant 0 : i32
      %add3A_33 = arith.addi %mul3A_29, %add3A_32 : i32
      "tpu.region"() ({
        %run_scoped3A = tpu.sem_alloc : memref<!tpu.dma_semaphore, #tpu.memory_space<semaphore_mem>>
        %dma_start3A = arith.constant 0 : i32
        %dma_start3A_50 = tpu.memref_slice %arg8[%add3A_33, %dma_start3A] : memref<10240x128xf32, #tpu.memory_space<hbm>> -> memref<128x128xf32, #tpu.memory_space<hbm>>
        %dma_start3A_51 = arith.constant 0 : i32
        %dma_start3A_52 = tpu.memref_slice %arg8[%add3A_33, %dma_start3A_51] : memref<10240x128xf32, #tpu.memory_space<hbm>> -> memref<128x128xf32, #tpu.memory_space<hbm>>
        tpu.enqueue_dma source(%arg12 : memref<128x128xf32, #tpu.memory_space<vmem>>) target(%dma_start3A_52 : memref<128x128xf32, #tpu.memory_space<hbm>>) target_semaphore(%run_scoped3A : memref<!tpu.dma_semaphore, #tpu.memory_space<semaphore_mem>>)
        %dma_wait3A = arith.constant 0 : i32
        %dma_wait3A_53 = tpu.memref_slice %arg8[%add3A_33, %dma_wait3A] : memref<10240x128xf32, #tpu.memory_space<hbm>> -> memref<128x128xf32, #tpu.memory_space<hbm>>
        %dma_wait3A_54 = arith.constant 0 : i32
        %dma_wait3A_55 = tpu.memref_slice %arg8[%add3A_33, %dma_wait3A_54] : memref<10240x128xf32, #tpu.memory_space<hbm>> -> memref<128x128xf32, #tpu.memory_space<hbm>>
        tpu.wait_dma2 semaphore(%run_scoped3A : memref<!tpu.dma_semaphore, #tpu.memory_space<semaphore_mem>>) src(%arg12 : memref<128x128xf32, #tpu.memory_space<vmem>>) dst(%dma_wait3A_55 : memref<128x128xf32, #tpu.memory_space<hbm>>)
        tpu.yield
      }) : () -> ()
      %add3A_34 = arith.constant 128 : i32
      %add3A_35 = arith.addi %mul3A_29, %add3A_34 : i32
      "tpu.region"() ({
        %run_scoped3A = tpu.sem_alloc : memref<!tpu.dma_semaphore, #tpu.memory_space<semaphore_mem>>
        %dma_start3A = arith.constant 0 : i32
        %dma_start3A_50 = tpu.memref_slice %arg13[%add3A_35, %dma_start3A] : memref<10240x128xf32, #tpu.memory_space<vmem_shared>> -> memref<128x128xf32, #tpu.memory_space<vmem_shared>>
        %dma_start3A_51 = arith.constant 0 : i32
        %dma_start3A_52 = tpu.memref_slice %arg13[%add3A_35, %dma_start3A_51] : memref<10240x128xf32, #tpu.memory_space<vmem_shared>> -> memref<128x128xf32, #tpu.memory_space<vmem_shared>>
        tpu.enqueue_dma source(%dma_start3A_52 : memref<128x128xf32, #tpu.memory_space<vmem_shared>>) target(%arg12 : memref<128x128xf32, #tpu.memory_space<vmem>>) target_semaphore(%run_scoped3A : memref<!tpu.dma_semaphore, #tpu.memory_space<semaphore_mem>>)
        %dma_wait3A = arith.constant 0 : i32
        %dma_wait3A_53 = tpu.memref_slice %arg13[%add3A_35, %dma_wait3A] : memref<10240x128xf32, #tpu.memory_space<vmem_shared>> -> memref<128x128xf32, #tpu.memory_space<vmem_shared>>
        %dma_wait3A_54 = arith.constant 0 : i32
        %dma_wait3A_55 = tpu.memref_slice %arg13[%add3A_35, %dma_wait3A_54] : memref<10240x128xf32, #tpu.memory_space<vmem_shared>> -> memref<128x128xf32, #tpu.memory_space<vmem_shared>>
        tpu.wait_dma2 semaphore(%run_scoped3A : memref<!tpu.dma_semaphore, #tpu.memory_space<semaphore_mem>>) src(%dma_wait3A_55 : memref<128x128xf32, #tpu.memory_space<vmem_shared>>) dst(%arg12 : memref<128x128xf32, #tpu.memory_space<vmem>>)
        tpu.yield
      }) : () -> ()
      %add3A_36 = arith.constant 128 : i32
      %add3A_37 = arith.addi %mul3A_29, %add3A_36 : i32
      "tpu.region"() ({
        %run_scoped3A = tpu.sem_alloc : memref<!tpu.dma_semaphore, #tpu.memory_space<semaphore_mem>>
        %dma_start3A = arith.constant 0 : i32
        %dma_start3A_50 = tpu.memref_slice %arg8[%add3A_37, %dma_start3A] : memref<10240x128xf32, #tpu.memory_space<hbm>> -> memref<128x128xf32, #tpu.memory_space<hbm>>
        %dma_start3A_51 = arith.constant 0 : i32
        %dma_start3A_52 = tpu.memref_slice %arg8[%add3A_37, %dma_start3A_51] : memref<10240x128xf32, #tpu.memory_space<hbm>> -> memref<128x128xf32, #tpu.memory_space<hbm>>
        tpu.enqueue_dma source(%arg12 : memref<128x128xf32, #tpu.memory_space<vmem>>) target(%dma_start3A_52 : memref<128x128xf32, #tpu.memory_space<hbm>>) target_semaphore(%run_scoped3A : memref<!tpu.dma_semaphore, #tpu.memory_space<semaphore_mem>>)
        %dma_wait3A = arith.constant 0 : i32
        %dma_wait3A_53 = tpu.memref_slice %arg8[%add3A_37, %dma_wait3A] : memref<10240x128xf32, #tpu.memory_space<hbm>> -> memref<128x128xf32, #tpu.memory_space<hbm>>
        %dma_wait3A_54 = arith.constant 0 : i32
        %dma_wait3A_55 = tpu.memref_slice %arg8[%add3A_37, %dma_wait3A_54] : memref<10240x128xf32, #tpu.memory_space<hbm>> -> memref<128x128xf32, #tpu.memory_space<hbm>>
        tpu.wait_dma2 semaphore(%run_scoped3A : memref<!tpu.dma_semaphore, #tpu.memory_space<semaphore_mem>>) src(%arg12 : memref<128x128xf32, #tpu.memory_space<vmem>>) dst(%dma_wait3A_55 : memref<128x128xf32, #tpu.memory_space<hbm>>)
        tpu.yield
      }) : () -> ()
      %add3A_38 = arith.constant 256 : i32
      %add3A_39 = arith.addi %mul3A_29, %add3A_38 : i32
      "tpu.region"() ({
        %run_scoped3A = tpu.sem_alloc : memref<!tpu.dma_semaphore, #tpu.memory_space<semaphore_mem>>
        %dma_start3A = arith.constant 0 : i32
        %dma_start3A_50 = tpu.memref_slice %arg13[%add3A_39, %dma_start3A] : memref<10240x128xf32, #tpu.memory_space<vmem_shared>> -> memref<128x128xf32, #tpu.memory_space<vmem_shared>>
        %dma_start3A_51 = arith.constant 0 : i32
        %dma_start3A_52 = tpu.memref_slice %arg13[%add3A_39, %dma_start3A_51] : memref<10240x128xf32, #tpu.memory_space<vmem_shared>> -> memref<128x128xf32, #tpu.memory_space<vmem_shared>>
        tpu.enqueue_dma source(%dma_start3A_52 : memref<128x128xf32, #tpu.memory_space<vmem_shared>>) target(%arg12 : memref<128x128xf32, #tpu.memory_space<vmem>>) target_semaphore(%run_scoped3A : memref<!tpu.dma_semaphore, #tpu.memory_space<semaphore_mem>>)
        %dma_wait3A = arith.constant 0 : i32
        %dma_wait3A_53 = tpu.memref_slice %arg13[%add3A_39, %dma_wait3A] : memref<10240x128xf32, #tpu.memory_space<vmem_shared>> -> memref<128x128xf32, #tpu.memory_space<vmem_shared>>
        %dma_wait3A_54 = arith.constant 0 : i32
        %dma_wait3A_55 = tpu.memref_slice %arg13[%add3A_39, %dma_wait3A_54] : memref<10240x128xf32, #tpu.memory_space<vmem_shared>> -> memref<128x128xf32, #tpu.memory_space<vmem_shared>>
        tpu.wait_dma2 semaphore(%run_scoped3A : memref<!tpu.dma_semaphore, #tpu.memory_space<semaphore_mem>>) src(%dma_wait3A_55 : memref<128x128xf32, #tpu.memory_space<vmem_shared>>) dst(%arg12 : memref<128x128xf32, #tpu.memory_space<vmem>>)
        tpu.yield
      }) : () -> ()
      %add3A_40 = arith.constant 256 : i32
      %add3A_41 = arith.addi %mul3A_29, %add3A_40 : i32
      "tpu.region"() ({
        %run_scoped3A = tpu.sem_alloc : memref<!tpu.dma_semaphore, #tpu.memory_space<semaphore_mem>>
        %dma_start3A = arith.constant 0 : i32
        %dma_start3A_50 = tpu.memref_slice %arg8[%add3A_41, %dma_start3A] : memref<10240x128xf32, #tpu.memory_space<hbm>> -> memref<128x128xf32, #tpu.memory_space<hbm>>
        %dma_start3A_51 = arith.constant 0 : i32
        %dma_start3A_52 = tpu.memref_slice %arg8[%add3A_41, %dma_start3A_51] : memref<10240x128xf32, #tpu.memory_space<hbm>> -> memref<128x128xf32, #tpu.memory_space<hbm>>
        tpu.enqueue_dma source(%arg12 : memref<128x128xf32, #tpu.memory_space<vmem>>) target(%dma_start3A_52 : memref<128x128xf32, #tpu.memory_space<hbm>>) target_semaphore(%run_scoped3A : memref<!tpu.dma_semaphore, #tpu.memory_space<semaphore_mem>>)
        %dma_wait3A = arith.constant 0 : i32
        %dma_wait3A_53 = tpu.memref_slice %arg8[%add3A_41, %dma_wait3A] : memref<10240x128xf32, #tpu.memory_space<hbm>> -> memref<128x128xf32, #tpu.memory_space<hbm>>
        %dma_wait3A_54 = arith.constant 0 : i32
        %dma_wait3A_55 = tpu.memref_slice %arg8[%add3A_41, %dma_wait3A_54] : memref<10240x128xf32, #tpu.memory_space<hbm>> -> memref<128x128xf32, #tpu.memory_space<hbm>>
        tpu.wait_dma2 semaphore(%run_scoped3A : memref<!tpu.dma_semaphore, #tpu.memory_space<semaphore_mem>>) src(%arg12 : memref<128x128xf32, #tpu.memory_space<vmem>>) dst(%dma_wait3A_55 : memref<128x128xf32, #tpu.memory_space<hbm>>)
        tpu.yield
      }) : () -> ()
      %add3A_42 = arith.constant 384 : i32
      %add3A_43 = arith.addi %mul3A_29, %add3A_42 : i32
      "tpu.region"() ({
        %run_scoped3A = tpu.sem_alloc : memref<!tpu.dma_semaphore, #tpu.memory_space<semaphore_mem>>
        %dma_start3A = arith.constant 0 : i32
        %dma_start3A_50 = tpu.memref_slice %arg13[%add3A_43, %dma_start3A] : memref<10240x128xf32, #tpu.memory_space<vmem_shared>> -> memref<128x128xf32, #tpu.memory_space<vmem_shared>>
        %dma_start3A_51 = arith.constant 0 : i32
        %dma_start3A_52 = tpu.memref_slice %arg13[%add3A_43, %dma_start3A_51] : memref<10240x128xf32, #tpu.memory_space<vmem_shared>> -> memref<128x128xf32, #tpu.memory_space<vmem_shared>>
        tpu.enqueue_dma source(%dma_start3A_52 : memref<128x128xf32, #tpu.memory_space<vmem_shared>>) target(%arg12 : memref<128x128xf32, #tpu.memory_space<vmem>>) target_semaphore(%run_scoped3A : memref<!tpu.dma_semaphore, #tpu.memory_space<semaphore_mem>>)
        %dma_wait3A = arith.constant 0 : i32
        %dma_wait3A_53 = tpu.memref_slice %arg13[%add3A_43, %dma_wait3A] : memref<10240x128xf32, #tpu.memory_space<vmem_shared>> -> memref<128x128xf32, #tpu.memory_space<vmem_shared>>
        %dma_wait3A_54 = arith.constant 0 : i32
        %dma_wait3A_55 = tpu.memref_slice %arg13[%add3A_43, %dma_wait3A_54] : memref<10240x128xf32, #tpu.memory_space<vmem_shared>> -> memref<128x128xf32, #tpu.memory_space<vmem_shared>>
        tpu.wait_dma2 semaphore(%run_scoped3A : memref<!tpu.dma_semaphore, #tpu.memory_space<semaphore_mem>>) src(%dma_wait3A_55 : memref<128x128xf32, #tpu.memory_space<vmem_shared>>) dst(%arg12 : memref<128x128xf32, #tpu.memory_space<vmem>>)
        tpu.yield
      }) : () -> ()
      %add3A_44 = arith.constant 384 : i32
      %add3A_45 = arith.addi %mul3A_29, %add3A_44 : i32
      "tpu.region"() ({
        %run_scoped3A = tpu.sem_alloc : memref<!tpu.dma_semaphore, #tpu.memory_space<semaphore_mem>>
        %dma_start3A = arith.constant 0 : i32
        %dma_start3A_50 = tpu.memref_slice %arg8[%add3A_45, %dma_start3A] : memref<10240x128xf32, #tpu.memory_space<hbm>> -> memref<128x128xf32, #tpu.memory_space<hbm>>
        %dma_start3A_51 = arith.constant 0 : i32
        %dma_start3A_52 = tpu.memref_slice %arg8[%add3A_45, %dma_start3A_51] : memref<10240x128xf32, #tpu.memory_space<hbm>> -> memref<128x128xf32, #tpu.memory_space<hbm>>
        tpu.enqueue_dma source(%arg12 : memref<128x128xf32, #tpu.memory_space<vmem>>) target(%dma_start3A_52 : memref<128x128xf32, #tpu.memory_space<hbm>>) target_semaphore(%run_scoped3A : memref<!tpu.dma_semaphore, #tpu.memory_space<semaphore_mem>>)
        %dma_wait3A = arith.constant 0 : i32
        %dma_wait3A_53 = tpu.memref_slice %arg8[%add3A_45, %dma_wait3A] : memref<10240x128xf32, #tpu.memory_space<hbm>> -> memref<128x128xf32, #tpu.memory_space<hbm>>
        %dma_wait3A_54 = arith.constant 0 : i32
        %dma_wait3A_55 = tpu.memref_slice %arg8[%add3A_45, %dma_wait3A_54] : memref<10240x128xf32, #tpu.memory_space<hbm>> -> memref<128x128xf32, #tpu.memory_space<hbm>>
        tpu.wait_dma2 semaphore(%run_scoped3A : memref<!tpu.dma_semaphore, #tpu.memory_space<semaphore_mem>>) src(%arg12 : memref<128x128xf32, #tpu.memory_space<vmem>>) dst(%dma_wait3A_55 : memref<128x128xf32, #tpu.memory_space<hbm>>)
        tpu.yield
      }) : () -> ()
      %add3A_46 = arith.constant 512 : i32
      %add3A_47 = arith.addi %mul3A_29, %add3A_46 : i32
      "tpu.region"() ({
        %run_scoped3A = tpu.sem_alloc : memref<!tpu.dma_semaphore, #tpu.memory_space<semaphore_mem>>
        %dma_start3A = arith.constant 0 : i32
        %dma_start3A_50 = tpu.memref_slice %arg13[%add3A_47, %dma_start3A] : memref<10240x128xf32, #tpu.memory_space<vmem_shared>> -> memref<128x128xf32, #tpu.memory_space<vmem_shared>>
        %dma_start3A_51 = arith.constant 0 : i32
        %dma_start3A_52 = tpu.memref_slice %arg13[%add3A_47, %dma_start3A_51] : memref<10240x128xf32, #tpu.memory_space<vmem_shared>> -> memref<128x128xf32, #tpu.memory_space<vmem_shared>>
        tpu.enqueue_dma source(%dma_start3A_52 : memref<128x128xf32, #tpu.memory_space<vmem_shared>>) target(%arg12 : memref<128x128xf32, #tpu.memory_space<vmem>>) target_semaphore(%run_scoped3A : memref<!tpu.dma_semaphore, #tpu.memory_space<semaphore_mem>>)
        %dma_wait3A = arith.constant 0 : i32
        %dma_wait3A_53 = tpu.memref_slice %arg13[%add3A_47, %dma_wait3A] : memref<10240x128xf32, #tpu.memory_space<vmem_shared>> -> memref<128x128xf32, #tpu.memory_space<vmem_shared>>
        %dma_wait3A_54 = arith.constant 0 : i32
        %dma_wait3A_55 = tpu.memref_slice %arg13[%add3A_47, %dma_wait3A_54] : memref<10240x128xf32, #tpu.memory_space<vmem_shared>> -> memref<128x128xf32, #tpu.memory_space<vmem_shared>>
        tpu.wait_dma2 semaphore(%run_scoped3A : memref<!tpu.dma_semaphore, #tpu.memory_space<semaphore_mem>>) src(%dma_wait3A_55 : memref<128x128xf32, #tpu.memory_space<vmem_shared>>) dst(%arg12 : memref<128x128xf32, #tpu.memory_space<vmem>>)
        tpu.yield
      }) : () -> ()
      %add3A_48 = arith.constant 512 : i32
      %add3A_49 = arith.addi %mul3A_29, %add3A_48 : i32
      "tpu.region"() ({
        %run_scoped3A = tpu.sem_alloc : memref<!tpu.dma_semaphore, #tpu.memory_space<semaphore_mem>>
        %dma_start3A = arith.constant 0 : i32
        %dma_start3A_50 = tpu.memref_slice %arg8[%add3A_49, %dma_start3A] : memref<10240x128xf32, #tpu.memory_space<hbm>> -> memref<128x128xf32, #tpu.memory_space<hbm>>
        %dma_start3A_51 = arith.constant 0 : i32
        %dma_start3A_52 = tpu.memref_slice %arg8[%add3A_49, %dma_start3A_51] : memref<10240x128xf32, #tpu.memory_space<hbm>> -> memref<128x128xf32, #tpu.memory_space<hbm>>
        tpu.enqueue_dma source(%arg12 : memref<128x128xf32, #tpu.memory_space<vmem>>) target(%dma_start3A_52 : memref<128x128xf32, #tpu.memory_space<hbm>>) target_semaphore(%run_scoped3A : memref<!tpu.dma_semaphore, #tpu.memory_space<semaphore_mem>>)
        %dma_wait3A = arith.constant 0 : i32
        %dma_wait3A_53 = tpu.memref_slice %arg8[%add3A_49, %dma_wait3A] : memref<10240x128xf32, #tpu.memory_space<hbm>> -> memref<128x128xf32, #tpu.memory_space<hbm>>
        %dma_wait3A_54 = arith.constant 0 : i32
        %dma_wait3A_55 = tpu.memref_slice %arg8[%add3A_49, %dma_wait3A_54] : memref<10240x128xf32, #tpu.memory_space<hbm>> -> memref<128x128xf32, #tpu.memory_space<hbm>>
        tpu.wait_dma2 semaphore(%run_scoped3A : memref<!tpu.dma_semaphore, #tpu.memory_space<semaphore_mem>>) src(%arg12 : memref<128x128xf32, #tpu.memory_space<vmem>>) dst(%dma_wait3A_55 : memref<128x128xf32, #tpu.memory_space<hbm>>)
        tpu.yield
      }) : () -> ()
    } else {
    }
    return
  }
}

#map = affine_map<(d0, d1) -> (0, 0)>
#map1 = affine_map<(d0, d1) -> (0, 0, 0)>
module attributes {stable_mosaic.version = 14 : i64} {
  func.func @_sc23_body(%arg0: i32, %arg1: i32, %arg2: memref<10240x128xf32, #tpu.memory_space<hbm>>, %arg3: memref<10240x128xf32, #tpu.memory_space<hbm>>, %arg4: memref<16x125x80xi32, #tpu.memory_space<hbm>>, %arg5: memref<16x125x80xi32, #tpu.memory_space<hbm>>, %arg6: memref<16x125x80xi32, #tpu.memory_space<hbm>>, %arg7: memref<16x125x80xi32, #tpu.memory_space<hbm>>, %arg8: memref<128x128xf32, #tpu.memory_space<hbm>>, %arg9: memref<10240x128xf32, #tpu.memory_space<hbm>>, %arg10: memref<10240x128xf32, #tpu.memory_space<hbm>>, %arg11: memref<10240x128xf32, #tpu.memory_space<hbm>>, %arg12: memref<10240x128xf32, #tpu.memory_space<hbm>>, %arg13: memref<125x80xi32, #tpu.memory_space<vmem>>, %arg14: memref<125x80xi32, #tpu.memory_space<vmem>>, %arg15: memref<80x128xf32, #tpu.memory_space<vmem>>, %arg16: memref<128x128xf32, #tpu.memory_space<vmem>>, %arg17: memref<10240x128xf32, #tpu.memory_space<vmem_shared>>) attributes {dimension_semantics = [#tpu.dimension_semantics<core_parallel>, #tpu.dimension_semantics<subcore_parallel>], iteration_bounds = array<i64: 2, 16>, scalar_prefetch = 0 : i64, scratch_operands = 5 : i64, tpu.core_type = #tpu.core_type<sc_vector_subcore>, window_params = [{transform_indices = #map}, {transform_indices = #map}, {transform_indices = #map1}, {transform_indices = #map1}, {transform_indices = #map1}, {transform_indices = #map1}, {transform_indices = #map}, {transform_indices = #map}, {transform_indices = #map}, {transform_indices = #map}, {transform_indices = #map}]} {
    %mul3A = arith.constant 640 : i32
    %mul3A_0 = arith.muli %arg1, %mul3A : i32
    "tpu.region"() ({
      %run_scoped3A = tpu.sem_alloc : memref<!tpu.dma_semaphore, #tpu.memory_space<semaphore_mem>>
      tpu.enqueue_dma source(%arg8 : memref<128x128xf32, #tpu.memory_space<hbm>>) target(%arg16 : memref<128x128xf32, #tpu.memory_space<vmem>>) target_semaphore(%run_scoped3A : memref<!tpu.dma_semaphore, #tpu.memory_space<semaphore_mem>>)
      tpu.wait_dma2 semaphore(%run_scoped3A : memref<!tpu.dma_semaphore, #tpu.memory_space<semaphore_mem>>) src(%arg8 : memref<128x128xf32, #tpu.memory_space<hbm>>) dst(%arg16 : memref<128x128xf32, #tpu.memory_space<vmem>>)
      tpu.yield
    }) : () -> ()
    %add3A = arith.constant 0 : i32
    %add3A_1 = arith.addi %mul3A_0, %add3A : i32
    "tpu.region"() ({
      %run_scoped3A = tpu.sem_alloc : memref<!tpu.dma_semaphore, #tpu.memory_space<semaphore_mem>>
      %dma_start3A = arith.constant 0 : i32
      %dma_start3A_62 = tpu.memref_slice %arg17[%add3A_1, %dma_start3A] : memref<10240x128xf32, #tpu.memory_space<vmem_shared>> -> memref<128x128xf32, #tpu.memory_space<vmem_shared>>
      %dma_start3A_63 = arith.constant 0 : i32
      %dma_start3A_64 = tpu.memref_slice %arg17[%add3A_1, %dma_start3A_63] : memref<10240x128xf32, #tpu.memory_space<vmem_shared>> -> memref<128x128xf32, #tpu.memory_space<vmem_shared>>
      tpu.enqueue_dma source(%arg16 : memref<128x128xf32, #tpu.memory_space<vmem>>) target(%dma_start3A_64 : memref<128x128xf32, #tpu.memory_space<vmem_shared>>) target_semaphore(%run_scoped3A : memref<!tpu.dma_semaphore, #tpu.memory_space<semaphore_mem>>)
      %dma_wait3A = arith.constant 0 : i32
      %dma_wait3A_65 = tpu.memref_slice %arg17[%add3A_1, %dma_wait3A] : memref<10240x128xf32, #tpu.memory_space<vmem_shared>> -> memref<128x128xf32, #tpu.memory_space<vmem_shared>>
      %dma_wait3A_66 = arith.constant 0 : i32
      %dma_wait3A_67 = tpu.memref_slice %arg17[%add3A_1, %dma_wait3A_66] : memref<10240x128xf32, #tpu.memory_space<vmem_shared>> -> memref<128x128xf32, #tpu.memory_space<vmem_shared>>
      tpu.wait_dma2 semaphore(%run_scoped3A : memref<!tpu.dma_semaphore, #tpu.memory_space<semaphore_mem>>) src(%arg16 : memref<128x128xf32, #tpu.memory_space<vmem>>) dst(%dma_wait3A_67 : memref<128x128xf32, #tpu.memory_space<vmem_shared>>)
      tpu.yield
    }) : () -> ()
    %add3A_2 = arith.constant 128 : i32
    %add3A_3 = arith.addi %mul3A_0, %add3A_2 : i32
    "tpu.region"() ({
      %run_scoped3A = tpu.sem_alloc : memref<!tpu.dma_semaphore, #tpu.memory_space<semaphore_mem>>
      %dma_start3A = arith.constant 0 : i32
      %dma_start3A_62 = tpu.memref_slice %arg17[%add3A_3, %dma_start3A] : memref<10240x128xf32, #tpu.memory_space<vmem_shared>> -> memref<128x128xf32, #tpu.memory_space<vmem_shared>>
      %dma_start3A_63 = arith.constant 0 : i32
      %dma_start3A_64 = tpu.memref_slice %arg17[%add3A_3, %dma_start3A_63] : memref<10240x128xf32, #tpu.memory_space<vmem_shared>> -> memref<128x128xf32, #tpu.memory_space<vmem_shared>>
      tpu.enqueue_dma source(%arg16 : memref<128x128xf32, #tpu.memory_space<vmem>>) target(%dma_start3A_64 : memref<128x128xf32, #tpu.memory_space<vmem_shared>>) target_semaphore(%run_scoped3A : memref<!tpu.dma_semaphore, #tpu.memory_space<semaphore_mem>>)
      %dma_wait3A = arith.constant 0 : i32
      %dma_wait3A_65 = tpu.memref_slice %arg17[%add3A_3, %dma_wait3A] : memref<10240x128xf32, #tpu.memory_space<vmem_shared>> -> memref<128x128xf32, #tpu.memory_space<vmem_shared>>
      %dma_wait3A_66 = arith.constant 0 : i32
      %dma_wait3A_67 = tpu.memref_slice %arg17[%add3A_3, %dma_wait3A_66] : memref<10240x128xf32, #tpu.memory_space<vmem_shared>> -> memref<128x128xf32, #tpu.memory_space<vmem_shared>>
      tpu.wait_dma2 semaphore(%run_scoped3A : memref<!tpu.dma_semaphore, #tpu.memory_space<semaphore_mem>>) src(%arg16 : memref<128x128xf32, #tpu.memory_space<vmem>>) dst(%dma_wait3A_67 : memref<128x128xf32, #tpu.memory_space<vmem_shared>>)
      tpu.yield
    }) : () -> ()
    %add3A_4 = arith.constant 256 : i32
    %add3A_5 = arith.addi %mul3A_0, %add3A_4 : i32
    "tpu.region"() ({
      %run_scoped3A = tpu.sem_alloc : memref<!tpu.dma_semaphore, #tpu.memory_space<semaphore_mem>>
      %dma_start3A = arith.constant 0 : i32
      %dma_start3A_62 = tpu.memref_slice %arg17[%add3A_5, %dma_start3A] : memref<10240x128xf32, #tpu.memory_space<vmem_shared>> -> memref<128x128xf32, #tpu.memory_space<vmem_shared>>
      %dma_start3A_63 = arith.constant 0 : i32
      %dma_start3A_64 = tpu.memref_slice %arg17[%add3A_5, %dma_start3A_63] : memref<10240x128xf32, #tpu.memory_space<vmem_shared>> -> memref<128x128xf32, #tpu.memory_space<vmem_shared>>
      tpu.enqueue_dma source(%arg16 : memref<128x128xf32, #tpu.memory_space<vmem>>) target(%dma_start3A_64 : memref<128x128xf32, #tpu.memory_space<vmem_shared>>) target_semaphore(%run_scoped3A : memref<!tpu.dma_semaphore, #tpu.memory_space<semaphore_mem>>)
      %dma_wait3A = arith.constant 0 : i32
      %dma_wait3A_65 = tpu.memref_slice %arg17[%add3A_5, %dma_wait3A] : memref<10240x128xf32, #tpu.memory_space<vmem_shared>> -> memref<128x128xf32, #tpu.memory_space<vmem_shared>>
      %dma_wait3A_66 = arith.constant 0 : i32
      %dma_wait3A_67 = tpu.memref_slice %arg17[%add3A_5, %dma_wait3A_66] : memref<10240x128xf32, #tpu.memory_space<vmem_shared>> -> memref<128x128xf32, #tpu.memory_space<vmem_shared>>
      tpu.wait_dma2 semaphore(%run_scoped3A : memref<!tpu.dma_semaphore, #tpu.memory_space<semaphore_mem>>) src(%arg16 : memref<128x128xf32, #tpu.memory_space<vmem>>) dst(%dma_wait3A_67 : memref<128x128xf32, #tpu.memory_space<vmem_shared>>)
      tpu.yield
    }) : () -> ()
    %add3A_6 = arith.constant 384 : i32
    %add3A_7 = arith.addi %mul3A_0, %add3A_6 : i32
    "tpu.region"() ({
      %run_scoped3A = tpu.sem_alloc : memref<!tpu.dma_semaphore, #tpu.memory_space<semaphore_mem>>
      %dma_start3A = arith.constant 0 : i32
      %dma_start3A_62 = tpu.memref_slice %arg17[%add3A_7, %dma_start3A] : memref<10240x128xf32, #tpu.memory_space<vmem_shared>> -> memref<128x128xf32, #tpu.memory_space<vmem_shared>>
      %dma_start3A_63 = arith.constant 0 : i32
      %dma_start3A_64 = tpu.memref_slice %arg17[%add3A_7, %dma_start3A_63] : memref<10240x128xf32, #tpu.memory_space<vmem_shared>> -> memref<128x128xf32, #tpu.memory_space<vmem_shared>>
      tpu.enqueue_dma source(%arg16 : memref<128x128xf32, #tpu.memory_space<vmem>>) target(%dma_start3A_64 : memref<128x128xf32, #tpu.memory_space<vmem_shared>>) target_semaphore(%run_scoped3A : memref<!tpu.dma_semaphore, #tpu.memory_space<semaphore_mem>>)
      %dma_wait3A = arith.constant 0 : i32
      %dma_wait3A_65 = tpu.memref_slice %arg17[%add3A_7, %dma_wait3A] : memref<10240x128xf32, #tpu.memory_space<vmem_shared>> -> memref<128x128xf32, #tpu.memory_space<vmem_shared>>
      %dma_wait3A_66 = arith.constant 0 : i32
      %dma_wait3A_67 = tpu.memref_slice %arg17[%add3A_7, %dma_wait3A_66] : memref<10240x128xf32, #tpu.memory_space<vmem_shared>> -> memref<128x128xf32, #tpu.memory_space<vmem_shared>>
      tpu.wait_dma2 semaphore(%run_scoped3A : memref<!tpu.dma_semaphore, #tpu.memory_space<semaphore_mem>>) src(%arg16 : memref<128x128xf32, #tpu.memory_space<vmem>>) dst(%dma_wait3A_67 : memref<128x128xf32, #tpu.memory_space<vmem_shared>>)
      tpu.yield
    }) : () -> ()
    %add3A_8 = arith.constant 512 : i32
    %add3A_9 = arith.addi %mul3A_0, %add3A_8 : i32
    "tpu.region"() ({
      %run_scoped3A = tpu.sem_alloc : memref<!tpu.dma_semaphore, #tpu.memory_space<semaphore_mem>>
      %dma_start3A = arith.constant 0 : i32
      %dma_start3A_62 = tpu.memref_slice %arg17[%add3A_9, %dma_start3A] : memref<10240x128xf32, #tpu.memory_space<vmem_shared>> -> memref<128x128xf32, #tpu.memory_space<vmem_shared>>
      %dma_start3A_63 = arith.constant 0 : i32
      %dma_start3A_64 = tpu.memref_slice %arg17[%add3A_9, %dma_start3A_63] : memref<10240x128xf32, #tpu.memory_space<vmem_shared>> -> memref<128x128xf32, #tpu.memory_space<vmem_shared>>
      tpu.enqueue_dma source(%arg16 : memref<128x128xf32, #tpu.memory_space<vmem>>) target(%dma_start3A_64 : memref<128x128xf32, #tpu.memory_space<vmem_shared>>) target_semaphore(%run_scoped3A : memref<!tpu.dma_semaphore, #tpu.memory_space<semaphore_mem>>)
      %dma_wait3A = arith.constant 0 : i32
      %dma_wait3A_65 = tpu.memref_slice %arg17[%add3A_9, %dma_wait3A] : memref<10240x128xf32, #tpu.memory_space<vmem_shared>> -> memref<128x128xf32, #tpu.memory_space<vmem_shared>>
      %dma_wait3A_66 = arith.constant 0 : i32
      %dma_wait3A_67 = tpu.memref_slice %arg17[%add3A_9, %dma_wait3A_66] : memref<10240x128xf32, #tpu.memory_space<vmem_shared>> -> memref<128x128xf32, #tpu.memory_space<vmem_shared>>
      tpu.wait_dma2 semaphore(%run_scoped3A : memref<!tpu.dma_semaphore, #tpu.memory_space<semaphore_mem>>) src(%arg16 : memref<128x128xf32, #tpu.memory_space<vmem>>) dst(%dma_wait3A_67 : memref<128x128xf32, #tpu.memory_space<vmem_shared>>)
      tpu.yield
    }) : () -> ()
    %barrier3A = arith.constant 0 : index
    tpu.barrier barrier_id(%barrier3A)
    "tpu.region"() ({
      %run_scoped3A = tpu.sem_alloc : memref<!tpu.dma_semaphore, #tpu.memory_space<semaphore_mem>>
      %dma_start3A = arith.constant 0 : i32
      %dma_start3A_62 = arith.constant 0 : i32
      %dma_start3A_63 = tpu.memref_slice %arg4[%arg1, %dma_start3A, %dma_start3A_62] : memref<16x125x80xi32, #tpu.memory_space<hbm>> -> memref<1x125x80xi32, #tpu.memory_space<hbm>>
      %dma_start3A_64 = tpu.memref_squeeze %dma_start3A_63 : memref<1x125x80xi32, #tpu.memory_space<hbm>> -> memref<125x80xi32, #tpu.memory_space<hbm>>
      %dma_start3A_65 = arith.constant 0 : i32
      %dma_start3A_66 = arith.constant 0 : i32
      %dma_start3A_67 = tpu.memref_slice %arg4[%arg1, %dma_start3A_65, %dma_start3A_66] : memref<16x125x80xi32, #tpu.memory_space<hbm>> -> memref<1x125x80xi32, #tpu.memory_space<hbm>>
      %dma_start3A_68 = tpu.memref_squeeze %dma_start3A_67 : memref<1x125x80xi32, #tpu.memory_space<hbm>> -> memref<125x80xi32, #tpu.memory_space<hbm>>
      tpu.enqueue_dma source(%dma_start3A_68 : memref<125x80xi32, #tpu.memory_space<hbm>>) target(%arg13 : memref<125x80xi32, #tpu.memory_space<vmem>>) target_semaphore(%run_scoped3A : memref<!tpu.dma_semaphore, #tpu.memory_space<semaphore_mem>>)
      %dma_wait3A = arith.constant 0 : i32
      %dma_wait3A_69 = arith.constant 0 : i32
      %dma_wait3A_70 = tpu.memref_slice %arg4[%arg1, %dma_wait3A, %dma_wait3A_69] : memref<16x125x80xi32, #tpu.memory_space<hbm>> -> memref<1x125x80xi32, #tpu.memory_space<hbm>>
      %dma_wait3A_71 = tpu.memref_squeeze %dma_wait3A_70 : memref<1x125x80xi32, #tpu.memory_space<hbm>> -> memref<125x80xi32, #tpu.memory_space<hbm>>
      %dma_wait3A_72 = arith.constant 0 : i32
      %dma_wait3A_73 = arith.constant 0 : i32
      %dma_wait3A_74 = tpu.memref_slice %arg4[%arg1, %dma_wait3A_72, %dma_wait3A_73] : memref<16x125x80xi32, #tpu.memory_space<hbm>> -> memref<1x125x80xi32, #tpu.memory_space<hbm>>
      %dma_wait3A_75 = tpu.memref_squeeze %dma_wait3A_74 : memref<1x125x80xi32, #tpu.memory_space<hbm>> -> memref<125x80xi32, #tpu.memory_space<hbm>>
      tpu.wait_dma2 semaphore(%run_scoped3A : memref<!tpu.dma_semaphore, #tpu.memory_space<semaphore_mem>>) src(%dma_wait3A_75 : memref<125x80xi32, #tpu.memory_space<hbm>>) dst(%arg13 : memref<125x80xi32, #tpu.memory_space<vmem>>)
      tpu.yield
    }) : () -> ()
    "tpu.region"() ({
      %run_scoped3A = tpu.sem_alloc : memref<!tpu.dma_semaphore, #tpu.memory_space<semaphore_mem>>
      %dma_start3A = arith.constant 0 : i32
      %dma_start3A_62 = arith.constant 0 : i32
      %dma_start3A_63 = tpu.memref_slice %arg5[%arg1, %dma_start3A, %dma_start3A_62] : memref<16x125x80xi32, #tpu.memory_space<hbm>> -> memref<1x125x80xi32, #tpu.memory_space<hbm>>
      %dma_start3A_64 = tpu.memref_squeeze %dma_start3A_63 : memref<1x125x80xi32, #tpu.memory_space<hbm>> -> memref<125x80xi32, #tpu.memory_space<hbm>>
      %dma_start3A_65 = arith.constant 0 : i32
      %dma_start3A_66 = arith.constant 0 : i32
      %dma_start3A_67 = tpu.memref_slice %arg5[%arg1, %dma_start3A_65, %dma_start3A_66] : memref<16x125x80xi32, #tpu.memory_space<hbm>> -> memref<1x125x80xi32, #tpu.memory_space<hbm>>
      %dma_start3A_68 = tpu.memref_squeeze %dma_start3A_67 : memref<1x125x80xi32, #tpu.memory_space<hbm>> -> memref<125x80xi32, #tpu.memory_space<hbm>>
      tpu.enqueue_dma source(%dma_start3A_68 : memref<125x80xi32, #tpu.memory_space<hbm>>) target(%arg14 : memref<125x80xi32, #tpu.memory_space<vmem>>) target_semaphore(%run_scoped3A : memref<!tpu.dma_semaphore, #tpu.memory_space<semaphore_mem>>)
      %dma_wait3A = arith.constant 0 : i32
      %dma_wait3A_69 = arith.constant 0 : i32
      %dma_wait3A_70 = tpu.memref_slice %arg5[%arg1, %dma_wait3A, %dma_wait3A_69] : memref<16x125x80xi32, #tpu.memory_space<hbm>> -> memref<1x125x80xi32, #tpu.memory_space<hbm>>
      %dma_wait3A_71 = tpu.memref_squeeze %dma_wait3A_70 : memref<1x125x80xi32, #tpu.memory_space<hbm>> -> memref<125x80xi32, #tpu.memory_space<hbm>>
      %dma_wait3A_72 = arith.constant 0 : i32
      %dma_wait3A_73 = arith.constant 0 : i32
      %dma_wait3A_74 = tpu.memref_slice %arg5[%arg1, %dma_wait3A_72, %dma_wait3A_73] : memref<16x125x80xi32, #tpu.memory_space<hbm>> -> memref<1x125x80xi32, #tpu.memory_space<hbm>>
      %dma_wait3A_75 = tpu.memref_squeeze %dma_wait3A_74 : memref<1x125x80xi32, #tpu.memory_space<hbm>> -> memref<125x80xi32, #tpu.memory_space<hbm>>
      tpu.wait_dma2 semaphore(%run_scoped3A : memref<!tpu.dma_semaphore, #tpu.memory_space<semaphore_mem>>) src(%dma_wait3A_75 : memref<125x80xi32, #tpu.memory_space<hbm>>) dst(%arg14 : memref<125x80xi32, #tpu.memory_space<vmem>>)
      tpu.yield
    }) : () -> ()
    %eq3A = arith.constant 0 : i32
    %eq3A_10 = arith.cmpi eq, %arg0, %eq3A : i32
    %convert_element_type3A = arith.extui %eq3A_10 : i1 to i32
    %cond3A = arith.constant 0 : i32
    %cond3A_11 = arith.cmpi ne, %convert_element_type3A, %cond3A : i32
    scf.if %cond3A_11 {
      %scan3A = arith.constant 0 : i32
      %scan3A_62 = arith.constant 0 : i32
      %scan3A_63 = arith.constant 125 : i32
      %scan3A_64 = arith.addi %scan3A_62, %scan3A_63 : i32
      %scan3A_65 = arith.constant 1 : i32
      scf.for %scan3A_67 = %scan3A_62 to %scan3A_64 step %scan3A_65  : i32 {
        "tpu.region"() ({
          %run_scoped3A = tpu.sem_alloc : memref<!tpu.dma_semaphore, #tpu.memory_space<semaphore_mem>>
          %dma_start3A = arith.constant 0 : i32
          %dma_start3A_68 = tpu.memref_slice %arg13[%scan3A_67, %dma_start3A] : memref<125x80xi32, #tpu.memory_space<vmem>> -> memref<1x80xi32, #tpu.memory_space<vmem>>
          %dma_start3A_69 = tpu.memref_squeeze %dma_start3A_68 : memref<1x80xi32, #tpu.memory_space<vmem>> -> memref<80xi32, #tpu.memory_space<vmem>>
          %dma_start3A_70 = arith.constant 0 : i32
          %dma_start3A_71 = arith.constant 0 : i32
          %dma_start3A_72 = tpu.memref_slice %arg2[%dma_start3A_70, %dma_start3A_71] : memref<10240x128xf32, #tpu.memory_space<hbm>> -> memref<10240x128xf32, #tpu.memory_space<hbm>>
          tpu.enqueue_indirect_dma source(%dma_start3A_72 : memref<10240x128xf32, #tpu.memory_space<hbm>>) target(%arg15 : memref<80x128xf32, #tpu.memory_space<vmem>>) offsets(%dma_start3A_69 : memref<80xi32, #tpu.memory_space<vmem>>) semaphore(%run_scoped3A : memref<!tpu.dma_semaphore, #tpu.memory_space<semaphore_mem>>)
          %dma_wait3A = arith.constant 0 : i32
          %dma_wait3A_73 = tpu.memref_slice %arg13[%scan3A_67, %dma_wait3A] : memref<125x80xi32, #tpu.memory_space<vmem>> -> memref<1x80xi32, #tpu.memory_space<vmem>>
          %dma_wait3A_74 = tpu.memref_squeeze %dma_wait3A_73 : memref<1x80xi32, #tpu.memory_space<vmem>> -> memref<80xi32, #tpu.memory_space<vmem>>
          %dma_wait3A_75 = arith.constant 0 : i32
          %dma_wait3A_76 = arith.constant 0 : i32
          %dma_wait3A_77 = tpu.memref_slice %arg2[%dma_wait3A_75, %dma_wait3A_76] : memref<10240x128xf32, #tpu.memory_space<hbm>> -> memref<10240x128xf32, #tpu.memory_space<hbm>>
          tpu.wait_indirect_dma semaphore(%run_scoped3A : memref<!tpu.dma_semaphore, #tpu.memory_space<semaphore_mem>>) src(%dma_wait3A_77 : memref<10240x128xf32, #tpu.memory_space<hbm>>) dst(%arg15 : memref<80x128xf32, #tpu.memory_space<vmem>>)
          tpu.yield
        }) : () -> ()
        "tpu.region"() ({
          %run_scoped3A = tpu.sem_alloc : memref<!tpu.dma_semaphore, #tpu.memory_space<semaphore_mem>>
          %dma_start3A = arith.constant 0 : i32
          %dma_start3A_68 = tpu.memref_slice %arg14[%scan3A_67, %dma_start3A] : memref<125x80xi32, #tpu.memory_space<vmem>> -> memref<1x80xi32, #tpu.memory_space<vmem>>
          %dma_start3A_69 = tpu.memref_squeeze %dma_start3A_68 : memref<1x80xi32, #tpu.memory_space<vmem>> -> memref<80xi32, #tpu.memory_space<vmem>>
          %dma_start3A_70 = arith.constant 0 : i32
          %dma_start3A_71 = arith.constant 0 : i32
          %dma_start3A_72 = tpu.memref_slice %arg17[%dma_start3A_70, %dma_start3A_71] : memref<10240x128xf32, #tpu.memory_space<vmem_shared>> -> memref<10240x128xf32, #tpu.memory_space<vmem_shared>>
          tpu.enqueue_indirect_dma source(%arg15 : memref<80x128xf32, #tpu.memory_space<vmem>>) target(%dma_start3A_72 : memref<10240x128xf32, #tpu.memory_space<vmem_shared>>) offsets(%dma_start3A_69 : memref<80xi32, #tpu.memory_space<vmem>>) semaphore(%run_scoped3A : memref<!tpu.dma_semaphore, #tpu.memory_space<semaphore_mem>>) {add = true}
          %dma_wait3A = arith.constant 0 : i32
          %dma_wait3A_73 = tpu.memref_slice %arg14[%scan3A_67, %dma_wait3A] : memref<125x80xi32, #tpu.memory_space<vmem>> -> memref<1x80xi32, #tpu.memory_space<vmem>>
          %dma_wait3A_74 = tpu.memref_squeeze %dma_wait3A_73 : memref<1x80xi32, #tpu.memory_space<vmem>> -> memref<80xi32, #tpu.memory_space<vmem>>
          %dma_wait3A_75 = arith.constant 0 : i32
          %dma_wait3A_76 = arith.constant 0 : i32
          %dma_wait3A_77 = tpu.memref_slice %arg17[%dma_wait3A_75, %dma_wait3A_76] : memref<10240x128xf32, #tpu.memory_space<vmem_shared>> -> memref<10240x128xf32, #tpu.memory_space<vmem_shared>>
          tpu.wait_indirect_dma semaphore(%run_scoped3A : memref<!tpu.dma_semaphore, #tpu.memory_space<semaphore_mem>>) src(%arg15 : memref<80x128xf32, #tpu.memory_space<vmem>>) dst(%dma_wait3A_77 : memref<10240x128xf32, #tpu.memory_space<vmem_shared>>)
          tpu.yield
        }) : () -> ()
      }
      %scan3A_66 = arith.constant 125 : i32
    } else {
    }
    %eq3A_12 = arith.constant 1 : i32
    %eq3A_13 = arith.cmpi eq, %arg0, %eq3A_12 : i32
    %convert_element_type3A_14 = arith.extui %eq3A_13 : i1 to i32
    %cond3A_15 = arith.constant 0 : i32
    %cond3A_16 = arith.cmpi ne, %convert_element_type3A_14, %cond3A_15 : i32
    scf.if %cond3A_16 {
      %scan3A = arith.constant 0 : i32
      %scan3A_62 = arith.constant 0 : i32
      %scan3A_63 = arith.constant 125 : i32
      %scan3A_64 = arith.addi %scan3A_62, %scan3A_63 : i32
      %scan3A_65 = arith.constant 1 : i32
      scf.for %scan3A_67 = %scan3A_62 to %scan3A_64 step %scan3A_65  : i32 {
        "tpu.region"() ({
          %run_scoped3A = tpu.sem_alloc : memref<!tpu.dma_semaphore, #tpu.memory_space<semaphore_mem>>
          %dma_start3A = arith.constant 0 : i32
          %dma_start3A_68 = tpu.memref_slice %arg13[%scan3A_67, %dma_start3A] : memref<125x80xi32, #tpu.memory_space<vmem>> -> memref<1x80xi32, #tpu.memory_space<vmem>>
          %dma_start3A_69 = tpu.memref_squeeze %dma_start3A_68 : memref<1x80xi32, #tpu.memory_space<vmem>> -> memref<80xi32, #tpu.memory_space<vmem>>
          %dma_start3A_70 = arith.constant 0 : i32
          %dma_start3A_71 = arith.constant 0 : i32
          %dma_start3A_72 = tpu.memref_slice %arg3[%dma_start3A_70, %dma_start3A_71] : memref<10240x128xf32, #tpu.memory_space<hbm>> -> memref<10240x128xf32, #tpu.memory_space<hbm>>
          tpu.enqueue_indirect_dma source(%dma_start3A_72 : memref<10240x128xf32, #tpu.memory_space<hbm>>) target(%arg15 : memref<80x128xf32, #tpu.memory_space<vmem>>) offsets(%dma_start3A_69 : memref<80xi32, #tpu.memory_space<vmem>>) semaphore(%run_scoped3A : memref<!tpu.dma_semaphore, #tpu.memory_space<semaphore_mem>>)
          %dma_wait3A = arith.constant 0 : i32
          %dma_wait3A_73 = tpu.memref_slice %arg13[%scan3A_67, %dma_wait3A] : memref<125x80xi32, #tpu.memory_space<vmem>> -> memref<1x80xi32, #tpu.memory_space<vmem>>
          %dma_wait3A_74 = tpu.memref_squeeze %dma_wait3A_73 : memref<1x80xi32, #tpu.memory_space<vmem>> -> memref<80xi32, #tpu.memory_space<vmem>>
          %dma_wait3A_75 = arith.constant 0 : i32
          %dma_wait3A_76 = arith.constant 0 : i32
          %dma_wait3A_77 = tpu.memref_slice %arg3[%dma_wait3A_75, %dma_wait3A_76] : memref<10240x128xf32, #tpu.memory_space<hbm>> -> memref<10240x128xf32, #tpu.memory_space<hbm>>
          tpu.wait_indirect_dma semaphore(%run_scoped3A : memref<!tpu.dma_semaphore, #tpu.memory_space<semaphore_mem>>) src(%dma_wait3A_77 : memref<10240x128xf32, #tpu.memory_space<hbm>>) dst(%arg15 : memref<80x128xf32, #tpu.memory_space<vmem>>)
          tpu.yield
        }) : () -> ()
        "tpu.region"() ({
          %run_scoped3A = tpu.sem_alloc : memref<!tpu.dma_semaphore, #tpu.memory_space<semaphore_mem>>
          %dma_start3A = arith.constant 0 : i32
          %dma_start3A_68 = tpu.memref_slice %arg14[%scan3A_67, %dma_start3A] : memref<125x80xi32, #tpu.memory_space<vmem>> -> memref<1x80xi32, #tpu.memory_space<vmem>>
          %dma_start3A_69 = tpu.memref_squeeze %dma_start3A_68 : memref<1x80xi32, #tpu.memory_space<vmem>> -> memref<80xi32, #tpu.memory_space<vmem>>
          %dma_start3A_70 = arith.constant 0 : i32
          %dma_start3A_71 = arith.constant 0 : i32
          %dma_start3A_72 = tpu.memref_slice %arg17[%dma_start3A_70, %dma_start3A_71] : memref<10240x128xf32, #tpu.memory_space<vmem_shared>> -> memref<10240x128xf32, #tpu.memory_space<vmem_shared>>
          tpu.enqueue_indirect_dma source(%arg15 : memref<80x128xf32, #tpu.memory_space<vmem>>) target(%dma_start3A_72 : memref<10240x128xf32, #tpu.memory_space<vmem_shared>>) offsets(%dma_start3A_69 : memref<80xi32, #tpu.memory_space<vmem>>) semaphore(%run_scoped3A : memref<!tpu.dma_semaphore, #tpu.memory_space<semaphore_mem>>) {add = true}
          %dma_wait3A = arith.constant 0 : i32
          %dma_wait3A_73 = tpu.memref_slice %arg14[%scan3A_67, %dma_wait3A] : memref<125x80xi32, #tpu.memory_space<vmem>> -> memref<1x80xi32, #tpu.memory_space<vmem>>
          %dma_wait3A_74 = tpu.memref_squeeze %dma_wait3A_73 : memref<1x80xi32, #tpu.memory_space<vmem>> -> memref<80xi32, #tpu.memory_space<vmem>>
          %dma_wait3A_75 = arith.constant 0 : i32
          %dma_wait3A_76 = arith.constant 0 : i32
          %dma_wait3A_77 = tpu.memref_slice %arg17[%dma_wait3A_75, %dma_wait3A_76] : memref<10240x128xf32, #tpu.memory_space<vmem_shared>> -> memref<10240x128xf32, #tpu.memory_space<vmem_shared>>
          tpu.wait_indirect_dma semaphore(%run_scoped3A : memref<!tpu.dma_semaphore, #tpu.memory_space<semaphore_mem>>) src(%arg15 : memref<80x128xf32, #tpu.memory_space<vmem>>) dst(%dma_wait3A_77 : memref<10240x128xf32, #tpu.memory_space<vmem_shared>>)
          tpu.yield
        }) : () -> ()
      }
      %scan3A_66 = arith.constant 125 : i32
    } else {
    }
    %barrier3A_17 = arith.constant 0 : index
    tpu.barrier barrier_id(%barrier3A_17)
    %eq3A_18 = arith.constant 0 : i32
    %eq3A_19 = arith.cmpi eq, %arg0, %eq3A_18 : i32
    %convert_element_type3A_20 = arith.extui %eq3A_19 : i1 to i32
    %cond3A_21 = arith.constant 0 : i32
    %cond3A_22 = arith.cmpi ne, %convert_element_type3A_20, %cond3A_21 : i32
    scf.if %cond3A_22 {
      %mul3A_62 = arith.constant 640 : i32
      %mul3A_63 = arith.muli %arg1, %mul3A_62 : i32
      %add3A_64 = arith.constant 0 : i32
      %add3A_65 = arith.addi %mul3A_63, %add3A_64 : i32
      "tpu.region"() ({
        %run_scoped3A = tpu.sem_alloc : memref<!tpu.dma_semaphore, #tpu.memory_space<semaphore_mem>>
        %dma_start3A = arith.constant 0 : i32
        %dma_start3A_84 = tpu.memref_slice %arg17[%add3A_65, %dma_start3A] : memref<10240x128xf32, #tpu.memory_space<vmem_shared>> -> memref<128x128xf32, #tpu.memory_space<vmem_shared>>
        %dma_start3A_85 = arith.constant 0 : i32
        %dma_start3A_86 = tpu.memref_slice %arg17[%add3A_65, %dma_start3A_85] : memref<10240x128xf32, #tpu.memory_space<vmem_shared>> -> memref<128x128xf32, #tpu.memory_space<vmem_shared>>
        tpu.enqueue_dma source(%dma_start3A_86 : memref<128x128xf32, #tpu.memory_space<vmem_shared>>) target(%arg16 : memref<128x128xf32, #tpu.memory_space<vmem>>) target_semaphore(%run_scoped3A : memref<!tpu.dma_semaphore, #tpu.memory_space<semaphore_mem>>)
        %dma_wait3A = arith.constant 0 : i32
        %dma_wait3A_87 = tpu.memref_slice %arg17[%add3A_65, %dma_wait3A] : memref<10240x128xf32, #tpu.memory_space<vmem_shared>> -> memref<128x128xf32, #tpu.memory_space<vmem_shared>>
        %dma_wait3A_88 = arith.constant 0 : i32
        %dma_wait3A_89 = tpu.memref_slice %arg17[%add3A_65, %dma_wait3A_88] : memref<10240x128xf32, #tpu.memory_space<vmem_shared>> -> memref<128x128xf32, #tpu.memory_space<vmem_shared>>
        tpu.wait_dma2 semaphore(%run_scoped3A : memref<!tpu.dma_semaphore, #tpu.memory_space<semaphore_mem>>) src(%dma_wait3A_89 : memref<128x128xf32, #tpu.memory_space<vmem_shared>>) dst(%arg16 : memref<128x128xf32, #tpu.memory_space<vmem>>)
        tpu.yield
      }) : () -> ()
      %add3A_66 = arith.constant 0 : i32
      %add3A_67 = arith.addi %mul3A_63, %add3A_66 : i32
      "tpu.region"() ({
        %run_scoped3A = tpu.sem_alloc : memref<!tpu.dma_semaphore, #tpu.memory_space<semaphore_mem>>
        %dma_start3A = arith.constant 0 : i32
        %dma_start3A_84 = tpu.memref_slice %arg9[%add3A_67, %dma_start3A] : memref<10240x128xf32, #tpu.memory_space<hbm>> -> memref<128x128xf32, #tpu.memory_space<hbm>>
        %dma_start3A_85 = arith.constant 0 : i32
        %dma_start3A_86 = tpu.memref_slice %arg9[%add3A_67, %dma_start3A_85] : memref<10240x128xf32, #tpu.memory_space<hbm>> -> memref<128x128xf32, #tpu.memory_space<hbm>>
        tpu.enqueue_dma source(%arg16 : memref<128x128xf32, #tpu.memory_space<vmem>>) target(%dma_start3A_86 : memref<128x128xf32, #tpu.memory_space<hbm>>) target_semaphore(%run_scoped3A : memref<!tpu.dma_semaphore, #tpu.memory_space<semaphore_mem>>)
        %dma_wait3A = arith.constant 0 : i32
        %dma_wait3A_87 = tpu.memref_slice %arg9[%add3A_67, %dma_wait3A] : memref<10240x128xf32, #tpu.memory_space<hbm>> -> memref<128x128xf32, #tpu.memory_space<hbm>>
        %dma_wait3A_88 = arith.constant 0 : i32
        %dma_wait3A_89 = tpu.memref_slice %arg9[%add3A_67, %dma_wait3A_88] : memref<10240x128xf32, #tpu.memory_space<hbm>> -> memref<128x128xf32, #tpu.memory_space<hbm>>
        tpu.wait_dma2 semaphore(%run_scoped3A : memref<!tpu.dma_semaphore, #tpu.memory_space<semaphore_mem>>) src(%arg16 : memref<128x128xf32, #tpu.memory_space<vmem>>) dst(%dma_wait3A_89 : memref<128x128xf32, #tpu.memory_space<hbm>>)
        tpu.yield
      }) : () -> ()
      %add3A_68 = arith.constant 128 : i32
      %add3A_69 = arith.addi %mul3A_63, %add3A_68 : i32
      "tpu.region"() ({
        %run_scoped3A = tpu.sem_alloc : memref<!tpu.dma_semaphore, #tpu.memory_space<semaphore_mem>>
        %dma_start3A = arith.constant 0 : i32
        %dma_start3A_84 = tpu.memref_slice %arg17[%add3A_69, %dma_start3A] : memref<10240x128xf32, #tpu.memory_space<vmem_shared>> -> memref<128x128xf32, #tpu.memory_space<vmem_shared>>
        %dma_start3A_85 = arith.constant 0 : i32
        %dma_start3A_86 = tpu.memref_slice %arg17[%add3A_69, %dma_start3A_85] : memref<10240x128xf32, #tpu.memory_space<vmem_shared>> -> memref<128x128xf32, #tpu.memory_space<vmem_shared>>
        tpu.enqueue_dma source(%dma_start3A_86 : memref<128x128xf32, #tpu.memory_space<vmem_shared>>) target(%arg16 : memref<128x128xf32, #tpu.memory_space<vmem>>) target_semaphore(%run_scoped3A : memref<!tpu.dma_semaphore, #tpu.memory_space<semaphore_mem>>)
        %dma_wait3A = arith.constant 0 : i32
        %dma_wait3A_87 = tpu.memref_slice %arg17[%add3A_69, %dma_wait3A] : memref<10240x128xf32, #tpu.memory_space<vmem_shared>> -> memref<128x128xf32, #tpu.memory_space<vmem_shared>>
        %dma_wait3A_88 = arith.constant 0 : i32
        %dma_wait3A_89 = tpu.memref_slice %arg17[%add3A_69, %dma_wait3A_88] : memref<10240x128xf32, #tpu.memory_space<vmem_shared>> -> memref<128x128xf32, #tpu.memory_space<vmem_shared>>
        tpu.wait_dma2 semaphore(%run_scoped3A : memref<!tpu.dma_semaphore, #tpu.memory_space<semaphore_mem>>) src(%dma_wait3A_89 : memref<128x128xf32, #tpu.memory_space<vmem_shared>>) dst(%arg16 : memref<128x128xf32, #tpu.memory_space<vmem>>)
        tpu.yield
      }) : () -> ()
      %add3A_70 = arith.constant 128 : i32
      %add3A_71 = arith.addi %mul3A_63, %add3A_70 : i32
      "tpu.region"() ({
        %run_scoped3A = tpu.sem_alloc : memref<!tpu.dma_semaphore, #tpu.memory_space<semaphore_mem>>
        %dma_start3A = arith.constant 0 : i32
        %dma_start3A_84 = tpu.memref_slice %arg9[%add3A_71, %dma_start3A] : memref<10240x128xf32, #tpu.memory_space<hbm>> -> memref<128x128xf32, #tpu.memory_space<hbm>>
        %dma_start3A_85 = arith.constant 0 : i32
        %dma_start3A_86 = tpu.memref_slice %arg9[%add3A_71, %dma_start3A_85] : memref<10240x128xf32, #tpu.memory_space<hbm>> -> memref<128x128xf32, #tpu.memory_space<hbm>>
        tpu.enqueue_dma source(%arg16 : memref<128x128xf32, #tpu.memory_space<vmem>>) target(%dma_start3A_86 : memref<128x128xf32, #tpu.memory_space<hbm>>) target_semaphore(%run_scoped3A : memref<!tpu.dma_semaphore, #tpu.memory_space<semaphore_mem>>)
        %dma_wait3A = arith.constant 0 : i32
        %dma_wait3A_87 = tpu.memref_slice %arg9[%add3A_71, %dma_wait3A] : memref<10240x128xf32, #tpu.memory_space<hbm>> -> memref<128x128xf32, #tpu.memory_space<hbm>>
        %dma_wait3A_88 = arith.constant 0 : i32
        %dma_wait3A_89 = tpu.memref_slice %arg9[%add3A_71, %dma_wait3A_88] : memref<10240x128xf32, #tpu.memory_space<hbm>> -> memref<128x128xf32, #tpu.memory_space<hbm>>
        tpu.wait_dma2 semaphore(%run_scoped3A : memref<!tpu.dma_semaphore, #tpu.memory_space<semaphore_mem>>) src(%arg16 : memref<128x128xf32, #tpu.memory_space<vmem>>) dst(%dma_wait3A_89 : memref<128x128xf32, #tpu.memory_space<hbm>>)
        tpu.yield
      }) : () -> ()
      %add3A_72 = arith.constant 256 : i32
      %add3A_73 = arith.addi %mul3A_63, %add3A_72 : i32
      "tpu.region"() ({
        %run_scoped3A = tpu.sem_alloc : memref<!tpu.dma_semaphore, #tpu.memory_space<semaphore_mem>>
        %dma_start3A = arith.constant 0 : i32
        %dma_start3A_84 = tpu.memref_slice %arg17[%add3A_73, %dma_start3A] : memref<10240x128xf32, #tpu.memory_space<vmem_shared>> -> memref<128x128xf32, #tpu.memory_space<vmem_shared>>
        %dma_start3A_85 = arith.constant 0 : i32
        %dma_start3A_86 = tpu.memref_slice %arg17[%add3A_73, %dma_start3A_85] : memref<10240x128xf32, #tpu.memory_space<vmem_shared>> -> memref<128x128xf32, #tpu.memory_space<vmem_shared>>
        tpu.enqueue_dma source(%dma_start3A_86 : memref<128x128xf32, #tpu.memory_space<vmem_shared>>) target(%arg16 : memref<128x128xf32, #tpu.memory_space<vmem>>) target_semaphore(%run_scoped3A : memref<!tpu.dma_semaphore, #tpu.memory_space<semaphore_mem>>)
        %dma_wait3A = arith.constant 0 : i32
        %dma_wait3A_87 = tpu.memref_slice %arg17[%add3A_73, %dma_wait3A] : memref<10240x128xf32, #tpu.memory_space<vmem_shared>> -> memref<128x128xf32, #tpu.memory_space<vmem_shared>>
        %dma_wait3A_88 = arith.constant 0 : i32
        %dma_wait3A_89 = tpu.memref_slice %arg17[%add3A_73, %dma_wait3A_88] : memref<10240x128xf32, #tpu.memory_space<vmem_shared>> -> memref<128x128xf32, #tpu.memory_space<vmem_shared>>
        tpu.wait_dma2 semaphore(%run_scoped3A : memref<!tpu.dma_semaphore, #tpu.memory_space<semaphore_mem>>) src(%dma_wait3A_89 : memref<128x128xf32, #tpu.memory_space<vmem_shared>>) dst(%arg16 : memref<128x128xf32, #tpu.memory_space<vmem>>)
        tpu.yield
      }) : () -> ()
      %add3A_74 = arith.constant 256 : i32
      %add3A_75 = arith.addi %mul3A_63, %add3A_74 : i32
      "tpu.region"() ({
        %run_scoped3A = tpu.sem_alloc : memref<!tpu.dma_semaphore, #tpu.memory_space<semaphore_mem>>
        %dma_start3A = arith.constant 0 : i32
        %dma_start3A_84 = tpu.memref_slice %arg9[%add3A_75, %dma_start3A] : memref<10240x128xf32, #tpu.memory_space<hbm>> -> memref<128x128xf32, #tpu.memory_space<hbm>>
        %dma_start3A_85 = arith.constant 0 : i32
        %dma_start3A_86 = tpu.memref_slice %arg9[%add3A_75, %dma_start3A_85] : memref<10240x128xf32, #tpu.memory_space<hbm>> -> memref<128x128xf32, #tpu.memory_space<hbm>>
        tpu.enqueue_dma source(%arg16 : memref<128x128xf32, #tpu.memory_space<vmem>>) target(%dma_start3A_86 : memref<128x128xf32, #tpu.memory_space<hbm>>) target_semaphore(%run_scoped3A : memref<!tpu.dma_semaphore, #tpu.memory_space<semaphore_mem>>)
        %dma_wait3A = arith.constant 0 : i32
        %dma_wait3A_87 = tpu.memref_slice %arg9[%add3A_75, %dma_wait3A] : memref<10240x128xf32, #tpu.memory_space<hbm>> -> memref<128x128xf32, #tpu.memory_space<hbm>>
        %dma_wait3A_88 = arith.constant 0 : i32
        %dma_wait3A_89 = tpu.memref_slice %arg9[%add3A_75, %dma_wait3A_88] : memref<10240x128xf32, #tpu.memory_space<hbm>> -> memref<128x128xf32, #tpu.memory_space<hbm>>
        tpu.wait_dma2 semaphore(%run_scoped3A : memref<!tpu.dma_semaphore, #tpu.memory_space<semaphore_mem>>) src(%arg16 : memref<128x128xf32, #tpu.memory_space<vmem>>) dst(%dma_wait3A_89 : memref<128x128xf32, #tpu.memory_space<hbm>>)
        tpu.yield
      }) : () -> ()
      %add3A_76 = arith.constant 384 : i32
      %add3A_77 = arith.addi %mul3A_63, %add3A_76 : i32
      "tpu.region"() ({
        %run_scoped3A = tpu.sem_alloc : memref<!tpu.dma_semaphore, #tpu.memory_space<semaphore_mem>>
        %dma_start3A = arith.constant 0 : i32
        %dma_start3A_84 = tpu.memref_slice %arg17[%add3A_77, %dma_start3A] : memref<10240x128xf32, #tpu.memory_space<vmem_shared>> -> memref<128x128xf32, #tpu.memory_space<vmem_shared>>
        %dma_start3A_85 = arith.constant 0 : i32
        %dma_start3A_86 = tpu.memref_slice %arg17[%add3A_77, %dma_start3A_85] : memref<10240x128xf32, #tpu.memory_space<vmem_shared>> -> memref<128x128xf32, #tpu.memory_space<vmem_shared>>
        tpu.enqueue_dma source(%dma_start3A_86 : memref<128x128xf32, #tpu.memory_space<vmem_shared>>) target(%arg16 : memref<128x128xf32, #tpu.memory_space<vmem>>) target_semaphore(%run_scoped3A : memref<!tpu.dma_semaphore, #tpu.memory_space<semaphore_mem>>)
        %dma_wait3A = arith.constant 0 : i32
        %dma_wait3A_87 = tpu.memref_slice %arg17[%add3A_77, %dma_wait3A] : memref<10240x128xf32, #tpu.memory_space<vmem_shared>> -> memref<128x128xf32, #tpu.memory_space<vmem_shared>>
        %dma_wait3A_88 = arith.constant 0 : i32
        %dma_wait3A_89 = tpu.memref_slice %arg17[%add3A_77, %dma_wait3A_88] : memref<10240x128xf32, #tpu.memory_space<vmem_shared>> -> memref<128x128xf32, #tpu.memory_space<vmem_shared>>
        tpu.wait_dma2 semaphore(%run_scoped3A : memref<!tpu.dma_semaphore, #tpu.memory_space<semaphore_mem>>) src(%dma_wait3A_89 : memref<128x128xf32, #tpu.memory_space<vmem_shared>>) dst(%arg16 : memref<128x128xf32, #tpu.memory_space<vmem>>)
        tpu.yield
      }) : () -> ()
      %add3A_78 = arith.constant 384 : i32
      %add3A_79 = arith.addi %mul3A_63, %add3A_78 : i32
      "tpu.region"() ({
        %run_scoped3A = tpu.sem_alloc : memref<!tpu.dma_semaphore, #tpu.memory_space<semaphore_mem>>
        %dma_start3A = arith.constant 0 : i32
        %dma_start3A_84 = tpu.memref_slice %arg9[%add3A_79, %dma_start3A] : memref<10240x128xf32, #tpu.memory_space<hbm>> -> memref<128x128xf32, #tpu.memory_space<hbm>>
        %dma_start3A_85 = arith.constant 0 : i32
        %dma_start3A_86 = tpu.memref_slice %arg9[%add3A_79, %dma_start3A_85] : memref<10240x128xf32, #tpu.memory_space<hbm>> -> memref<128x128xf32, #tpu.memory_space<hbm>>
        tpu.enqueue_dma source(%arg16 : memref<128x128xf32, #tpu.memory_space<vmem>>) target(%dma_start3A_86 : memref<128x128xf32, #tpu.memory_space<hbm>>) target_semaphore(%run_scoped3A : memref<!tpu.dma_semaphore, #tpu.memory_space<semaphore_mem>>)
        %dma_wait3A = arith.constant 0 : i32
        %dma_wait3A_87 = tpu.memref_slice %arg9[%add3A_79, %dma_wait3A] : memref<10240x128xf32, #tpu.memory_space<hbm>> -> memref<128x128xf32, #tpu.memory_space<hbm>>
        %dma_wait3A_88 = arith.constant 0 : i32
        %dma_wait3A_89 = tpu.memref_slice %arg9[%add3A_79, %dma_wait3A_88] : memref<10240x128xf32, #tpu.memory_space<hbm>> -> memref<128x128xf32, #tpu.memory_space<hbm>>
        tpu.wait_dma2 semaphore(%run_scoped3A : memref<!tpu.dma_semaphore, #tpu.memory_space<semaphore_mem>>) src(%arg16 : memref<128x128xf32, #tpu.memory_space<vmem>>) dst(%dma_wait3A_89 : memref<128x128xf32, #tpu.memory_space<hbm>>)
        tpu.yield
      }) : () -> ()
      %add3A_80 = arith.constant 512 : i32
      %add3A_81 = arith.addi %mul3A_63, %add3A_80 : i32
      "tpu.region"() ({
        %run_scoped3A = tpu.sem_alloc : memref<!tpu.dma_semaphore, #tpu.memory_space<semaphore_mem>>
        %dma_start3A = arith.constant 0 : i32
        %dma_start3A_84 = tpu.memref_slice %arg17[%add3A_81, %dma_start3A] : memref<10240x128xf32, #tpu.memory_space<vmem_shared>> -> memref<128x128xf32, #tpu.memory_space<vmem_shared>>
        %dma_start3A_85 = arith.constant 0 : i32
        %dma_start3A_86 = tpu.memref_slice %arg17[%add3A_81, %dma_start3A_85] : memref<10240x128xf32, #tpu.memory_space<vmem_shared>> -> memref<128x128xf32, #tpu.memory_space<vmem_shared>>
        tpu.enqueue_dma source(%dma_start3A_86 : memref<128x128xf32, #tpu.memory_space<vmem_shared>>) target(%arg16 : memref<128x128xf32, #tpu.memory_space<vmem>>) target_semaphore(%run_scoped3A : memref<!tpu.dma_semaphore, #tpu.memory_space<semaphore_mem>>)
        %dma_wait3A = arith.constant 0 : i32
        %dma_wait3A_87 = tpu.memref_slice %arg17[%add3A_81, %dma_wait3A] : memref<10240x128xf32, #tpu.memory_space<vmem_shared>> -> memref<128x128xf32, #tpu.memory_space<vmem_shared>>
        %dma_wait3A_88 = arith.constant 0 : i32
        %dma_wait3A_89 = tpu.memref_slice %arg17[%add3A_81, %dma_wait3A_88] : memref<10240x128xf32, #tpu.memory_space<vmem_shared>> -> memref<128x128xf32, #tpu.memory_space<vmem_shared>>
        tpu.wait_dma2 semaphore(%run_scoped3A : memref<!tpu.dma_semaphore, #tpu.memory_space<semaphore_mem>>) src(%dma_wait3A_89 : memref<128x128xf32, #tpu.memory_space<vmem_shared>>) dst(%arg16 : memref<128x128xf32, #tpu.memory_space<vmem>>)
        tpu.yield
      }) : () -> ()
      %add3A_82 = arith.constant 512 : i32
      %add3A_83 = arith.addi %mul3A_63, %add3A_82 : i32
      "tpu.region"() ({
        %run_scoped3A = tpu.sem_alloc : memref<!tpu.dma_semaphore, #tpu.memory_space<semaphore_mem>>
        %dma_start3A = arith.constant 0 : i32
        %dma_start3A_84 = tpu.memref_slice %arg9[%add3A_83, %dma_start3A] : memref<10240x128xf32, #tpu.memory_space<hbm>> -> memref<128x128xf32, #tpu.memory_space<hbm>>
        %dma_start3A_85 = arith.constant 0 : i32
        %dma_start3A_86 = tpu.memref_slice %arg9[%add3A_83, %dma_start3A_85] : memref<10240x128xf32, #tpu.memory_space<hbm>> -> memref<128x128xf32, #tpu.memory_space<hbm>>
        tpu.enqueue_dma source(%arg16 : memref<128x128xf32, #tpu.memory_space<vmem>>) target(%dma_start3A_86 : memref<128x128xf32, #tpu.memory_space<hbm>>) target_semaphore(%run_scoped3A : memref<!tpu.dma_semaphore, #tpu.memory_space<semaphore_mem>>)
        %dma_wait3A = arith.constant 0 : i32
        %dma_wait3A_87 = tpu.memref_slice %arg9[%add3A_83, %dma_wait3A] : memref<10240x128xf32, #tpu.memory_space<hbm>> -> memref<128x128xf32, #tpu.memory_space<hbm>>
        %dma_wait3A_88 = arith.constant 0 : i32
        %dma_wait3A_89 = tpu.memref_slice %arg9[%add3A_83, %dma_wait3A_88] : memref<10240x128xf32, #tpu.memory_space<hbm>> -> memref<128x128xf32, #tpu.memory_space<hbm>>
        tpu.wait_dma2 semaphore(%run_scoped3A : memref<!tpu.dma_semaphore, #tpu.memory_space<semaphore_mem>>) src(%arg16 : memref<128x128xf32, #tpu.memory_space<vmem>>) dst(%dma_wait3A_89 : memref<128x128xf32, #tpu.memory_space<hbm>>)
        tpu.yield
      }) : () -> ()
    } else {
    }
    %eq3A_23 = arith.constant 1 : i32
    %eq3A_24 = arith.cmpi eq, %arg0, %eq3A_23 : i32
    %convert_element_type3A_25 = arith.extui %eq3A_24 : i1 to i32
    %cond3A_26 = arith.constant 0 : i32
    %cond3A_27 = arith.cmpi ne, %convert_element_type3A_25, %cond3A_26 : i32
    scf.if %cond3A_27 {
      %mul3A_62 = arith.constant 640 : i32
      %mul3A_63 = arith.muli %arg1, %mul3A_62 : i32
      %add3A_64 = arith.constant 0 : i32
      %add3A_65 = arith.addi %mul3A_63, %add3A_64 : i32
      "tpu.region"() ({
        %run_scoped3A = tpu.sem_alloc : memref<!tpu.dma_semaphore, #tpu.memory_space<semaphore_mem>>
        %dma_start3A = arith.constant 0 : i32
        %dma_start3A_84 = tpu.memref_slice %arg17[%add3A_65, %dma_start3A] : memref<10240x128xf32, #tpu.memory_space<vmem_shared>> -> memref<128x128xf32, #tpu.memory_space<vmem_shared>>
        %dma_start3A_85 = arith.constant 0 : i32
        %dma_start3A_86 = tpu.memref_slice %arg17[%add3A_65, %dma_start3A_85] : memref<10240x128xf32, #tpu.memory_space<vmem_shared>> -> memref<128x128xf32, #tpu.memory_space<vmem_shared>>
        tpu.enqueue_dma source(%dma_start3A_86 : memref<128x128xf32, #tpu.memory_space<vmem_shared>>) target(%arg16 : memref<128x128xf32, #tpu.memory_space<vmem>>) target_semaphore(%run_scoped3A : memref<!tpu.dma_semaphore, #tpu.memory_space<semaphore_mem>>)
        %dma_wait3A = arith.constant 0 : i32
        %dma_wait3A_87 = tpu.memref_slice %arg17[%add3A_65, %dma_wait3A] : memref<10240x128xf32, #tpu.memory_space<vmem_shared>> -> memref<128x128xf32, #tpu.memory_space<vmem_shared>>
        %dma_wait3A_88 = arith.constant 0 : i32
        %dma_wait3A_89 = tpu.memref_slice %arg17[%add3A_65, %dma_wait3A_88] : memref<10240x128xf32, #tpu.memory_space<vmem_shared>> -> memref<128x128xf32, #tpu.memory_space<vmem_shared>>
        tpu.wait_dma2 semaphore(%run_scoped3A : memref<!tpu.dma_semaphore, #tpu.memory_space<semaphore_mem>>) src(%dma_wait3A_89 : memref<128x128xf32, #tpu.memory_space<vmem_shared>>) dst(%arg16 : memref<128x128xf32, #tpu.memory_space<vmem>>)
        tpu.yield
      }) : () -> ()
      %add3A_66 = arith.constant 0 : i32
      %add3A_67 = arith.addi %mul3A_63, %add3A_66 : i32
      "tpu.region"() ({
        %run_scoped3A = tpu.sem_alloc : memref<!tpu.dma_semaphore, #tpu.memory_space<semaphore_mem>>
        %dma_start3A = arith.constant 0 : i32
        %dma_start3A_84 = tpu.memref_slice %arg10[%add3A_67, %dma_start3A] : memref<10240x128xf32, #tpu.memory_space<hbm>> -> memref<128x128xf32, #tpu.memory_space<hbm>>
        %dma_start3A_85 = arith.constant 0 : i32
        %dma_start3A_86 = tpu.memref_slice %arg10[%add3A_67, %dma_start3A_85] : memref<10240x128xf32, #tpu.memory_space<hbm>> -> memref<128x128xf32, #tpu.memory_space<hbm>>
        tpu.enqueue_dma source(%arg16 : memref<128x128xf32, #tpu.memory_space<vmem>>) target(%dma_start3A_86 : memref<128x128xf32, #tpu.memory_space<hbm>>) target_semaphore(%run_scoped3A : memref<!tpu.dma_semaphore, #tpu.memory_space<semaphore_mem>>)
        %dma_wait3A = arith.constant 0 : i32
        %dma_wait3A_87 = tpu.memref_slice %arg10[%add3A_67, %dma_wait3A] : memref<10240x128xf32, #tpu.memory_space<hbm>> -> memref<128x128xf32, #tpu.memory_space<hbm>>
        %dma_wait3A_88 = arith.constant 0 : i32
        %dma_wait3A_89 = tpu.memref_slice %arg10[%add3A_67, %dma_wait3A_88] : memref<10240x128xf32, #tpu.memory_space<hbm>> -> memref<128x128xf32, #tpu.memory_space<hbm>>
        tpu.wait_dma2 semaphore(%run_scoped3A : memref<!tpu.dma_semaphore, #tpu.memory_space<semaphore_mem>>) src(%arg16 : memref<128x128xf32, #tpu.memory_space<vmem>>) dst(%dma_wait3A_89 : memref<128x128xf32, #tpu.memory_space<hbm>>)
        tpu.yield
      }) : () -> ()
      %add3A_68 = arith.constant 128 : i32
      %add3A_69 = arith.addi %mul3A_63, %add3A_68 : i32
      "tpu.region"() ({
        %run_scoped3A = tpu.sem_alloc : memref<!tpu.dma_semaphore, #tpu.memory_space<semaphore_mem>>
        %dma_start3A = arith.constant 0 : i32
        %dma_start3A_84 = tpu.memref_slice %arg17[%add3A_69, %dma_start3A] : memref<10240x128xf32, #tpu.memory_space<vmem_shared>> -> memref<128x128xf32, #tpu.memory_space<vmem_shared>>
        %dma_start3A_85 = arith.constant 0 : i32
        %dma_start3A_86 = tpu.memref_slice %arg17[%add3A_69, %dma_start3A_85] : memref<10240x128xf32, #tpu.memory_space<vmem_shared>> -> memref<128x128xf32, #tpu.memory_space<vmem_shared>>
        tpu.enqueue_dma source(%dma_start3A_86 : memref<128x128xf32, #tpu.memory_space<vmem_shared>>) target(%arg16 : memref<128x128xf32, #tpu.memory_space<vmem>>) target_semaphore(%run_scoped3A : memref<!tpu.dma_semaphore, #tpu.memory_space<semaphore_mem>>)
        %dma_wait3A = arith.constant 0 : i32
        %dma_wait3A_87 = tpu.memref_slice %arg17[%add3A_69, %dma_wait3A] : memref<10240x128xf32, #tpu.memory_space<vmem_shared>> -> memref<128x128xf32, #tpu.memory_space<vmem_shared>>
        %dma_wait3A_88 = arith.constant 0 : i32
        %dma_wait3A_89 = tpu.memref_slice %arg17[%add3A_69, %dma_wait3A_88] : memref<10240x128xf32, #tpu.memory_space<vmem_shared>> -> memref<128x128xf32, #tpu.memory_space<vmem_shared>>
        tpu.wait_dma2 semaphore(%run_scoped3A : memref<!tpu.dma_semaphore, #tpu.memory_space<semaphore_mem>>) src(%dma_wait3A_89 : memref<128x128xf32, #tpu.memory_space<vmem_shared>>) dst(%arg16 : memref<128x128xf32, #tpu.memory_space<vmem>>)
        tpu.yield
      }) : () -> ()
      %add3A_70 = arith.constant 128 : i32
      %add3A_71 = arith.addi %mul3A_63, %add3A_70 : i32
      "tpu.region"() ({
        %run_scoped3A = tpu.sem_alloc : memref<!tpu.dma_semaphore, #tpu.memory_space<semaphore_mem>>
        %dma_start3A = arith.constant 0 : i32
        %dma_start3A_84 = tpu.memref_slice %arg10[%add3A_71, %dma_start3A] : memref<10240x128xf32, #tpu.memory_space<hbm>> -> memref<128x128xf32, #tpu.memory_space<hbm>>
        %dma_start3A_85 = arith.constant 0 : i32
        %dma_start3A_86 = tpu.memref_slice %arg10[%add3A_71, %dma_start3A_85] : memref<10240x128xf32, #tpu.memory_space<hbm>> -> memref<128x128xf32, #tpu.memory_space<hbm>>
        tpu.enqueue_dma source(%arg16 : memref<128x128xf32, #tpu.memory_space<vmem>>) target(%dma_start3A_86 : memref<128x128xf32, #tpu.memory_space<hbm>>) target_semaphore(%run_scoped3A : memref<!tpu.dma_semaphore, #tpu.memory_space<semaphore_mem>>)
        %dma_wait3A = arith.constant 0 : i32
        %dma_wait3A_87 = tpu.memref_slice %arg10[%add3A_71, %dma_wait3A] : memref<10240x128xf32, #tpu.memory_space<hbm>> -> memref<128x128xf32, #tpu.memory_space<hbm>>
        %dma_wait3A_88 = arith.constant 0 : i32
        %dma_wait3A_89 = tpu.memref_slice %arg10[%add3A_71, %dma_wait3A_88] : memref<10240x128xf32, #tpu.memory_space<hbm>> -> memref<128x128xf32, #tpu.memory_space<hbm>>
        tpu.wait_dma2 semaphore(%run_scoped3A : memref<!tpu.dma_semaphore, #tpu.memory_space<semaphore_mem>>) src(%arg16 : memref<128x128xf32, #tpu.memory_space<vmem>>) dst(%dma_wait3A_89 : memref<128x128xf32, #tpu.memory_space<hbm>>)
        tpu.yield
      }) : () -> ()
      %add3A_72 = arith.constant 256 : i32
      %add3A_73 = arith.addi %mul3A_63, %add3A_72 : i32
      "tpu.region"() ({
        %run_scoped3A = tpu.sem_alloc : memref<!tpu.dma_semaphore, #tpu.memory_space<semaphore_mem>>
        %dma_start3A = arith.constant 0 : i32
        %dma_start3A_84 = tpu.memref_slice %arg17[%add3A_73, %dma_start3A] : memref<10240x128xf32, #tpu.memory_space<vmem_shared>> -> memref<128x128xf32, #tpu.memory_space<vmem_shared>>
        %dma_start3A_85 = arith.constant 0 : i32
        %dma_start3A_86 = tpu.memref_slice %arg17[%add3A_73, %dma_start3A_85] : memref<10240x128xf32, #tpu.memory_space<vmem_shared>> -> memref<128x128xf32, #tpu.memory_space<vmem_shared>>
        tpu.enqueue_dma source(%dma_start3A_86 : memref<128x128xf32, #tpu.memory_space<vmem_shared>>) target(%arg16 : memref<128x128xf32, #tpu.memory_space<vmem>>) target_semaphore(%run_scoped3A : memref<!tpu.dma_semaphore, #tpu.memory_space<semaphore_mem>>)
        %dma_wait3A = arith.constant 0 : i32
        %dma_wait3A_87 = tpu.memref_slice %arg17[%add3A_73, %dma_wait3A] : memref<10240x128xf32, #tpu.memory_space<vmem_shared>> -> memref<128x128xf32, #tpu.memory_space<vmem_shared>>
        %dma_wait3A_88 = arith.constant 0 : i32
        %dma_wait3A_89 = tpu.memref_slice %arg17[%add3A_73, %dma_wait3A_88] : memref<10240x128xf32, #tpu.memory_space<vmem_shared>> -> memref<128x128xf32, #tpu.memory_space<vmem_shared>>
        tpu.wait_dma2 semaphore(%run_scoped3A : memref<!tpu.dma_semaphore, #tpu.memory_space<semaphore_mem>>) src(%dma_wait3A_89 : memref<128x128xf32, #tpu.memory_space<vmem_shared>>) dst(%arg16 : memref<128x128xf32, #tpu.memory_space<vmem>>)
        tpu.yield
      }) : () -> ()
      %add3A_74 = arith.constant 256 : i32
      %add3A_75 = arith.addi %mul3A_63, %add3A_74 : i32
      "tpu.region"() ({
        %run_scoped3A = tpu.sem_alloc : memref<!tpu.dma_semaphore, #tpu.memory_space<semaphore_mem>>
        %dma_start3A = arith.constant 0 : i32
        %dma_start3A_84 = tpu.memref_slice %arg10[%add3A_75, %dma_start3A] : memref<10240x128xf32, #tpu.memory_space<hbm>> -> memref<128x128xf32, #tpu.memory_space<hbm>>
        %dma_start3A_85 = arith.constant 0 : i32
        %dma_start3A_86 = tpu.memref_slice %arg10[%add3A_75, %dma_start3A_85] : memref<10240x128xf32, #tpu.memory_space<hbm>> -> memref<128x128xf32, #tpu.memory_space<hbm>>
        tpu.enqueue_dma source(%arg16 : memref<128x128xf32, #tpu.memory_space<vmem>>) target(%dma_start3A_86 : memref<128x128xf32, #tpu.memory_space<hbm>>) target_semaphore(%run_scoped3A : memref<!tpu.dma_semaphore, #tpu.memory_space<semaphore_mem>>)
        %dma_wait3A = arith.constant 0 : i32
        %dma_wait3A_87 = tpu.memref_slice %arg10[%add3A_75, %dma_wait3A] : memref<10240x128xf32, #tpu.memory_space<hbm>> -> memref<128x128xf32, #tpu.memory_space<hbm>>
        %dma_wait3A_88 = arith.constant 0 : i32
        %dma_wait3A_89 = tpu.memref_slice %arg10[%add3A_75, %dma_wait3A_88] : memref<10240x128xf32, #tpu.memory_space<hbm>> -> memref<128x128xf32, #tpu.memory_space<hbm>>
        tpu.wait_dma2 semaphore(%run_scoped3A : memref<!tpu.dma_semaphore, #tpu.memory_space<semaphore_mem>>) src(%arg16 : memref<128x128xf32, #tpu.memory_space<vmem>>) dst(%dma_wait3A_89 : memref<128x128xf32, #tpu.memory_space<hbm>>)
        tpu.yield
      }) : () -> ()
      %add3A_76 = arith.constant 384 : i32
      %add3A_77 = arith.addi %mul3A_63, %add3A_76 : i32
      "tpu.region"() ({
        %run_scoped3A = tpu.sem_alloc : memref<!tpu.dma_semaphore, #tpu.memory_space<semaphore_mem>>
        %dma_start3A = arith.constant 0 : i32
        %dma_start3A_84 = tpu.memref_slice %arg17[%add3A_77, %dma_start3A] : memref<10240x128xf32, #tpu.memory_space<vmem_shared>> -> memref<128x128xf32, #tpu.memory_space<vmem_shared>>
        %dma_start3A_85 = arith.constant 0 : i32
        %dma_start3A_86 = tpu.memref_slice %arg17[%add3A_77, %dma_start3A_85] : memref<10240x128xf32, #tpu.memory_space<vmem_shared>> -> memref<128x128xf32, #tpu.memory_space<vmem_shared>>
        tpu.enqueue_dma source(%dma_start3A_86 : memref<128x128xf32, #tpu.memory_space<vmem_shared>>) target(%arg16 : memref<128x128xf32, #tpu.memory_space<vmem>>) target_semaphore(%run_scoped3A : memref<!tpu.dma_semaphore, #tpu.memory_space<semaphore_mem>>)
        %dma_wait3A = arith.constant 0 : i32
        %dma_wait3A_87 = tpu.memref_slice %arg17[%add3A_77, %dma_wait3A] : memref<10240x128xf32, #tpu.memory_space<vmem_shared>> -> memref<128x128xf32, #tpu.memory_space<vmem_shared>>
        %dma_wait3A_88 = arith.constant 0 : i32
        %dma_wait3A_89 = tpu.memref_slice %arg17[%add3A_77, %dma_wait3A_88] : memref<10240x128xf32, #tpu.memory_space<vmem_shared>> -> memref<128x128xf32, #tpu.memory_space<vmem_shared>>
        tpu.wait_dma2 semaphore(%run_scoped3A : memref<!tpu.dma_semaphore, #tpu.memory_space<semaphore_mem>>) src(%dma_wait3A_89 : memref<128x128xf32, #tpu.memory_space<vmem_shared>>) dst(%arg16 : memref<128x128xf32, #tpu.memory_space<vmem>>)
        tpu.yield
      }) : () -> ()
      %add3A_78 = arith.constant 384 : i32
      %add3A_79 = arith.addi %mul3A_63, %add3A_78 : i32
      "tpu.region"() ({
        %run_scoped3A = tpu.sem_alloc : memref<!tpu.dma_semaphore, #tpu.memory_space<semaphore_mem>>
        %dma_start3A = arith.constant 0 : i32
        %dma_start3A_84 = tpu.memref_slice %arg10[%add3A_79, %dma_start3A] : memref<10240x128xf32, #tpu.memory_space<hbm>> -> memref<128x128xf32, #tpu.memory_space<hbm>>
        %dma_start3A_85 = arith.constant 0 : i32
        %dma_start3A_86 = tpu.memref_slice %arg10[%add3A_79, %dma_start3A_85] : memref<10240x128xf32, #tpu.memory_space<hbm>> -> memref<128x128xf32, #tpu.memory_space<hbm>>
        tpu.enqueue_dma source(%arg16 : memref<128x128xf32, #tpu.memory_space<vmem>>) target(%dma_start3A_86 : memref<128x128xf32, #tpu.memory_space<hbm>>) target_semaphore(%run_scoped3A : memref<!tpu.dma_semaphore, #tpu.memory_space<semaphore_mem>>)
        %dma_wait3A = arith.constant 0 : i32
        %dma_wait3A_87 = tpu.memref_slice %arg10[%add3A_79, %dma_wait3A] : memref<10240x128xf32, #tpu.memory_space<hbm>> -> memref<128x128xf32, #tpu.memory_space<hbm>>
        %dma_wait3A_88 = arith.constant 0 : i32
        %dma_wait3A_89 = tpu.memref_slice %arg10[%add3A_79, %dma_wait3A_88] : memref<10240x128xf32, #tpu.memory_space<hbm>> -> memref<128x128xf32, #tpu.memory_space<hbm>>
        tpu.wait_dma2 semaphore(%run_scoped3A : memref<!tpu.dma_semaphore, #tpu.memory_space<semaphore_mem>>) src(%arg16 : memref<128x128xf32, #tpu.memory_space<vmem>>) dst(%dma_wait3A_89 : memref<128x128xf32, #tpu.memory_space<hbm>>)
        tpu.yield
      }) : () -> ()
      %add3A_80 = arith.constant 512 : i32
      %add3A_81 = arith.addi %mul3A_63, %add3A_80 : i32
      "tpu.region"() ({
        %run_scoped3A = tpu.sem_alloc : memref<!tpu.dma_semaphore, #tpu.memory_space<semaphore_mem>>
        %dma_start3A = arith.constant 0 : i32
        %dma_start3A_84 = tpu.memref_slice %arg17[%add3A_81, %dma_start3A] : memref<10240x128xf32, #tpu.memory_space<vmem_shared>> -> memref<128x128xf32, #tpu.memory_space<vmem_shared>>
        %dma_start3A_85 = arith.constant 0 : i32
        %dma_start3A_86 = tpu.memref_slice %arg17[%add3A_81, %dma_start3A_85] : memref<10240x128xf32, #tpu.memory_space<vmem_shared>> -> memref<128x128xf32, #tpu.memory_space<vmem_shared>>
        tpu.enqueue_dma source(%dma_start3A_86 : memref<128x128xf32, #tpu.memory_space<vmem_shared>>) target(%arg16 : memref<128x128xf32, #tpu.memory_space<vmem>>) target_semaphore(%run_scoped3A : memref<!tpu.dma_semaphore, #tpu.memory_space<semaphore_mem>>)
        %dma_wait3A = arith.constant 0 : i32
        %dma_wait3A_87 = tpu.memref_slice %arg17[%add3A_81, %dma_wait3A] : memref<10240x128xf32, #tpu.memory_space<vmem_shared>> -> memref<128x128xf32, #tpu.memory_space<vmem_shared>>
        %dma_wait3A_88 = arith.constant 0 : i32
        %dma_wait3A_89 = tpu.memref_slice %arg17[%add3A_81, %dma_wait3A_88] : memref<10240x128xf32, #tpu.memory_space<vmem_shared>> -> memref<128x128xf32, #tpu.memory_space<vmem_shared>>
        tpu.wait_dma2 semaphore(%run_scoped3A : memref<!tpu.dma_semaphore, #tpu.memory_space<semaphore_mem>>) src(%dma_wait3A_89 : memref<128x128xf32, #tpu.memory_space<vmem_shared>>) dst(%arg16 : memref<128x128xf32, #tpu.memory_space<vmem>>)
        tpu.yield
      }) : () -> ()
      %add3A_82 = arith.constant 512 : i32
      %add3A_83 = arith.addi %mul3A_63, %add3A_82 : i32
      "tpu.region"() ({
        %run_scoped3A = tpu.sem_alloc : memref<!tpu.dma_semaphore, #tpu.memory_space<semaphore_mem>>
        %dma_start3A = arith.constant 0 : i32
        %dma_start3A_84 = tpu.memref_slice %arg10[%add3A_83, %dma_start3A] : memref<10240x128xf32, #tpu.memory_space<hbm>> -> memref<128x128xf32, #tpu.memory_space<hbm>>
        %dma_start3A_85 = arith.constant 0 : i32
        %dma_start3A_86 = tpu.memref_slice %arg10[%add3A_83, %dma_start3A_85] : memref<10240x128xf32, #tpu.memory_space<hbm>> -> memref<128x128xf32, #tpu.memory_space<hbm>>
        tpu.enqueue_dma source(%arg16 : memref<128x128xf32, #tpu.memory_space<vmem>>) target(%dma_start3A_86 : memref<128x128xf32, #tpu.memory_space<hbm>>) target_semaphore(%run_scoped3A : memref<!tpu.dma_semaphore, #tpu.memory_space<semaphore_mem>>)
        %dma_wait3A = arith.constant 0 : i32
        %dma_wait3A_87 = tpu.memref_slice %arg10[%add3A_83, %dma_wait3A] : memref<10240x128xf32, #tpu.memory_space<hbm>> -> memref<128x128xf32, #tpu.memory_space<hbm>>
        %dma_wait3A_88 = arith.constant 0 : i32
        %dma_wait3A_89 = tpu.memref_slice %arg10[%add3A_83, %dma_wait3A_88] : memref<10240x128xf32, #tpu.memory_space<hbm>> -> memref<128x128xf32, #tpu.memory_space<hbm>>
        tpu.wait_dma2 semaphore(%run_scoped3A : memref<!tpu.dma_semaphore, #tpu.memory_space<semaphore_mem>>) src(%arg16 : memref<128x128xf32, #tpu.memory_space<vmem>>) dst(%dma_wait3A_89 : memref<128x128xf32, #tpu.memory_space<hbm>>)
        tpu.yield
      }) : () -> ()
    } else {
    }
    %mul3A_28 = arith.constant 640 : i32
    %mul3A_29 = arith.muli %arg1, %mul3A_28 : i32
    "tpu.region"() ({
      %run_scoped3A = tpu.sem_alloc : memref<!tpu.dma_semaphore, #tpu.memory_space<semaphore_mem>>
      tpu.enqueue_dma source(%arg8 : memref<128x128xf32, #tpu.memory_space<hbm>>) target(%arg16 : memref<128x128xf32, #tpu.memory_space<vmem>>) target_semaphore(%run_scoped3A : memref<!tpu.dma_semaphore, #tpu.memory_space<semaphore_mem>>)
      tpu.wait_dma2 semaphore(%run_scoped3A : memref<!tpu.dma_semaphore, #tpu.memory_space<semaphore_mem>>) src(%arg8 : memref<128x128xf32, #tpu.memory_space<hbm>>) dst(%arg16 : memref<128x128xf32, #tpu.memory_space<vmem>>)
      tpu.yield
    }) : () -> ()
    %add3A_30 = arith.constant 0 : i32
    %add3A_31 = arith.addi %mul3A_29, %add3A_30 : i32
    "tpu.region"() ({
      %run_scoped3A = tpu.sem_alloc : memref<!tpu.dma_semaphore, #tpu.memory_space<semaphore_mem>>
      %dma_start3A = arith.constant 0 : i32
      %dma_start3A_62 = tpu.memref_slice %arg17[%add3A_31, %dma_start3A] : memref<10240x128xf32, #tpu.memory_space<vmem_shared>> -> memref<128x128xf32, #tpu.memory_space<vmem_shared>>
      %dma_start3A_63 = arith.constant 0 : i32
      %dma_start3A_64 = tpu.memref_slice %arg17[%add3A_31, %dma_start3A_63] : memref<10240x128xf32, #tpu.memory_space<vmem_shared>> -> memref<128x128xf32, #tpu.memory_space<vmem_shared>>
      tpu.enqueue_dma source(%arg16 : memref<128x128xf32, #tpu.memory_space<vmem>>) target(%dma_start3A_64 : memref<128x128xf32, #tpu.memory_space<vmem_shared>>) target_semaphore(%run_scoped3A : memref<!tpu.dma_semaphore, #tpu.memory_space<semaphore_mem>>)
      %dma_wait3A = arith.constant 0 : i32
      %dma_wait3A_65 = tpu.memref_slice %arg17[%add3A_31, %dma_wait3A] : memref<10240x128xf32, #tpu.memory_space<vmem_shared>> -> memref<128x128xf32, #tpu.memory_space<vmem_shared>>
      %dma_wait3A_66 = arith.constant 0 : i32
      %dma_wait3A_67 = tpu.memref_slice %arg17[%add3A_31, %dma_wait3A_66] : memref<10240x128xf32, #tpu.memory_space<vmem_shared>> -> memref<128x128xf32, #tpu.memory_space<vmem_shared>>
      tpu.wait_dma2 semaphore(%run_scoped3A : memref<!tpu.dma_semaphore, #tpu.memory_space<semaphore_mem>>) src(%arg16 : memref<128x128xf32, #tpu.memory_space<vmem>>) dst(%dma_wait3A_67 : memref<128x128xf32, #tpu.memory_space<vmem_shared>>)
      tpu.yield
    }) : () -> ()
    %add3A_32 = arith.constant 128 : i32
    %add3A_33 = arith.addi %mul3A_29, %add3A_32 : i32
    "tpu.region"() ({
      %run_scoped3A = tpu.sem_alloc : memref<!tpu.dma_semaphore, #tpu.memory_space<semaphore_mem>>
      %dma_start3A = arith.constant 0 : i32
      %dma_start3A_62 = tpu.memref_slice %arg17[%add3A_33, %dma_start3A] : memref<10240x128xf32, #tpu.memory_space<vmem_shared>> -> memref<128x128xf32, #tpu.memory_space<vmem_shared>>
      %dma_start3A_63 = arith.constant 0 : i32
      %dma_start3A_64 = tpu.memref_slice %arg17[%add3A_33, %dma_start3A_63] : memref<10240x128xf32, #tpu.memory_space<vmem_shared>> -> memref<128x128xf32, #tpu.memory_space<vmem_shared>>
      tpu.enqueue_dma source(%arg16 : memref<128x128xf32, #tpu.memory_space<vmem>>) target(%dma_start3A_64 : memref<128x128xf32, #tpu.memory_space<vmem_shared>>) target_semaphore(%run_scoped3A : memref<!tpu.dma_semaphore, #tpu.memory_space<semaphore_mem>>)
      %dma_wait3A = arith.constant 0 : i32
      %dma_wait3A_65 = tpu.memref_slice %arg17[%add3A_33, %dma_wait3A] : memref<10240x128xf32, #tpu.memory_space<vmem_shared>> -> memref<128x128xf32, #tpu.memory_space<vmem_shared>>
      %dma_wait3A_66 = arith.constant 0 : i32
      %dma_wait3A_67 = tpu.memref_slice %arg17[%add3A_33, %dma_wait3A_66] : memref<10240x128xf32, #tpu.memory_space<vmem_shared>> -> memref<128x128xf32, #tpu.memory_space<vmem_shared>>
      tpu.wait_dma2 semaphore(%run_scoped3A : memref<!tpu.dma_semaphore, #tpu.memory_space<semaphore_mem>>) src(%arg16 : memref<128x128xf32, #tpu.memory_space<vmem>>) dst(%dma_wait3A_67 : memref<128x128xf32, #tpu.memory_space<vmem_shared>>)
      tpu.yield
    }) : () -> ()
    %add3A_34 = arith.constant 256 : i32
    %add3A_35 = arith.addi %mul3A_29, %add3A_34 : i32
    "tpu.region"() ({
      %run_scoped3A = tpu.sem_alloc : memref<!tpu.dma_semaphore, #tpu.memory_space<semaphore_mem>>
      %dma_start3A = arith.constant 0 : i32
      %dma_start3A_62 = tpu.memref_slice %arg17[%add3A_35, %dma_start3A] : memref<10240x128xf32, #tpu.memory_space<vmem_shared>> -> memref<128x128xf32, #tpu.memory_space<vmem_shared>>
      %dma_start3A_63 = arith.constant 0 : i32
      %dma_start3A_64 = tpu.memref_slice %arg17[%add3A_35, %dma_start3A_63] : memref<10240x128xf32, #tpu.memory_space<vmem_shared>> -> memref<128x128xf32, #tpu.memory_space<vmem_shared>>
      tpu.enqueue_dma source(%arg16 : memref<128x128xf32, #tpu.memory_space<vmem>>) target(%dma_start3A_64 : memref<128x128xf32, #tpu.memory_space<vmem_shared>>) target_semaphore(%run_scoped3A : memref<!tpu.dma_semaphore, #tpu.memory_space<semaphore_mem>>)
      %dma_wait3A = arith.constant 0 : i32
      %dma_wait3A_65 = tpu.memref_slice %arg17[%add3A_35, %dma_wait3A] : memref<10240x128xf32, #tpu.memory_space<vmem_shared>> -> memref<128x128xf32, #tpu.memory_space<vmem_shared>>
      %dma_wait3A_66 = arith.constant 0 : i32
      %dma_wait3A_67 = tpu.memref_slice %arg17[%add3A_35, %dma_wait3A_66] : memref<10240x128xf32, #tpu.memory_space<vmem_shared>> -> memref<128x128xf32, #tpu.memory_space<vmem_shared>>
      tpu.wait_dma2 semaphore(%run_scoped3A : memref<!tpu.dma_semaphore, #tpu.memory_space<semaphore_mem>>) src(%arg16 : memref<128x128xf32, #tpu.memory_space<vmem>>) dst(%dma_wait3A_67 : memref<128x128xf32, #tpu.memory_space<vmem_shared>>)
      tpu.yield
    }) : () -> ()
    %add3A_36 = arith.constant 384 : i32
    %add3A_37 = arith.addi %mul3A_29, %add3A_36 : i32
    "tpu.region"() ({
      %run_scoped3A = tpu.sem_alloc : memref<!tpu.dma_semaphore, #tpu.memory_space<semaphore_mem>>
      %dma_start3A = arith.constant 0 : i32
      %dma_start3A_62 = tpu.memref_slice %arg17[%add3A_37, %dma_start3A] : memref<10240x128xf32, #tpu.memory_space<vmem_shared>> -> memref<128x128xf32, #tpu.memory_space<vmem_shared>>
      %dma_start3A_63 = arith.constant 0 : i32
      %dma_start3A_64 = tpu.memref_slice %arg17[%add3A_37, %dma_start3A_63] : memref<10240x128xf32, #tpu.memory_space<vmem_shared>> -> memref<128x128xf32, #tpu.memory_space<vmem_shared>>
      tpu.enqueue_dma source(%arg16 : memref<128x128xf32, #tpu.memory_space<vmem>>) target(%dma_start3A_64 : memref<128x128xf32, #tpu.memory_space<vmem_shared>>) target_semaphore(%run_scoped3A : memref<!tpu.dma_semaphore, #tpu.memory_space<semaphore_mem>>)
      %dma_wait3A = arith.constant 0 : i32
      %dma_wait3A_65 = tpu.memref_slice %arg17[%add3A_37, %dma_wait3A] : memref<10240x128xf32, #tpu.memory_space<vmem_shared>> -> memref<128x128xf32, #tpu.memory_space<vmem_shared>>
      %dma_wait3A_66 = arith.constant 0 : i32
      %dma_wait3A_67 = tpu.memref_slice %arg17[%add3A_37, %dma_wait3A_66] : memref<10240x128xf32, #tpu.memory_space<vmem_shared>> -> memref<128x128xf32, #tpu.memory_space<vmem_shared>>
      tpu.wait_dma2 semaphore(%run_scoped3A : memref<!tpu.dma_semaphore, #tpu.memory_space<semaphore_mem>>) src(%arg16 : memref<128x128xf32, #tpu.memory_space<vmem>>) dst(%dma_wait3A_67 : memref<128x128xf32, #tpu.memory_space<vmem_shared>>)
      tpu.yield
    }) : () -> ()
    %add3A_38 = arith.constant 512 : i32
    %add3A_39 = arith.addi %mul3A_29, %add3A_38 : i32
    "tpu.region"() ({
      %run_scoped3A = tpu.sem_alloc : memref<!tpu.dma_semaphore, #tpu.memory_space<semaphore_mem>>
      %dma_start3A = arith.constant 0 : i32
      %dma_start3A_62 = tpu.memref_slice %arg17[%add3A_39, %dma_start3A] : memref<10240x128xf32, #tpu.memory_space<vmem_shared>> -> memref<128x128xf32, #tpu.memory_space<vmem_shared>>
      %dma_start3A_63 = arith.constant 0 : i32
      %dma_start3A_64 = tpu.memref_slice %arg17[%add3A_39, %dma_start3A_63] : memref<10240x128xf32, #tpu.memory_space<vmem_shared>> -> memref<128x128xf32, #tpu.memory_space<vmem_shared>>
      tpu.enqueue_dma source(%arg16 : memref<128x128xf32, #tpu.memory_space<vmem>>) target(%dma_start3A_64 : memref<128x128xf32, #tpu.memory_space<vmem_shared>>) target_semaphore(%run_scoped3A : memref<!tpu.dma_semaphore, #tpu.memory_space<semaphore_mem>>)
      %dma_wait3A = arith.constant 0 : i32
      %dma_wait3A_65 = tpu.memref_slice %arg17[%add3A_39, %dma_wait3A] : memref<10240x128xf32, #tpu.memory_space<vmem_shared>> -> memref<128x128xf32, #tpu.memory_space<vmem_shared>>
      %dma_wait3A_66 = arith.constant 0 : i32
      %dma_wait3A_67 = tpu.memref_slice %arg17[%add3A_39, %dma_wait3A_66] : memref<10240x128xf32, #tpu.memory_space<vmem_shared>> -> memref<128x128xf32, #tpu.memory_space<vmem_shared>>
      tpu.wait_dma2 semaphore(%run_scoped3A : memref<!tpu.dma_semaphore, #tpu.memory_space<semaphore_mem>>) src(%arg16 : memref<128x128xf32, #tpu.memory_space<vmem>>) dst(%dma_wait3A_67 : memref<128x128xf32, #tpu.memory_space<vmem_shared>>)
      tpu.yield
    }) : () -> ()
    "tpu.region"() ({
      %run_scoped3A = tpu.sem_alloc : memref<!tpu.dma_semaphore, #tpu.memory_space<semaphore_mem>>
      %dma_start3A = arith.constant 0 : i32
      %dma_start3A_62 = arith.constant 0 : i32
      %dma_start3A_63 = tpu.memref_slice %arg6[%arg1, %dma_start3A, %dma_start3A_62] : memref<16x125x80xi32, #tpu.memory_space<hbm>> -> memref<1x125x80xi32, #tpu.memory_space<hbm>>
      %dma_start3A_64 = tpu.memref_squeeze %dma_start3A_63 : memref<1x125x80xi32, #tpu.memory_space<hbm>> -> memref<125x80xi32, #tpu.memory_space<hbm>>
      %dma_start3A_65 = arith.constant 0 : i32
      %dma_start3A_66 = arith.constant 0 : i32
      %dma_start3A_67 = tpu.memref_slice %arg6[%arg1, %dma_start3A_65, %dma_start3A_66] : memref<16x125x80xi32, #tpu.memory_space<hbm>> -> memref<1x125x80xi32, #tpu.memory_space<hbm>>
      %dma_start3A_68 = tpu.memref_squeeze %dma_start3A_67 : memref<1x125x80xi32, #tpu.memory_space<hbm>> -> memref<125x80xi32, #tpu.memory_space<hbm>>
      tpu.enqueue_dma source(%dma_start3A_68 : memref<125x80xi32, #tpu.memory_space<hbm>>) target(%arg13 : memref<125x80xi32, #tpu.memory_space<vmem>>) target_semaphore(%run_scoped3A : memref<!tpu.dma_semaphore, #tpu.memory_space<semaphore_mem>>)
      %dma_wait3A = arith.constant 0 : i32
      %dma_wait3A_69 = arith.constant 0 : i32
      %dma_wait3A_70 = tpu.memref_slice %arg6[%arg1, %dma_wait3A, %dma_wait3A_69] : memref<16x125x80xi32, #tpu.memory_space<hbm>> -> memref<1x125x80xi32, #tpu.memory_space<hbm>>
      %dma_wait3A_71 = tpu.memref_squeeze %dma_wait3A_70 : memref<1x125x80xi32, #tpu.memory_space<hbm>> -> memref<125x80xi32, #tpu.memory_space<hbm>>
      %dma_wait3A_72 = arith.constant 0 : i32
      %dma_wait3A_73 = arith.constant 0 : i32
      %dma_wait3A_74 = tpu.memref_slice %arg6[%arg1, %dma_wait3A_72, %dma_wait3A_73] : memref<16x125x80xi32, #tpu.memory_space<hbm>> -> memref<1x125x80xi32, #tpu.memory_space<hbm>>
      %dma_wait3A_75 = tpu.memref_squeeze %dma_wait3A_74 : memref<1x125x80xi32, #tpu.memory_space<hbm>> -> memref<125x80xi32, #tpu.memory_space<hbm>>
      tpu.wait_dma2 semaphore(%run_scoped3A : memref<!tpu.dma_semaphore, #tpu.memory_space<semaphore_mem>>) src(%dma_wait3A_75 : memref<125x80xi32, #tpu.memory_space<hbm>>) dst(%arg13 : memref<125x80xi32, #tpu.memory_space<vmem>>)
      tpu.yield
    }) : () -> ()
    "tpu.region"() ({
      %run_scoped3A = tpu.sem_alloc : memref<!tpu.dma_semaphore, #tpu.memory_space<semaphore_mem>>
      %dma_start3A = arith.constant 0 : i32
      %dma_start3A_62 = arith.constant 0 : i32
      %dma_start3A_63 = tpu.memref_slice %arg7[%arg1, %dma_start3A, %dma_start3A_62] : memref<16x125x80xi32, #tpu.memory_space<hbm>> -> memref<1x125x80xi32, #tpu.memory_space<hbm>>
      %dma_start3A_64 = tpu.memref_squeeze %dma_start3A_63 : memref<1x125x80xi32, #tpu.memory_space<hbm>> -> memref<125x80xi32, #tpu.memory_space<hbm>>
      %dma_start3A_65 = arith.constant 0 : i32
      %dma_start3A_66 = arith.constant 0 : i32
      %dma_start3A_67 = tpu.memref_slice %arg7[%arg1, %dma_start3A_65, %dma_start3A_66] : memref<16x125x80xi32, #tpu.memory_space<hbm>> -> memref<1x125x80xi32, #tpu.memory_space<hbm>>
      %dma_start3A_68 = tpu.memref_squeeze %dma_start3A_67 : memref<1x125x80xi32, #tpu.memory_space<hbm>> -> memref<125x80xi32, #tpu.memory_space<hbm>>
      tpu.enqueue_dma source(%dma_start3A_68 : memref<125x80xi32, #tpu.memory_space<hbm>>) target(%arg14 : memref<125x80xi32, #tpu.memory_space<vmem>>) target_semaphore(%run_scoped3A : memref<!tpu.dma_semaphore, #tpu.memory_space<semaphore_mem>>)
      %dma_wait3A = arith.constant 0 : i32
      %dma_wait3A_69 = arith.constant 0 : i32
      %dma_wait3A_70 = tpu.memref_slice %arg7[%arg1, %dma_wait3A, %dma_wait3A_69] : memref<16x125x80xi32, #tpu.memory_space<hbm>> -> memref<1x125x80xi32, #tpu.memory_space<hbm>>
      %dma_wait3A_71 = tpu.memref_squeeze %dma_wait3A_70 : memref<1x125x80xi32, #tpu.memory_space<hbm>> -> memref<125x80xi32, #tpu.memory_space<hbm>>
      %dma_wait3A_72 = arith.constant 0 : i32
      %dma_wait3A_73 = arith.constant 0 : i32
      %dma_wait3A_74 = tpu.memref_slice %arg7[%arg1, %dma_wait3A_72, %dma_wait3A_73] : memref<16x125x80xi32, #tpu.memory_space<hbm>> -> memref<1x125x80xi32, #tpu.memory_space<hbm>>
      %dma_wait3A_75 = tpu.memref_squeeze %dma_wait3A_74 : memref<1x125x80xi32, #tpu.memory_space<hbm>> -> memref<125x80xi32, #tpu.memory_space<hbm>>
      tpu.wait_dma2 semaphore(%run_scoped3A : memref<!tpu.dma_semaphore, #tpu.memory_space<semaphore_mem>>) src(%dma_wait3A_75 : memref<125x80xi32, #tpu.memory_space<hbm>>) dst(%arg14 : memref<125x80xi32, #tpu.memory_space<vmem>>)
      tpu.yield
    }) : () -> ()
    %barrier3A_40 = arith.constant 0 : index
    tpu.barrier barrier_id(%barrier3A_40)
    %eq3A_41 = arith.constant 0 : i32
    %eq3A_42 = arith.cmpi eq, %arg0, %eq3A_41 : i32
    %convert_element_type3A_43 = arith.extui %eq3A_42 : i1 to i32
    %cond3A_44 = arith.constant 0 : i32
    %cond3A_45 = arith.cmpi ne, %convert_element_type3A_43, %cond3A_44 : i32
    scf.if %cond3A_45 {
      %scan3A = arith.constant 0 : i32
      %scan3A_62 = arith.constant 0 : i32
      %scan3A_63 = arith.constant 125 : i32
      %scan3A_64 = arith.addi %scan3A_62, %scan3A_63 : i32
      %scan3A_65 = arith.constant 1 : i32
      scf.for %scan3A_67 = %scan3A_62 to %scan3A_64 step %scan3A_65  : i32 {
        "tpu.region"() ({
          %run_scoped3A = tpu.sem_alloc : memref<!tpu.dma_semaphore, #tpu.memory_space<semaphore_mem>>
          %dma_start3A = arith.constant 0 : i32
          %dma_start3A_68 = tpu.memref_slice %arg13[%scan3A_67, %dma_start3A] : memref<125x80xi32, #tpu.memory_space<vmem>> -> memref<1x80xi32, #tpu.memory_space<vmem>>
          %dma_start3A_69 = tpu.memref_squeeze %dma_start3A_68 : memref<1x80xi32, #tpu.memory_space<vmem>> -> memref<80xi32, #tpu.memory_space<vmem>>
          %dma_start3A_70 = arith.constant 0 : i32
          %dma_start3A_71 = arith.constant 0 : i32
          %dma_start3A_72 = tpu.memref_slice %arg2[%dma_start3A_70, %dma_start3A_71] : memref<10240x128xf32, #tpu.memory_space<hbm>> -> memref<10240x128xf32, #tpu.memory_space<hbm>>
          tpu.enqueue_indirect_dma source(%dma_start3A_72 : memref<10240x128xf32, #tpu.memory_space<hbm>>) target(%arg15 : memref<80x128xf32, #tpu.memory_space<vmem>>) offsets(%dma_start3A_69 : memref<80xi32, #tpu.memory_space<vmem>>) semaphore(%run_scoped3A : memref<!tpu.dma_semaphore, #tpu.memory_space<semaphore_mem>>)
          %dma_wait3A = arith.constant 0 : i32
          %dma_wait3A_73 = tpu.memref_slice %arg13[%scan3A_67, %dma_wait3A] : memref<125x80xi32, #tpu.memory_space<vmem>> -> memref<1x80xi32, #tpu.memory_space<vmem>>
          %dma_wait3A_74 = tpu.memref_squeeze %dma_wait3A_73 : memref<1x80xi32, #tpu.memory_space<vmem>> -> memref<80xi32, #tpu.memory_space<vmem>>
          %dma_wait3A_75 = arith.constant 0 : i32
          %dma_wait3A_76 = arith.constant 0 : i32
          %dma_wait3A_77 = tpu.memref_slice %arg2[%dma_wait3A_75, %dma_wait3A_76] : memref<10240x128xf32, #tpu.memory_space<hbm>> -> memref<10240x128xf32, #tpu.memory_space<hbm>>
          tpu.wait_indirect_dma semaphore(%run_scoped3A : memref<!tpu.dma_semaphore, #tpu.memory_space<semaphore_mem>>) src(%dma_wait3A_77 : memref<10240x128xf32, #tpu.memory_space<hbm>>) dst(%arg15 : memref<80x128xf32, #tpu.memory_space<vmem>>)
          tpu.yield
        }) : () -> ()
        "tpu.region"() ({
          %run_scoped3A = tpu.sem_alloc : memref<!tpu.dma_semaphore, #tpu.memory_space<semaphore_mem>>
          %dma_start3A = arith.constant 0 : i32
          %dma_start3A_68 = tpu.memref_slice %arg14[%scan3A_67, %dma_start3A] : memref<125x80xi32, #tpu.memory_space<vmem>> -> memref<1x80xi32, #tpu.memory_space<vmem>>
          %dma_start3A_69 = tpu.memref_squeeze %dma_start3A_68 : memref<1x80xi32, #tpu.memory_space<vmem>> -> memref<80xi32, #tpu.memory_space<vmem>>
          %dma_start3A_70 = arith.constant 0 : i32
          %dma_start3A_71 = arith.constant 0 : i32
          %dma_start3A_72 = tpu.memref_slice %arg17[%dma_start3A_70, %dma_start3A_71] : memref<10240x128xf32, #tpu.memory_space<vmem_shared>> -> memref<10240x128xf32, #tpu.memory_space<vmem_shared>>
          tpu.enqueue_indirect_dma source(%arg15 : memref<80x128xf32, #tpu.memory_space<vmem>>) target(%dma_start3A_72 : memref<10240x128xf32, #tpu.memory_space<vmem_shared>>) offsets(%dma_start3A_69 : memref<80xi32, #tpu.memory_space<vmem>>) semaphore(%run_scoped3A : memref<!tpu.dma_semaphore, #tpu.memory_space<semaphore_mem>>) {add = true}
          %dma_wait3A = arith.constant 0 : i32
          %dma_wait3A_73 = tpu.memref_slice %arg14[%scan3A_67, %dma_wait3A] : memref<125x80xi32, #tpu.memory_space<vmem>> -> memref<1x80xi32, #tpu.memory_space<vmem>>
          %dma_wait3A_74 = tpu.memref_squeeze %dma_wait3A_73 : memref<1x80xi32, #tpu.memory_space<vmem>> -> memref<80xi32, #tpu.memory_space<vmem>>
          %dma_wait3A_75 = arith.constant 0 : i32
          %dma_wait3A_76 = arith.constant 0 : i32
          %dma_wait3A_77 = tpu.memref_slice %arg17[%dma_wait3A_75, %dma_wait3A_76] : memref<10240x128xf32, #tpu.memory_space<vmem_shared>> -> memref<10240x128xf32, #tpu.memory_space<vmem_shared>>
          tpu.wait_indirect_dma semaphore(%run_scoped3A : memref<!tpu.dma_semaphore, #tpu.memory_space<semaphore_mem>>) src(%arg15 : memref<80x128xf32, #tpu.memory_space<vmem>>) dst(%dma_wait3A_77 : memref<10240x128xf32, #tpu.memory_space<vmem_shared>>)
          tpu.yield
        }) : () -> ()
      }
      %scan3A_66 = arith.constant 125 : i32
    } else {
    }
    %eq3A_46 = arith.constant 1 : i32
    %eq3A_47 = arith.cmpi eq, %arg0, %eq3A_46 : i32
    %convert_element_type3A_48 = arith.extui %eq3A_47 : i1 to i32
    %cond3A_49 = arith.constant 0 : i32
    %cond3A_50 = arith.cmpi ne, %convert_element_type3A_48, %cond3A_49 : i32
    scf.if %cond3A_50 {
      %scan3A = arith.constant 0 : i32
      %scan3A_62 = arith.constant 0 : i32
      %scan3A_63 = arith.constant 125 : i32
      %scan3A_64 = arith.addi %scan3A_62, %scan3A_63 : i32
      %scan3A_65 = arith.constant 1 : i32
      scf.for %scan3A_67 = %scan3A_62 to %scan3A_64 step %scan3A_65  : i32 {
        "tpu.region"() ({
          %run_scoped3A = tpu.sem_alloc : memref<!tpu.dma_semaphore, #tpu.memory_space<semaphore_mem>>
          %dma_start3A = arith.constant 0 : i32
          %dma_start3A_68 = tpu.memref_slice %arg13[%scan3A_67, %dma_start3A] : memref<125x80xi32, #tpu.memory_space<vmem>> -> memref<1x80xi32, #tpu.memory_space<vmem>>
          %dma_start3A_69 = tpu.memref_squeeze %dma_start3A_68 : memref<1x80xi32, #tpu.memory_space<vmem>> -> memref<80xi32, #tpu.memory_space<vmem>>
          %dma_start3A_70 = arith.constant 0 : i32
          %dma_start3A_71 = arith.constant 0 : i32
          %dma_start3A_72 = tpu.memref_slice %arg3[%dma_start3A_70, %dma_start3A_71] : memref<10240x128xf32, #tpu.memory_space<hbm>> -> memref<10240x128xf32, #tpu.memory_space<hbm>>
          tpu.enqueue_indirect_dma source(%dma_start3A_72 : memref<10240x128xf32, #tpu.memory_space<hbm>>) target(%arg15 : memref<80x128xf32, #tpu.memory_space<vmem>>) offsets(%dma_start3A_69 : memref<80xi32, #tpu.memory_space<vmem>>) semaphore(%run_scoped3A : memref<!tpu.dma_semaphore, #tpu.memory_space<semaphore_mem>>)
          %dma_wait3A = arith.constant 0 : i32
          %dma_wait3A_73 = tpu.memref_slice %arg13[%scan3A_67, %dma_wait3A] : memref<125x80xi32, #tpu.memory_space<vmem>> -> memref<1x80xi32, #tpu.memory_space<vmem>>
          %dma_wait3A_74 = tpu.memref_squeeze %dma_wait3A_73 : memref<1x80xi32, #tpu.memory_space<vmem>> -> memref<80xi32, #tpu.memory_space<vmem>>
          %dma_wait3A_75 = arith.constant 0 : i32
          %dma_wait3A_76 = arith.constant 0 : i32
          %dma_wait3A_77 = tpu.memref_slice %arg3[%dma_wait3A_75, %dma_wait3A_76] : memref<10240x128xf32, #tpu.memory_space<hbm>> -> memref<10240x128xf32, #tpu.memory_space<hbm>>
          tpu.wait_indirect_dma semaphore(%run_scoped3A : memref<!tpu.dma_semaphore, #tpu.memory_space<semaphore_mem>>) src(%dma_wait3A_77 : memref<10240x128xf32, #tpu.memory_space<hbm>>) dst(%arg15 : memref<80x128xf32, #tpu.memory_space<vmem>>)
          tpu.yield
        }) : () -> ()
        "tpu.region"() ({
          %run_scoped3A = tpu.sem_alloc : memref<!tpu.dma_semaphore, #tpu.memory_space<semaphore_mem>>
          %dma_start3A = arith.constant 0 : i32
          %dma_start3A_68 = tpu.memref_slice %arg14[%scan3A_67, %dma_start3A] : memref<125x80xi32, #tpu.memory_space<vmem>> -> memref<1x80xi32, #tpu.memory_space<vmem>>
          %dma_start3A_69 = tpu.memref_squeeze %dma_start3A_68 : memref<1x80xi32, #tpu.memory_space<vmem>> -> memref<80xi32, #tpu.memory_space<vmem>>
          %dma_start3A_70 = arith.constant 0 : i32
          %dma_start3A_71 = arith.constant 0 : i32
          %dma_start3A_72 = tpu.memref_slice %arg17[%dma_start3A_70, %dma_start3A_71] : memref<10240x128xf32, #tpu.memory_space<vmem_shared>> -> memref<10240x128xf32, #tpu.memory_space<vmem_shared>>
          tpu.enqueue_indirect_dma source(%arg15 : memref<80x128xf32, #tpu.memory_space<vmem>>) target(%dma_start3A_72 : memref<10240x128xf32, #tpu.memory_space<vmem_shared>>) offsets(%dma_start3A_69 : memref<80xi32, #tpu.memory_space<vmem>>) semaphore(%run_scoped3A : memref<!tpu.dma_semaphore, #tpu.memory_space<semaphore_mem>>) {add = true}
          %dma_wait3A = arith.constant 0 : i32
          %dma_wait3A_73 = tpu.memref_slice %arg14[%scan3A_67, %dma_wait3A] : memref<125x80xi32, #tpu.memory_space<vmem>> -> memref<1x80xi32, #tpu.memory_space<vmem>>
          %dma_wait3A_74 = tpu.memref_squeeze %dma_wait3A_73 : memref<1x80xi32, #tpu.memory_space<vmem>> -> memref<80xi32, #tpu.memory_space<vmem>>
          %dma_wait3A_75 = arith.constant 0 : i32
          %dma_wait3A_76 = arith.constant 0 : i32
          %dma_wait3A_77 = tpu.memref_slice %arg17[%dma_wait3A_75, %dma_wait3A_76] : memref<10240x128xf32, #tpu.memory_space<vmem_shared>> -> memref<10240x128xf32, #tpu.memory_space<vmem_shared>>
          tpu.wait_indirect_dma semaphore(%run_scoped3A : memref<!tpu.dma_semaphore, #tpu.memory_space<semaphore_mem>>) src(%arg15 : memref<80x128xf32, #tpu.memory_space<vmem>>) dst(%dma_wait3A_77 : memref<10240x128xf32, #tpu.memory_space<vmem_shared>>)
          tpu.yield
        }) : () -> ()
      }
      %scan3A_66 = arith.constant 125 : i32
    } else {
    }
    %barrier3A_51 = arith.constant 0 : index
    tpu.barrier barrier_id(%barrier3A_51)
    %eq3A_52 = arith.constant 0 : i32
    %eq3A_53 = arith.cmpi eq, %arg0, %eq3A_52 : i32
    %convert_element_type3A_54 = arith.extui %eq3A_53 : i1 to i32
    %cond3A_55 = arith.constant 0 : i32
    %cond3A_56 = arith.cmpi ne, %convert_element_type3A_54, %cond3A_55 : i32
    scf.if %cond3A_56 {
      %mul3A_62 = arith.constant 640 : i32
      %mul3A_63 = arith.muli %arg1, %mul3A_62 : i32
      %add3A_64 = arith.constant 0 : i32
      %add3A_65 = arith.addi %mul3A_63, %add3A_64 : i32
      "tpu.region"() ({
        %run_scoped3A = tpu.sem_alloc : memref<!tpu.dma_semaphore, #tpu.memory_space<semaphore_mem>>
        %dma_start3A = arith.constant 0 : i32
        %dma_start3A_84 = tpu.memref_slice %arg17[%add3A_65, %dma_start3A] : memref<10240x128xf32, #tpu.memory_space<vmem_shared>> -> memref<128x128xf32, #tpu.memory_space<vmem_shared>>
        %dma_start3A_85 = arith.constant 0 : i32
        %dma_start3A_86 = tpu.memref_slice %arg17[%add3A_65, %dma_start3A_85] : memref<10240x128xf32, #tpu.memory_space<vmem_shared>> -> memref<128x128xf32, #tpu.memory_space<vmem_shared>>
        tpu.enqueue_dma source(%dma_start3A_86 : memref<128x128xf32, #tpu.memory_space<vmem_shared>>) target(%arg16 : memref<128x128xf32, #tpu.memory_space<vmem>>) target_semaphore(%run_scoped3A : memref<!tpu.dma_semaphore, #tpu.memory_space<semaphore_mem>>)
        %dma_wait3A = arith.constant 0 : i32
        %dma_wait3A_87 = tpu.memref_slice %arg17[%add3A_65, %dma_wait3A] : memref<10240x128xf32, #tpu.memory_space<vmem_shared>> -> memref<128x128xf32, #tpu.memory_space<vmem_shared>>
        %dma_wait3A_88 = arith.constant 0 : i32
        %dma_wait3A_89 = tpu.memref_slice %arg17[%add3A_65, %dma_wait3A_88] : memref<10240x128xf32, #tpu.memory_space<vmem_shared>> -> memref<128x128xf32, #tpu.memory_space<vmem_shared>>
        tpu.wait_dma2 semaphore(%run_scoped3A : memref<!tpu.dma_semaphore, #tpu.memory_space<semaphore_mem>>) src(%dma_wait3A_89 : memref<128x128xf32, #tpu.memory_space<vmem_shared>>) dst(%arg16 : memref<128x128xf32, #tpu.memory_space<vmem>>)
        tpu.yield
      }) : () -> ()
      %add3A_66 = arith.constant 0 : i32
      %add3A_67 = arith.addi %mul3A_63, %add3A_66 : i32
      "tpu.region"() ({
        %run_scoped3A = tpu.sem_alloc : memref<!tpu.dma_semaphore, #tpu.memory_space<semaphore_mem>>
        %dma_start3A = arith.constant 0 : i32
        %dma_start3A_84 = tpu.memref_slice %arg11[%add3A_67, %dma_start3A] : memref<10240x128xf32, #tpu.memory_space<hbm>> -> memref<128x128xf32, #tpu.memory_space<hbm>>
        %dma_start3A_85 = arith.constant 0 : i32
        %dma_start3A_86 = tpu.memref_slice %arg11[%add3A_67, %dma_start3A_85] : memref<10240x128xf32, #tpu.memory_space<hbm>> -> memref<128x128xf32, #tpu.memory_space<hbm>>
        tpu.enqueue_dma source(%arg16 : memref<128x128xf32, #tpu.memory_space<vmem>>) target(%dma_start3A_86 : memref<128x128xf32, #tpu.memory_space<hbm>>) target_semaphore(%run_scoped3A : memref<!tpu.dma_semaphore, #tpu.memory_space<semaphore_mem>>)
        %dma_wait3A = arith.constant 0 : i32
        %dma_wait3A_87 = tpu.memref_slice %arg11[%add3A_67, %dma_wait3A] : memref<10240x128xf32, #tpu.memory_space<hbm>> -> memref<128x128xf32, #tpu.memory_space<hbm>>
        %dma_wait3A_88 = arith.constant 0 : i32
        %dma_wait3A_89 = tpu.memref_slice %arg11[%add3A_67, %dma_wait3A_88] : memref<10240x128xf32, #tpu.memory_space<hbm>> -> memref<128x128xf32, #tpu.memory_space<hbm>>
        tpu.wait_dma2 semaphore(%run_scoped3A : memref<!tpu.dma_semaphore, #tpu.memory_space<semaphore_mem>>) src(%arg16 : memref<128x128xf32, #tpu.memory_space<vmem>>) dst(%dma_wait3A_89 : memref<128x128xf32, #tpu.memory_space<hbm>>)
        tpu.yield
      }) : () -> ()
      %add3A_68 = arith.constant 128 : i32
      %add3A_69 = arith.addi %mul3A_63, %add3A_68 : i32
      "tpu.region"() ({
        %run_scoped3A = tpu.sem_alloc : memref<!tpu.dma_semaphore, #tpu.memory_space<semaphore_mem>>
        %dma_start3A = arith.constant 0 : i32
        %dma_start3A_84 = tpu.memref_slice %arg17[%add3A_69, %dma_start3A] : memref<10240x128xf32, #tpu.memory_space<vmem_shared>> -> memref<128x128xf32, #tpu.memory_space<vmem_shared>>
        %dma_start3A_85 = arith.constant 0 : i32
        %dma_start3A_86 = tpu.memref_slice %arg17[%add3A_69, %dma_start3A_85] : memref<10240x128xf32, #tpu.memory_space<vmem_shared>> -> memref<128x128xf32, #tpu.memory_space<vmem_shared>>
        tpu.enqueue_dma source(%dma_start3A_86 : memref<128x128xf32, #tpu.memory_space<vmem_shared>>) target(%arg16 : memref<128x128xf32, #tpu.memory_space<vmem>>) target_semaphore(%run_scoped3A : memref<!tpu.dma_semaphore, #tpu.memory_space<semaphore_mem>>)
        %dma_wait3A = arith.constant 0 : i32
        %dma_wait3A_87 = tpu.memref_slice %arg17[%add3A_69, %dma_wait3A] : memref<10240x128xf32, #tpu.memory_space<vmem_shared>> -> memref<128x128xf32, #tpu.memory_space<vmem_shared>>
        %dma_wait3A_88 = arith.constant 0 : i32
        %dma_wait3A_89 = tpu.memref_slice %arg17[%add3A_69, %dma_wait3A_88] : memref<10240x128xf32, #tpu.memory_space<vmem_shared>> -> memref<128x128xf32, #tpu.memory_space<vmem_shared>>
        tpu.wait_dma2 semaphore(%run_scoped3A : memref<!tpu.dma_semaphore, #tpu.memory_space<semaphore_mem>>) src(%dma_wait3A_89 : memref<128x128xf32, #tpu.memory_space<vmem_shared>>) dst(%arg16 : memref<128x128xf32, #tpu.memory_space<vmem>>)
        tpu.yield
      }) : () -> ()
      %add3A_70 = arith.constant 128 : i32
      %add3A_71 = arith.addi %mul3A_63, %add3A_70 : i32
      "tpu.region"() ({
        %run_scoped3A = tpu.sem_alloc : memref<!tpu.dma_semaphore, #tpu.memory_space<semaphore_mem>>
        %dma_start3A = arith.constant 0 : i32
        %dma_start3A_84 = tpu.memref_slice %arg11[%add3A_71, %dma_start3A] : memref<10240x128xf32, #tpu.memory_space<hbm>> -> memref<128x128xf32, #tpu.memory_space<hbm>>
        %dma_start3A_85 = arith.constant 0 : i32
        %dma_start3A_86 = tpu.memref_slice %arg11[%add3A_71, %dma_start3A_85] : memref<10240x128xf32, #tpu.memory_space<hbm>> -> memref<128x128xf32, #tpu.memory_space<hbm>>
        tpu.enqueue_dma source(%arg16 : memref<128x128xf32, #tpu.memory_space<vmem>>) target(%dma_start3A_86 : memref<128x128xf32, #tpu.memory_space<hbm>>) target_semaphore(%run_scoped3A : memref<!tpu.dma_semaphore, #tpu.memory_space<semaphore_mem>>)
        %dma_wait3A = arith.constant 0 : i32
        %dma_wait3A_87 = tpu.memref_slice %arg11[%add3A_71, %dma_wait3A] : memref<10240x128xf32, #tpu.memory_space<hbm>> -> memref<128x128xf32, #tpu.memory_space<hbm>>
        %dma_wait3A_88 = arith.constant 0 : i32
        %dma_wait3A_89 = tpu.memref_slice %arg11[%add3A_71, %dma_wait3A_88] : memref<10240x128xf32, #tpu.memory_space<hbm>> -> memref<128x128xf32, #tpu.memory_space<hbm>>
        tpu.wait_dma2 semaphore(%run_scoped3A : memref<!tpu.dma_semaphore, #tpu.memory_space<semaphore_mem>>) src(%arg16 : memref<128x128xf32, #tpu.memory_space<vmem>>) dst(%dma_wait3A_89 : memref<128x128xf32, #tpu.memory_space<hbm>>)
        tpu.yield
      }) : () -> ()
      %add3A_72 = arith.constant 256 : i32
      %add3A_73 = arith.addi %mul3A_63, %add3A_72 : i32
      "tpu.region"() ({
        %run_scoped3A = tpu.sem_alloc : memref<!tpu.dma_semaphore, #tpu.memory_space<semaphore_mem>>
        %dma_start3A = arith.constant 0 : i32
        %dma_start3A_84 = tpu.memref_slice %arg17[%add3A_73, %dma_start3A] : memref<10240x128xf32, #tpu.memory_space<vmem_shared>> -> memref<128x128xf32, #tpu.memory_space<vmem_shared>>
        %dma_start3A_85 = arith.constant 0 : i32
        %dma_start3A_86 = tpu.memref_slice %arg17[%add3A_73, %dma_start3A_85] : memref<10240x128xf32, #tpu.memory_space<vmem_shared>> -> memref<128x128xf32, #tpu.memory_space<vmem_shared>>
        tpu.enqueue_dma source(%dma_start3A_86 : memref<128x128xf32, #tpu.memory_space<vmem_shared>>) target(%arg16 : memref<128x128xf32, #tpu.memory_space<vmem>>) target_semaphore(%run_scoped3A : memref<!tpu.dma_semaphore, #tpu.memory_space<semaphore_mem>>)
        %dma_wait3A = arith.constant 0 : i32
        %dma_wait3A_87 = tpu.memref_slice %arg17[%add3A_73, %dma_wait3A] : memref<10240x128xf32, #tpu.memory_space<vmem_shared>> -> memref<128x128xf32, #tpu.memory_space<vmem_shared>>
        %dma_wait3A_88 = arith.constant 0 : i32
        %dma_wait3A_89 = tpu.memref_slice %arg17[%add3A_73, %dma_wait3A_88] : memref<10240x128xf32, #tpu.memory_space<vmem_shared>> -> memref<128x128xf32, #tpu.memory_space<vmem_shared>>
        tpu.wait_dma2 semaphore(%run_scoped3A : memref<!tpu.dma_semaphore, #tpu.memory_space<semaphore_mem>>) src(%dma_wait3A_89 : memref<128x128xf32, #tpu.memory_space<vmem_shared>>) dst(%arg16 : memref<128x128xf32, #tpu.memory_space<vmem>>)
        tpu.yield
      }) : () -> ()
      %add3A_74 = arith.constant 256 : i32
      %add3A_75 = arith.addi %mul3A_63, %add3A_74 : i32
      "tpu.region"() ({
        %run_scoped3A = tpu.sem_alloc : memref<!tpu.dma_semaphore, #tpu.memory_space<semaphore_mem>>
        %dma_start3A = arith.constant 0 : i32
        %dma_start3A_84 = tpu.memref_slice %arg11[%add3A_75, %dma_start3A] : memref<10240x128xf32, #tpu.memory_space<hbm>> -> memref<128x128xf32, #tpu.memory_space<hbm>>
        %dma_start3A_85 = arith.constant 0 : i32
        %dma_start3A_86 = tpu.memref_slice %arg11[%add3A_75, %dma_start3A_85] : memref<10240x128xf32, #tpu.memory_space<hbm>> -> memref<128x128xf32, #tpu.memory_space<hbm>>
        tpu.enqueue_dma source(%arg16 : memref<128x128xf32, #tpu.memory_space<vmem>>) target(%dma_start3A_86 : memref<128x128xf32, #tpu.memory_space<hbm>>) target_semaphore(%run_scoped3A : memref<!tpu.dma_semaphore, #tpu.memory_space<semaphore_mem>>)
        %dma_wait3A = arith.constant 0 : i32
        %dma_wait3A_87 = tpu.memref_slice %arg11[%add3A_75, %dma_wait3A] : memref<10240x128xf32, #tpu.memory_space<hbm>> -> memref<128x128xf32, #tpu.memory_space<hbm>>
        %dma_wait3A_88 = arith.constant 0 : i32
        %dma_wait3A_89 = tpu.memref_slice %arg11[%add3A_75, %dma_wait3A_88] : memref<10240x128xf32, #tpu.memory_space<hbm>> -> memref<128x128xf32, #tpu.memory_space<hbm>>
        tpu.wait_dma2 semaphore(%run_scoped3A : memref<!tpu.dma_semaphore, #tpu.memory_space<semaphore_mem>>) src(%arg16 : memref<128x128xf32, #tpu.memory_space<vmem>>) dst(%dma_wait3A_89 : memref<128x128xf32, #tpu.memory_space<hbm>>)
        tpu.yield
      }) : () -> ()
      %add3A_76 = arith.constant 384 : i32
      %add3A_77 = arith.addi %mul3A_63, %add3A_76 : i32
      "tpu.region"() ({
        %run_scoped3A = tpu.sem_alloc : memref<!tpu.dma_semaphore, #tpu.memory_space<semaphore_mem>>
        %dma_start3A = arith.constant 0 : i32
        %dma_start3A_84 = tpu.memref_slice %arg17[%add3A_77, %dma_start3A] : memref<10240x128xf32, #tpu.memory_space<vmem_shared>> -> memref<128x128xf32, #tpu.memory_space<vmem_shared>>
        %dma_start3A_85 = arith.constant 0 : i32
        %dma_start3A_86 = tpu.memref_slice %arg17[%add3A_77, %dma_start3A_85] : memref<10240x128xf32, #tpu.memory_space<vmem_shared>> -> memref<128x128xf32, #tpu.memory_space<vmem_shared>>
        tpu.enqueue_dma source(%dma_start3A_86 : memref<128x128xf32, #tpu.memory_space<vmem_shared>>) target(%arg16 : memref<128x128xf32, #tpu.memory_space<vmem>>) target_semaphore(%run_scoped3A : memref<!tpu.dma_semaphore, #tpu.memory_space<semaphore_mem>>)
        %dma_wait3A = arith.constant 0 : i32
        %dma_wait3A_87 = tpu.memref_slice %arg17[%add3A_77, %dma_wait3A] : memref<10240x128xf32, #tpu.memory_space<vmem_shared>> -> memref<128x128xf32, #tpu.memory_space<vmem_shared>>
        %dma_wait3A_88 = arith.constant 0 : i32
        %dma_wait3A_89 = tpu.memref_slice %arg17[%add3A_77, %dma_wait3A_88] : memref<10240x128xf32, #tpu.memory_space<vmem_shared>> -> memref<128x128xf32, #tpu.memory_space<vmem_shared>>
        tpu.wait_dma2 semaphore(%run_scoped3A : memref<!tpu.dma_semaphore, #tpu.memory_space<semaphore_mem>>) src(%dma_wait3A_89 : memref<128x128xf32, #tpu.memory_space<vmem_shared>>) dst(%arg16 : memref<128x128xf32, #tpu.memory_space<vmem>>)
        tpu.yield
      }) : () -> ()
      %add3A_78 = arith.constant 384 : i32
      %add3A_79 = arith.addi %mul3A_63, %add3A_78 : i32
      "tpu.region"() ({
        %run_scoped3A = tpu.sem_alloc : memref<!tpu.dma_semaphore, #tpu.memory_space<semaphore_mem>>
        %dma_start3A = arith.constant 0 : i32
        %dma_start3A_84 = tpu.memref_slice %arg11[%add3A_79, %dma_start3A] : memref<10240x128xf32, #tpu.memory_space<hbm>> -> memref<128x128xf32, #tpu.memory_space<hbm>>
        %dma_start3A_85 = arith.constant 0 : i32
        %dma_start3A_86 = tpu.memref_slice %arg11[%add3A_79, %dma_start3A_85] : memref<10240x128xf32, #tpu.memory_space<hbm>> -> memref<128x128xf32, #tpu.memory_space<hbm>>
        tpu.enqueue_dma source(%arg16 : memref<128x128xf32, #tpu.memory_space<vmem>>) target(%dma_start3A_86 : memref<128x128xf32, #tpu.memory_space<hbm>>) target_semaphore(%run_scoped3A : memref<!tpu.dma_semaphore, #tpu.memory_space<semaphore_mem>>)
        %dma_wait3A = arith.constant 0 : i32
        %dma_wait3A_87 = tpu.memref_slice %arg11[%add3A_79, %dma_wait3A] : memref<10240x128xf32, #tpu.memory_space<hbm>> -> memref<128x128xf32, #tpu.memory_space<hbm>>
        %dma_wait3A_88 = arith.constant 0 : i32
        %dma_wait3A_89 = tpu.memref_slice %arg11[%add3A_79, %dma_wait3A_88] : memref<10240x128xf32, #tpu.memory_space<hbm>> -> memref<128x128xf32, #tpu.memory_space<hbm>>
        tpu.wait_dma2 semaphore(%run_scoped3A : memref<!tpu.dma_semaphore, #tpu.memory_space<semaphore_mem>>) src(%arg16 : memref<128x128xf32, #tpu.memory_space<vmem>>) dst(%dma_wait3A_89 : memref<128x128xf32, #tpu.memory_space<hbm>>)
        tpu.yield
      }) : () -> ()
      %add3A_80 = arith.constant 512 : i32
      %add3A_81 = arith.addi %mul3A_63, %add3A_80 : i32
      "tpu.region"() ({
        %run_scoped3A = tpu.sem_alloc : memref<!tpu.dma_semaphore, #tpu.memory_space<semaphore_mem>>
        %dma_start3A = arith.constant 0 : i32
        %dma_start3A_84 = tpu.memref_slice %arg17[%add3A_81, %dma_start3A] : memref<10240x128xf32, #tpu.memory_space<vmem_shared>> -> memref<128x128xf32, #tpu.memory_space<vmem_shared>>
        %dma_start3A_85 = arith.constant 0 : i32
        %dma_start3A_86 = tpu.memref_slice %arg17[%add3A_81, %dma_start3A_85] : memref<10240x128xf32, #tpu.memory_space<vmem_shared>> -> memref<128x128xf32, #tpu.memory_space<vmem_shared>>
        tpu.enqueue_dma source(%dma_start3A_86 : memref<128x128xf32, #tpu.memory_space<vmem_shared>>) target(%arg16 : memref<128x128xf32, #tpu.memory_space<vmem>>) target_semaphore(%run_scoped3A : memref<!tpu.dma_semaphore, #tpu.memory_space<semaphore_mem>>)
        %dma_wait3A = arith.constant 0 : i32
        %dma_wait3A_87 = tpu.memref_slice %arg17[%add3A_81, %dma_wait3A] : memref<10240x128xf32, #tpu.memory_space<vmem_shared>> -> memref<128x128xf32, #tpu.memory_space<vmem_shared>>
        %dma_wait3A_88 = arith.constant 0 : i32
        %dma_wait3A_89 = tpu.memref_slice %arg17[%add3A_81, %dma_wait3A_88] : memref<10240x128xf32, #tpu.memory_space<vmem_shared>> -> memref<128x128xf32, #tpu.memory_space<vmem_shared>>
        tpu.wait_dma2 semaphore(%run_scoped3A : memref<!tpu.dma_semaphore, #tpu.memory_space<semaphore_mem>>) src(%dma_wait3A_89 : memref<128x128xf32, #tpu.memory_space<vmem_shared>>) dst(%arg16 : memref<128x128xf32, #tpu.memory_space<vmem>>)
        tpu.yield
      }) : () -> ()
      %add3A_82 = arith.constant 512 : i32
      %add3A_83 = arith.addi %mul3A_63, %add3A_82 : i32
      "tpu.region"() ({
        %run_scoped3A = tpu.sem_alloc : memref<!tpu.dma_semaphore, #tpu.memory_space<semaphore_mem>>
        %dma_start3A = arith.constant 0 : i32
        %dma_start3A_84 = tpu.memref_slice %arg11[%add3A_83, %dma_start3A] : memref<10240x128xf32, #tpu.memory_space<hbm>> -> memref<128x128xf32, #tpu.memory_space<hbm>>
        %dma_start3A_85 = arith.constant 0 : i32
        %dma_start3A_86 = tpu.memref_slice %arg11[%add3A_83, %dma_start3A_85] : memref<10240x128xf32, #tpu.memory_space<hbm>> -> memref<128x128xf32, #tpu.memory_space<hbm>>
        tpu.enqueue_dma source(%arg16 : memref<128x128xf32, #tpu.memory_space<vmem>>) target(%dma_start3A_86 : memref<128x128xf32, #tpu.memory_space<hbm>>) target_semaphore(%run_scoped3A : memref<!tpu.dma_semaphore, #tpu.memory_space<semaphore_mem>>)
        %dma_wait3A = arith.constant 0 : i32
        %dma_wait3A_87 = tpu.memref_slice %arg11[%add3A_83, %dma_wait3A] : memref<10240x128xf32, #tpu.memory_space<hbm>> -> memref<128x128xf32, #tpu.memory_space<hbm>>
        %dma_wait3A_88 = arith.constant 0 : i32
        %dma_wait3A_89 = tpu.memref_slice %arg11[%add3A_83, %dma_wait3A_88] : memref<10240x128xf32, #tpu.memory_space<hbm>> -> memref<128x128xf32, #tpu.memory_space<hbm>>
        tpu.wait_dma2 semaphore(%run_scoped3A : memref<!tpu.dma_semaphore, #tpu.memory_space<semaphore_mem>>) src(%arg16 : memref<128x128xf32, #tpu.memory_space<vmem>>) dst(%dma_wait3A_89 : memref<128x128xf32, #tpu.memory_space<hbm>>)
        tpu.yield
      }) : () -> ()
    } else {
    }
    %eq3A_57 = arith.constant 1 : i32
    %eq3A_58 = arith.cmpi eq, %arg0, %eq3A_57 : i32
    %convert_element_type3A_59 = arith.extui %eq3A_58 : i1 to i32
    %cond3A_60 = arith.constant 0 : i32
    %cond3A_61 = arith.cmpi ne, %convert_element_type3A_59, %cond3A_60 : i32
    scf.if %cond3A_61 {
      %mul3A_62 = arith.constant 640 : i32
      %mul3A_63 = arith.muli %arg1, %mul3A_62 : i32
      %add3A_64 = arith.constant 0 : i32
      %add3A_65 = arith.addi %mul3A_63, %add3A_64 : i32
      "tpu.region"() ({
        %run_scoped3A = tpu.sem_alloc : memref<!tpu.dma_semaphore, #tpu.memory_space<semaphore_mem>>
        %dma_start3A = arith.constant 0 : i32
        %dma_start3A_84 = tpu.memref_slice %arg17[%add3A_65, %dma_start3A] : memref<10240x128xf32, #tpu.memory_space<vmem_shared>> -> memref<128x128xf32, #tpu.memory_space<vmem_shared>>
        %dma_start3A_85 = arith.constant 0 : i32
        %dma_start3A_86 = tpu.memref_slice %arg17[%add3A_65, %dma_start3A_85] : memref<10240x128xf32, #tpu.memory_space<vmem_shared>> -> memref<128x128xf32, #tpu.memory_space<vmem_shared>>
        tpu.enqueue_dma source(%dma_start3A_86 : memref<128x128xf32, #tpu.memory_space<vmem_shared>>) target(%arg16 : memref<128x128xf32, #tpu.memory_space<vmem>>) target_semaphore(%run_scoped3A : memref<!tpu.dma_semaphore, #tpu.memory_space<semaphore_mem>>)
        %dma_wait3A = arith.constant 0 : i32
        %dma_wait3A_87 = tpu.memref_slice %arg17[%add3A_65, %dma_wait3A] : memref<10240x128xf32, #tpu.memory_space<vmem_shared>> -> memref<128x128xf32, #tpu.memory_space<vmem_shared>>
        %dma_wait3A_88 = arith.constant 0 : i32
        %dma_wait3A_89 = tpu.memref_slice %arg17[%add3A_65, %dma_wait3A_88] : memref<10240x128xf32, #tpu.memory_space<vmem_shared>> -> memref<128x128xf32, #tpu.memory_space<vmem_shared>>
        tpu.wait_dma2 semaphore(%run_scoped3A : memref<!tpu.dma_semaphore, #tpu.memory_space<semaphore_mem>>) src(%dma_wait3A_89 : memref<128x128xf32, #tpu.memory_space<vmem_shared>>) dst(%arg16 : memref<128x128xf32, #tpu.memory_space<vmem>>)
        tpu.yield
      }) : () -> ()
      %add3A_66 = arith.constant 0 : i32
      %add3A_67 = arith.addi %mul3A_63, %add3A_66 : i32
      "tpu.region"() ({
        %run_scoped3A = tpu.sem_alloc : memref<!tpu.dma_semaphore, #tpu.memory_space<semaphore_mem>>
        %dma_start3A = arith.constant 0 : i32
        %dma_start3A_84 = tpu.memref_slice %arg12[%add3A_67, %dma_start3A] : memref<10240x128xf32, #tpu.memory_space<hbm>> -> memref<128x128xf32, #tpu.memory_space<hbm>>
        %dma_start3A_85 = arith.constant 0 : i32
        %dma_start3A_86 = tpu.memref_slice %arg12[%add3A_67, %dma_start3A_85] : memref<10240x128xf32, #tpu.memory_space<hbm>> -> memref<128x128xf32, #tpu.memory_space<hbm>>
        tpu.enqueue_dma source(%arg16 : memref<128x128xf32, #tpu.memory_space<vmem>>) target(%dma_start3A_86 : memref<128x128xf32, #tpu.memory_space<hbm>>) target_semaphore(%run_scoped3A : memref<!tpu.dma_semaphore, #tpu.memory_space<semaphore_mem>>)
        %dma_wait3A = arith.constant 0 : i32
        %dma_wait3A_87 = tpu.memref_slice %arg12[%add3A_67, %dma_wait3A] : memref<10240x128xf32, #tpu.memory_space<hbm>> -> memref<128x128xf32, #tpu.memory_space<hbm>>
        %dma_wait3A_88 = arith.constant 0 : i32
        %dma_wait3A_89 = tpu.memref_slice %arg12[%add3A_67, %dma_wait3A_88] : memref<10240x128xf32, #tpu.memory_space<hbm>> -> memref<128x128xf32, #tpu.memory_space<hbm>>
        tpu.wait_dma2 semaphore(%run_scoped3A : memref<!tpu.dma_semaphore, #tpu.memory_space<semaphore_mem>>) src(%arg16 : memref<128x128xf32, #tpu.memory_space<vmem>>) dst(%dma_wait3A_89 : memref<128x128xf32, #tpu.memory_space<hbm>>)
        tpu.yield
      }) : () -> ()
      %add3A_68 = arith.constant 128 : i32
      %add3A_69 = arith.addi %mul3A_63, %add3A_68 : i32
      "tpu.region"() ({
        %run_scoped3A = tpu.sem_alloc : memref<!tpu.dma_semaphore, #tpu.memory_space<semaphore_mem>>
        %dma_start3A = arith.constant 0 : i32
        %dma_start3A_84 = tpu.memref_slice %arg17[%add3A_69, %dma_start3A] : memref<10240x128xf32, #tpu.memory_space<vmem_shared>> -> memref<128x128xf32, #tpu.memory_space<vmem_shared>>
        %dma_start3A_85 = arith.constant 0 : i32
        %dma_start3A_86 = tpu.memref_slice %arg17[%add3A_69, %dma_start3A_85] : memref<10240x128xf32, #tpu.memory_space<vmem_shared>> -> memref<128x128xf32, #tpu.memory_space<vmem_shared>>
        tpu.enqueue_dma source(%dma_start3A_86 : memref<128x128xf32, #tpu.memory_space<vmem_shared>>) target(%arg16 : memref<128x128xf32, #tpu.memory_space<vmem>>) target_semaphore(%run_scoped3A : memref<!tpu.dma_semaphore, #tpu.memory_space<semaphore_mem>>)
        %dma_wait3A = arith.constant 0 : i32
        %dma_wait3A_87 = tpu.memref_slice %arg17[%add3A_69, %dma_wait3A] : memref<10240x128xf32, #tpu.memory_space<vmem_shared>> -> memref<128x128xf32, #tpu.memory_space<vmem_shared>>
        %dma_wait3A_88 = arith.constant 0 : i32
        %dma_wait3A_89 = tpu.memref_slice %arg17[%add3A_69, %dma_wait3A_88] : memref<10240x128xf32, #tpu.memory_space<vmem_shared>> -> memref<128x128xf32, #tpu.memory_space<vmem_shared>>
        tpu.wait_dma2 semaphore(%run_scoped3A : memref<!tpu.dma_semaphore, #tpu.memory_space<semaphore_mem>>) src(%dma_wait3A_89 : memref<128x128xf32, #tpu.memory_space<vmem_shared>>) dst(%arg16 : memref<128x128xf32, #tpu.memory_space<vmem>>)
        tpu.yield
      }) : () -> ()
      %add3A_70 = arith.constant 128 : i32
      %add3A_71 = arith.addi %mul3A_63, %add3A_70 : i32
      "tpu.region"() ({
        %run_scoped3A = tpu.sem_alloc : memref<!tpu.dma_semaphore, #tpu.memory_space<semaphore_mem>>
        %dma_start3A = arith.constant 0 : i32
        %dma_start3A_84 = tpu.memref_slice %arg12[%add3A_71, %dma_start3A] : memref<10240x128xf32, #tpu.memory_space<hbm>> -> memref<128x128xf32, #tpu.memory_space<hbm>>
        %dma_start3A_85 = arith.constant 0 : i32
        %dma_start3A_86 = tpu.memref_slice %arg12[%add3A_71, %dma_start3A_85] : memref<10240x128xf32, #tpu.memory_space<hbm>> -> memref<128x128xf32, #tpu.memory_space<hbm>>
        tpu.enqueue_dma source(%arg16 : memref<128x128xf32, #tpu.memory_space<vmem>>) target(%dma_start3A_86 : memref<128x128xf32, #tpu.memory_space<hbm>>) target_semaphore(%run_scoped3A : memref<!tpu.dma_semaphore, #tpu.memory_space<semaphore_mem>>)
        %dma_wait3A = arith.constant 0 : i32
        %dma_wait3A_87 = tpu.memref_slice %arg12[%add3A_71, %dma_wait3A] : memref<10240x128xf32, #tpu.memory_space<hbm>> -> memref<128x128xf32, #tpu.memory_space<hbm>>
        %dma_wait3A_88 = arith.constant 0 : i32
        %dma_wait3A_89 = tpu.memref_slice %arg12[%add3A_71, %dma_wait3A_88] : memref<10240x128xf32, #tpu.memory_space<hbm>> -> memref<128x128xf32, #tpu.memory_space<hbm>>
        tpu.wait_dma2 semaphore(%run_scoped3A : memref<!tpu.dma_semaphore, #tpu.memory_space<semaphore_mem>>) src(%arg16 : memref<128x128xf32, #tpu.memory_space<vmem>>) dst(%dma_wait3A_89 : memref<128x128xf32, #tpu.memory_space<hbm>>)
        tpu.yield
      }) : () -> ()
      %add3A_72 = arith.constant 256 : i32
      %add3A_73 = arith.addi %mul3A_63, %add3A_72 : i32
      "tpu.region"() ({
        %run_scoped3A = tpu.sem_alloc : memref<!tpu.dma_semaphore, #tpu.memory_space<semaphore_mem>>
        %dma_start3A = arith.constant 0 : i32
        %dma_start3A_84 = tpu.memref_slice %arg17[%add3A_73, %dma_start3A] : memref<10240x128xf32, #tpu.memory_space<vmem_shared>> -> memref<128x128xf32, #tpu.memory_space<vmem_shared>>
        %dma_start3A_85 = arith.constant 0 : i32
        %dma_start3A_86 = tpu.memref_slice %arg17[%add3A_73, %dma_start3A_85] : memref<10240x128xf32, #tpu.memory_space<vmem_shared>> -> memref<128x128xf32, #tpu.memory_space<vmem_shared>>
        tpu.enqueue_dma source(%dma_start3A_86 : memref<128x128xf32, #tpu.memory_space<vmem_shared>>) target(%arg16 : memref<128x128xf32, #tpu.memory_space<vmem>>) target_semaphore(%run_scoped3A : memref<!tpu.dma_semaphore, #tpu.memory_space<semaphore_mem>>)
        %dma_wait3A = arith.constant 0 : i32
        %dma_wait3A_87 = tpu.memref_slice %arg17[%add3A_73, %dma_wait3A] : memref<10240x128xf32, #tpu.memory_space<vmem_shared>> -> memref<128x128xf32, #tpu.memory_space<vmem_shared>>
        %dma_wait3A_88 = arith.constant 0 : i32
        %dma_wait3A_89 = tpu.memref_slice %arg17[%add3A_73, %dma_wait3A_88] : memref<10240x128xf32, #tpu.memory_space<vmem_shared>> -> memref<128x128xf32, #tpu.memory_space<vmem_shared>>
        tpu.wait_dma2 semaphore(%run_scoped3A : memref<!tpu.dma_semaphore, #tpu.memory_space<semaphore_mem>>) src(%dma_wait3A_89 : memref<128x128xf32, #tpu.memory_space<vmem_shared>>) dst(%arg16 : memref<128x128xf32, #tpu.memory_space<vmem>>)
        tpu.yield
      }) : () -> ()
      %add3A_74 = arith.constant 256 : i32
      %add3A_75 = arith.addi %mul3A_63, %add3A_74 : i32
      "tpu.region"() ({
        %run_scoped3A = tpu.sem_alloc : memref<!tpu.dma_semaphore, #tpu.memory_space<semaphore_mem>>
        %dma_start3A = arith.constant 0 : i32
        %dma_start3A_84 = tpu.memref_slice %arg12[%add3A_75, %dma_start3A] : memref<10240x128xf32, #tpu.memory_space<hbm>> -> memref<128x128xf32, #tpu.memory_space<hbm>>
        %dma_start3A_85 = arith.constant 0 : i32
        %dma_start3A_86 = tpu.memref_slice %arg12[%add3A_75, %dma_start3A_85] : memref<10240x128xf32, #tpu.memory_space<hbm>> -> memref<128x128xf32, #tpu.memory_space<hbm>>
        tpu.enqueue_dma source(%arg16 : memref<128x128xf32, #tpu.memory_space<vmem>>) target(%dma_start3A_86 : memref<128x128xf32, #tpu.memory_space<hbm>>) target_semaphore(%run_scoped3A : memref<!tpu.dma_semaphore, #tpu.memory_space<semaphore_mem>>)
        %dma_wait3A = arith.constant 0 : i32
        %dma_wait3A_87 = tpu.memref_slice %arg12[%add3A_75, %dma_wait3A] : memref<10240x128xf32, #tpu.memory_space<hbm>> -> memref<128x128xf32, #tpu.memory_space<hbm>>
        %dma_wait3A_88 = arith.constant 0 : i32
        %dma_wait3A_89 = tpu.memref_slice %arg12[%add3A_75, %dma_wait3A_88] : memref<10240x128xf32, #tpu.memory_space<hbm>> -> memref<128x128xf32, #tpu.memory_space<hbm>>
        tpu.wait_dma2 semaphore(%run_scoped3A : memref<!tpu.dma_semaphore, #tpu.memory_space<semaphore_mem>>) src(%arg16 : memref<128x128xf32, #tpu.memory_space<vmem>>) dst(%dma_wait3A_89 : memref<128x128xf32, #tpu.memory_space<hbm>>)
        tpu.yield
      }) : () -> ()
      %add3A_76 = arith.constant 384 : i32
      %add3A_77 = arith.addi %mul3A_63, %add3A_76 : i32
      "tpu.region"() ({
        %run_scoped3A = tpu.sem_alloc : memref<!tpu.dma_semaphore, #tpu.memory_space<semaphore_mem>>
        %dma_start3A = arith.constant 0 : i32
        %dma_start3A_84 = tpu.memref_slice %arg17[%add3A_77, %dma_start3A] : memref<10240x128xf32, #tpu.memory_space<vmem_shared>> -> memref<128x128xf32, #tpu.memory_space<vmem_shared>>
        %dma_start3A_85 = arith.constant 0 : i32
        %dma_start3A_86 = tpu.memref_slice %arg17[%add3A_77, %dma_start3A_85] : memref<10240x128xf32, #tpu.memory_space<vmem_shared>> -> memref<128x128xf32, #tpu.memory_space<vmem_shared>>
        tpu.enqueue_dma source(%dma_start3A_86 : memref<128x128xf32, #tpu.memory_space<vmem_shared>>) target(%arg16 : memref<128x128xf32, #tpu.memory_space<vmem>>) target_semaphore(%run_scoped3A : memref<!tpu.dma_semaphore, #tpu.memory_space<semaphore_mem>>)
        %dma_wait3A = arith.constant 0 : i32
        %dma_wait3A_87 = tpu.memref_slice %arg17[%add3A_77, %dma_wait3A] : memref<10240x128xf32, #tpu.memory_space<vmem_shared>> -> memref<128x128xf32, #tpu.memory_space<vmem_shared>>
        %dma_wait3A_88 = arith.constant 0 : i32
        %dma_wait3A_89 = tpu.memref_slice %arg17[%add3A_77, %dma_wait3A_88] : memref<10240x128xf32, #tpu.memory_space<vmem_shared>> -> memref<128x128xf32, #tpu.memory_space<vmem_shared>>
        tpu.wait_dma2 semaphore(%run_scoped3A : memref<!tpu.dma_semaphore, #tpu.memory_space<semaphore_mem>>) src(%dma_wait3A_89 : memref<128x128xf32, #tpu.memory_space<vmem_shared>>) dst(%arg16 : memref<128x128xf32, #tpu.memory_space<vmem>>)
        tpu.yield
      }) : () -> ()
      %add3A_78 = arith.constant 384 : i32
      %add3A_79 = arith.addi %mul3A_63, %add3A_78 : i32
      "tpu.region"() ({
        %run_scoped3A = tpu.sem_alloc : memref<!tpu.dma_semaphore, #tpu.memory_space<semaphore_mem>>
        %dma_start3A = arith.constant 0 : i32
        %dma_start3A_84 = tpu.memref_slice %arg12[%add3A_79, %dma_start3A] : memref<10240x128xf32, #tpu.memory_space<hbm>> -> memref<128x128xf32, #tpu.memory_space<hbm>>
        %dma_start3A_85 = arith.constant 0 : i32
        %dma_start3A_86 = tpu.memref_slice %arg12[%add3A_79, %dma_start3A_85] : memref<10240x128xf32, #tpu.memory_space<hbm>> -> memref<128x128xf32, #tpu.memory_space<hbm>>
        tpu.enqueue_dma source(%arg16 : memref<128x128xf32, #tpu.memory_space<vmem>>) target(%dma_start3A_86 : memref<128x128xf32, #tpu.memory_space<hbm>>) target_semaphore(%run_scoped3A : memref<!tpu.dma_semaphore, #tpu.memory_space<semaphore_mem>>)
        %dma_wait3A = arith.constant 0 : i32
        %dma_wait3A_87 = tpu.memref_slice %arg12[%add3A_79, %dma_wait3A] : memref<10240x128xf32, #tpu.memory_space<hbm>> -> memref<128x128xf32, #tpu.memory_space<hbm>>
        %dma_wait3A_88 = arith.constant 0 : i32
        %dma_wait3A_89 = tpu.memref_slice %arg12[%add3A_79, %dma_wait3A_88] : memref<10240x128xf32, #tpu.memory_space<hbm>> -> memref<128x128xf32, #tpu.memory_space<hbm>>
        tpu.wait_dma2 semaphore(%run_scoped3A : memref<!tpu.dma_semaphore, #tpu.memory_space<semaphore_mem>>) src(%arg16 : memref<128x128xf32, #tpu.memory_space<vmem>>) dst(%dma_wait3A_89 : memref<128x128xf32, #tpu.memory_space<hbm>>)
        tpu.yield
      }) : () -> ()
      %add3A_80 = arith.constant 512 : i32
      %add3A_81 = arith.addi %mul3A_63, %add3A_80 : i32
      "tpu.region"() ({
        %run_scoped3A = tpu.sem_alloc : memref<!tpu.dma_semaphore, #tpu.memory_space<semaphore_mem>>
        %dma_start3A = arith.constant 0 : i32
        %dma_start3A_84 = tpu.memref_slice %arg17[%add3A_81, %dma_start3A] : memref<10240x128xf32, #tpu.memory_space<vmem_shared>> -> memref<128x128xf32, #tpu.memory_space<vmem_shared>>
        %dma_start3A_85 = arith.constant 0 : i32
        %dma_start3A_86 = tpu.memref_slice %arg17[%add3A_81, %dma_start3A_85] : memref<10240x128xf32, #tpu.memory_space<vmem_shared>> -> memref<128x128xf32, #tpu.memory_space<vmem_shared>>
        tpu.enqueue_dma source(%dma_start3A_86 : memref<128x128xf32, #tpu.memory_space<vmem_shared>>) target(%arg16 : memref<128x128xf32, #tpu.memory_space<vmem>>) target_semaphore(%run_scoped3A : memref<!tpu.dma_semaphore, #tpu.memory_space<semaphore_mem>>)
        %dma_wait3A = arith.constant 0 : i32
        %dma_wait3A_87 = tpu.memref_slice %arg17[%add3A_81, %dma_wait3A] : memref<10240x128xf32, #tpu.memory_space<vmem_shared>> -> memref<128x128xf32, #tpu.memory_space<vmem_shared>>
        %dma_wait3A_88 = arith.constant 0 : i32
        %dma_wait3A_89 = tpu.memref_slice %arg17[%add3A_81, %dma_wait3A_88] : memref<10240x128xf32, #tpu.memory_space<vmem_shared>> -> memref<128x128xf32, #tpu.memory_space<vmem_shared>>
        tpu.wait_dma2 semaphore(%run_scoped3A : memref<!tpu.dma_semaphore, #tpu.memory_space<semaphore_mem>>) src(%dma_wait3A_89 : memref<128x128xf32, #tpu.memory_space<vmem_shared>>) dst(%arg16 : memref<128x128xf32, #tpu.memory_space<vmem>>)
        tpu.yield
      }) : () -> ()
      %add3A_82 = arith.constant 512 : i32
      %add3A_83 = arith.addi %mul3A_63, %add3A_82 : i32
      "tpu.region"() ({
        %run_scoped3A = tpu.sem_alloc : memref<!tpu.dma_semaphore, #tpu.memory_space<semaphore_mem>>
        %dma_start3A = arith.constant 0 : i32
        %dma_start3A_84 = tpu.memref_slice %arg12[%add3A_83, %dma_start3A] : memref<10240x128xf32, #tpu.memory_space<hbm>> -> memref<128x128xf32, #tpu.memory_space<hbm>>
        %dma_start3A_85 = arith.constant 0 : i32
        %dma_start3A_86 = tpu.memref_slice %arg12[%add3A_83, %dma_start3A_85] : memref<10240x128xf32, #tpu.memory_space<hbm>> -> memref<128x128xf32, #tpu.memory_space<hbm>>
        tpu.enqueue_dma source(%arg16 : memref<128x128xf32, #tpu.memory_space<vmem>>) target(%dma_start3A_86 : memref<128x128xf32, #tpu.memory_space<hbm>>) target_semaphore(%run_scoped3A : memref<!tpu.dma_semaphore, #tpu.memory_space<semaphore_mem>>)
        %dma_wait3A = arith.constant 0 : i32
        %dma_wait3A_87 = tpu.memref_slice %arg12[%add3A_83, %dma_wait3A] : memref<10240x128xf32, #tpu.memory_space<hbm>> -> memref<128x128xf32, #tpu.memory_space<hbm>>
        %dma_wait3A_88 = arith.constant 0 : i32
        %dma_wait3A_89 = tpu.memref_slice %arg12[%add3A_83, %dma_wait3A_88] : memref<10240x128xf32, #tpu.memory_space<hbm>> -> memref<128x128xf32, #tpu.memory_space<hbm>>
        tpu.wait_dma2 semaphore(%run_scoped3A : memref<!tpu.dma_semaphore, #tpu.memory_space<semaphore_mem>>) src(%arg16 : memref<128x128xf32, #tpu.memory_space<vmem>>) dst(%dma_wait3A_89 : memref<128x128xf32, #tpu.memory_space<hbm>>)
        tpu.yield
      }) : () -> ()
    } else {
    }
    return
  }
}

module attributes {stable_mosaic.version = 14 : i64} {
  func.func @_tc1_body(%arg0: i32, %arg1: memref<1024x128xf32, #tpu.memory_space<vmem>>, %arg2: memref<1024x128xf32, #tpu.memory_space<vmem>>, %arg3: memref<1024x1xf32, #tpu.memory_space<vmem>>, %arg4: memref<1024x256xf32, #tpu.memory_space<vmem>>, %arg5: memref<256x256xf32, #tpu.memory_space<vmem>>, %arg6: memref<256x256xf32, #tpu.memory_space<vmem>>, %arg7: memref<256xf32, #tpu.memory_space<vmem>>, %arg8: memref<1024x128xf32, #tpu.memory_space<vmem>>, %arg9: memref<1024x128xf32, #tpu.memory_space<vmem>>) attributes {dimension_semantics = [#tpu.dimension_semantics<arbitrary>], iteration_bounds = array<i64: 10>, scalar_prefetch = 0 : i64, scratch_operands = 0 : i64, tpu.core_type = #tpu.core_type<tc>, window_params = [{transform_indices = @transform_0, window_bounds = array<i64: 1024, 128>}, {transform_indices = @transform_1, window_bounds = array<i64: 1024, 128>}, {transform_indices = @transform_2, window_bounds = array<i64: 1024, 1>}, {transform_indices = @transform_3, window_bounds = array<i64: 1024, 256>}, {pipeline_mode = #tpu.pipeline_mode<synchronous>, transform_indices = @transform_4, window_bounds = array<i64: 256, 256>}, {pipeline_mode = #tpu.pipeline_mode<synchronous>, transform_indices = @transform_5, window_bounds = array<i64: 256, 256>}, {pipeline_mode = #tpu.pipeline_mode<synchronous>, transform_indices = @transform_6, window_bounds = array<i64: 256>}, {transform_indices = @transform_7, window_bounds = array<i64: 1024, 128>}, {transform_indices = @transform_8, window_bounds = array<i64: 1024, 128>}]} {
    %get3A = arith.constant 0 : index
    %get3A_0 = arith.constant 0 : index
    %get3A_1 = vector.load %arg1[%get3A, %get3A_0] : memref<1024x128xf32, #tpu.memory_space<vmem>>, vector<1024x128xf32>
    %get3A_2 = arith.constant 0 : index
    %get3A_3 = arith.constant 0 : index
    %get3A_4 = vector.load %arg2[%get3A_2, %get3A_3] : memref<1024x128xf32, #tpu.memory_space<vmem>>, vector<1024x128xf32>
    %concatenate3A = tpu.concatenate %get3A_1, %get3A_4 in 1 : vector<1024x128xf32>, vector<1024x128xf32> -> vector<1024x256xf32>
    %get3A_5 = arith.constant 0 : index
    %get3A_6 = arith.constant 0 : index
    %get3A_7 = vector.load %arg3[%get3A_5, %get3A_6] : memref<1024x1xf32, #tpu.memory_space<vmem>>, vector<1024x1xf32>
    %max3A = arith.constant 1.000000e+00 : f32
    %max3A_8 = vector.broadcast %max3A : f32 to vector<1024x1xf32>
    %max3A_9 = arith.maximumf %get3A_7, %max3A_8 : vector<1024x1xf32>
    %div3A = vector.broadcast %max3A_9 : vector<1024x1xf32> to vector<1024x256xf32>
    %div3A_10 = arith.divf %concatenate3A, %div3A : vector<1024x256xf32>
    %get3A_11 = arith.constant 0 : index
    %get3A_12 = arith.constant 0 : index
    %get3A_13 = vector.load %arg5[%get3A_11, %get3A_12] : memref<256x256xf32, #tpu.memory_space<vmem>>, vector<256x256xf32>
    %dot_general3A = arith.constant dense<0.000000e+00> : vector<1024x256xf32>
    %dot_general3A_14 = tpu.matmul %div3A_10, %get3A_13, %dot_general3A {dimension_numbers = #tpu.dot_dimension_numbers<[1], [0], [0], [1], [0, 0, 1, 1], [], []>, transpose_lhs_hint = false} : vector<1024x256xf32>, vector<256x256xf32>, vector<1024x256xf32> -> vector<1024x256xf32>
    %get3A_15 = arith.constant 0 : index
    %get3A_16 = vector.load %arg7[%get3A_15] : memref<256xf32, #tpu.memory_space<vmem>>, vector<256xf32>
    %broadcast_in_dim3A = vector.shape_cast %get3A_16 : vector<256xf32> to vector<1x256xf32>
    %add3A = vector.broadcast %broadcast_in_dim3A : vector<1x256xf32> to vector<1024x256xf32>
    %add3A_17 = arith.addf %dot_general3A_14, %add3A : vector<1024x256xf32>
    %get3A_18 = arith.constant 0 : index
    %get3A_19 = arith.constant 0 : index
    %get3A_20 = vector.load %arg4[%get3A_18, %get3A_19] : memref<1024x256xf32, #tpu.memory_space<vmem>>, vector<1024x256xf32>
    %get3A_21 = arith.constant 0 : index
    %get3A_22 = arith.constant 0 : index
    %get3A_23 = vector.load %arg6[%get3A_21, %get3A_22] : memref<256x256xf32, #tpu.memory_space<vmem>>, vector<256x256xf32>
    %dot_general3A_24 = arith.constant dense<0.000000e+00> : vector<1024x256xf32>
    %dot_general3A_25 = tpu.matmul %get3A_20, %get3A_23, %dot_general3A_24 {dimension_numbers = #tpu.dot_dimension_numbers<[1], [0], [0], [1], [0, 0, 1, 1], [], []>, transpose_lhs_hint = false} : vector<1024x256xf32>, vector<256x256xf32>, vector<1024x256xf32> -> vector<1024x256xf32>
    %add3A_26 = arith.addf %add3A_17, %dot_general3A_25 : vector<1024x256xf32>
    %max3A_27 = arith.constant 0.000000e+00 : f32
    %max3A_28 = vector.broadcast %max3A_27 : f32 to vector<1024x256xf32>
    %max3A_29 = arith.maximumf %add3A_26, %max3A_28 : vector<1024x256xf32>
    %slice3A = vector.extract_strided_slice %max3A_29 {offsets = [0, 0], sizes = [1024, 128], strides = [1, 1]} : vector<1024x256xf32> to vector<1024x128xf32>
    %swap3A = arith.constant 0 : index
    %swap3A_30 = arith.constant 0 : index
    %swap3A_31 = vector.load %arg8[%swap3A, %swap3A_30] : memref<1024x128xf32, #tpu.memory_space<vmem>>, vector<1024x128xf32>
    tpu.vector_store %arg8[%swap3A, %swap3A_30], %slice3A {strides = array<i32>} : memref<1024x128xf32, #tpu.memory_space<vmem>>, vector<1024x128xf32>,
    %slice3A_32 = vector.extract_strided_slice %max3A_29 {offsets = [0, 128], sizes = [1024, 128], strides = [1, 1]} : vector<1024x256xf32> to vector<1024x128xf32>
    %swap3A_33 = arith.constant 0 : index
    %swap3A_34 = arith.constant 0 : index
    %swap3A_35 = vector.load %arg9[%swap3A_33, %swap3A_34] : memref<1024x128xf32, #tpu.memory_space<vmem>>, vector<1024x128xf32>
    tpu.vector_store %arg9[%swap3A_33, %swap3A_34], %slice3A_32 {strides = array<i32>} : memref<1024x128xf32, #tpu.memory_space<vmem>>, vector<1024x128xf32>,
    return
  }
  func.func @transform_0(%arg0: i32) -> (i32, i32) {
    %c0_i32 = arith.constant 0 : i32
    %c0_i32_0 = arith.constant 0 : i32
    return %arg0, %c0_i32 : i32, i32
  }
  func.func @transform_1(%arg0: i32) -> (i32, i32) {
    %c0_i32 = arith.constant 0 : i32
    %c0_i32_0 = arith.constant 0 : i32
    return %arg0, %c0_i32 : i32, i32
  }
  func.func @transform_2(%arg0: i32) -> (i32, i32) {
    %c0_i32 = arith.constant 0 : i32
    %c0_i32_0 = arith.constant 0 : i32
    return %arg0, %c0_i32 : i32, i32
  }
  func.func @transform_3(%arg0: i32) -> (i32, i32) {
    %c0_i32 = arith.constant 0 : i32
    %c0_i32_0 = arith.constant 0 : i32
    return %arg0, %c0_i32 : i32, i32
  }
  func.func @transform_4(%arg0: i32) -> (i32, i32) {
    %c0_i32 = arith.constant 0 : i32
    %c0_i32_0 = arith.constant 0 : i32
    %c0_i32_1 = arith.constant 0 : i32
    return %c0_i32, %c0_i32_0 : i32, i32
  }
  func.func @transform_5(%arg0: i32) -> (i32, i32) {
    %c0_i32 = arith.constant 0 : i32
    %c0_i32_0 = arith.constant 0 : i32
    %c0_i32_1 = arith.constant 0 : i32
    return %c0_i32, %c0_i32_0 : i32, i32
  }
  func.func @transform_6(%arg0: i32) -> i32 {
    %c0_i32 = arith.constant 0 : i32
    %c0_i32_0 = arith.constant 0 : i32
    return %c0_i32 : i32
  }
  func.func @transform_7(%arg0: i32) -> (i32, i32) {
    %c0_i32 = arith.constant 0 : i32
    %c0_i32_0 = arith.constant 0 : i32
    return %arg0, %c0_i32 : i32, i32
  }
  func.func @transform_8(%arg0: i32) -> (i32, i32) {
    %c0_i32 = arith.constant 0 : i32
    %c0_i32_0 = arith.constant 0 : i32
    return %arg0, %c0_i32 : i32, i32
  }
}

module attributes {stable_mosaic.version = 14 : i64} {
  func.func @_tc2_body(%arg0: i32, %arg1: memref<1024x128xf32, #tpu.memory_space<vmem>>, %arg2: memref<1024x128xf32, #tpu.memory_space<vmem>>, %arg3: memref<1024x128xf32, #tpu.memory_space<vmem>>, %arg4: memref<1024x128xf32, #tpu.memory_space<vmem>>, %arg5: memref<1024x1xf32, #tpu.memory_space<vmem>>, %arg6: memref<1024x1xf32, #tpu.memory_space<vmem>>, %arg7: memref<1024x128xf32, #tpu.memory_space<vmem>>, %arg8: memref<1024x128xf32, #tpu.memory_space<vmem>>, %arg9: memref<256x128xf32, #tpu.memory_space<vmem>>, %arg10: memref<256x128xf32, #tpu.memory_space<vmem>>, %arg11: memref<128xf32, #tpu.memory_space<vmem>>, %arg12: memref<256x128xf32, #tpu.memory_space<vmem>>, %arg13: memref<256x128xf32, #tpu.memory_space<vmem>>, %arg14: memref<128xf32, #tpu.memory_space<vmem>>, %arg15: memref<1024x128xf32, #tpu.memory_space<vmem>>, %arg16: memref<1024x128xf32, #tpu.memory_space<vmem>>, %arg17: memref<10240xi32, #tpu.memory_space<vmem>>) attributes {dimension_semantics = [#tpu.dimension_semantics<arbitrary>], iteration_bounds = array<i64: 10>, scalar_prefetch = 0 : i64, scratch_operands = 0 : i64, tpu.core_type = #tpu.core_type<tc>, window_params = [{transform_indices = @transform_0, window_bounds = array<i64: 1024, 128>}, {transform_indices = @transform_1, window_bounds = array<i64: 1024, 128>}, {transform_indices = @transform_2, window_bounds = array<i64: 1024, 128>}, {transform_indices = @transform_3, window_bounds = array<i64: 1024, 128>}, {transform_indices = @transform_4, window_bounds = array<i64: 1024, 1>}, {transform_indices = @transform_5, window_bounds = array<i64: 1024, 1>}, {transform_indices = @transform_6, window_bounds = array<i64: 1024, 128>}, {transform_indices = @transform_7, window_bounds = array<i64: 1024, 128>}, {pipeline_mode = #tpu.pipeline_mode<synchronous>, transform_indices = @transform_8, window_bounds = array<i64: 256, 128>}, {pipeline_mode = #tpu.pipeline_mode<synchronous>, transform_indices = @transform_9, window_bounds = array<i64: 256, 128>}, {pipeline_mode = #tpu.pipeline_mode<synchronous>, transform_indices = @transform_10, window_bounds = array<i64: 128>}, {pipeline_mode = #tpu.pipeline_mode<synchronous>, transform_indices = @transform_11, window_bounds = array<i64: 256, 128>}, {pipeline_mode = #tpu.pipeline_mode<synchronous>, transform_indices = @transform_12, window_bounds = array<i64: 256, 128>}, {pipeline_mode = #tpu.pipeline_mode<synchronous>, transform_indices = @transform_13, window_bounds = array<i64: 128>}, {transform_indices = @transform_14, window_bounds = array<i64: 1024, 128>}, {transform_indices = @transform_15, window_bounds = array<i64: 1024, 128>}, {pipeline_mode = #tpu.pipeline_mode<synchronous>, transform_indices = @transform_16, window_bounds = array<i64: 10240>}]} {
    %get3A = arith.constant 0 : index
    %get3A_0 = arith.constant 0 : index
    %get3A_1 = vector.load %arg7[%get3A, %get3A_0] : memref<1024x128xf32, #tpu.memory_space<vmem>>, vector<1024x128xf32>
    %get3A_2 = arith.constant 0 : index
    %get3A_3 = arith.constant 0 : index
    %get3A_4 = vector.load %arg8[%get3A_2, %get3A_3] : memref<1024x128xf32, #tpu.memory_space<vmem>>, vector<1024x128xf32>
    %concatenate3A = tpu.concatenate %get3A_1, %get3A_4 in 1 : vector<1024x128xf32>, vector<1024x128xf32> -> vector<1024x256xf32>
    %get3A_5 = arith.constant 0 : index
    %get3A_6 = arith.constant 0 : index
    %get3A_7 = vector.load %arg1[%get3A_5, %get3A_6] : memref<1024x128xf32, #tpu.memory_space<vmem>>, vector<1024x128xf32>
    %get3A_8 = arith.constant 0 : index
    %get3A_9 = arith.constant 0 : index
    %get3A_10 = vector.load %arg2[%get3A_8, %get3A_9] : memref<1024x128xf32, #tpu.memory_space<vmem>>, vector<1024x128xf32>
    %concatenate3A_11 = tpu.concatenate %get3A_7, %get3A_10 in 1 : vector<1024x128xf32>, vector<1024x128xf32> -> vector<1024x256xf32>
    %get3A_12 = arith.constant 0 : index
    %get3A_13 = arith.constant 0 : index
    %get3A_14 = vector.load %arg5[%get3A_12, %get3A_13] : memref<1024x1xf32, #tpu.memory_space<vmem>>, vector<1024x1xf32>
    %max3A = arith.constant 1.000000e+00 : f32
    %max3A_15 = vector.broadcast %max3A : f32 to vector<1024x1xf32>
    %max3A_16 = arith.maximumf %get3A_14, %max3A_15 : vector<1024x1xf32>
    %div3A = vector.broadcast %max3A_16 : vector<1024x1xf32> to vector<1024x256xf32>
    %div3A_17 = arith.divf %concatenate3A_11, %div3A : vector<1024x256xf32>
    %get3A_18 = arith.constant 0 : index
    %get3A_19 = arith.constant 0 : index
    %get3A_20 = vector.load %arg9[%get3A_18, %get3A_19] : memref<256x128xf32, #tpu.memory_space<vmem>>, vector<256x128xf32>
    %dot_general3A = arith.constant dense<0.000000e+00> : vector<1024x128xf32>
    %dot_general3A_21 = tpu.matmul %div3A_17, %get3A_20, %dot_general3A {dimension_numbers = #tpu.dot_dimension_numbers<[1], [0], [0], [1], [0, 0, 1, 1], [], []>, transpose_lhs_hint = false} : vector<1024x256xf32>, vector<256x128xf32>, vector<1024x128xf32> -> vector<1024x128xf32>
    %get3A_22 = arith.constant 0 : index
    %get3A_23 = vector.load %arg11[%get3A_22] : memref<128xf32, #tpu.memory_space<vmem>>, vector<128xf32>
    %broadcast_in_dim3A = vector.shape_cast %get3A_23 : vector<128xf32> to vector<1x128xf32>
    %add3A = vector.broadcast %broadcast_in_dim3A : vector<1x128xf32> to vector<1024x128xf32>
    %add3A_24 = arith.addf %dot_general3A_21, %add3A : vector<1024x128xf32>
    %get3A_25 = arith.constant 0 : index
    %get3A_26 = arith.constant 0 : index
    %get3A_27 = vector.load %arg10[%get3A_25, %get3A_26] : memref<256x128xf32, #tpu.memory_space<vmem>>, vector<256x128xf32>
    %dot_general3A_28 = arith.constant dense<0.000000e+00> : vector<1024x128xf32>
    %dot_general3A_29 = tpu.matmul %concatenate3A, %get3A_27, %dot_general3A_28 {dimension_numbers = #tpu.dot_dimension_numbers<[1], [0], [0], [1], [0, 0, 1, 1], [], []>, transpose_lhs_hint = false} : vector<1024x256xf32>, vector<256x128xf32>, vector<1024x128xf32> -> vector<1024x128xf32>
    %add3A_30 = arith.addf %add3A_24, %dot_general3A_29 : vector<1024x128xf32>
    %reduce_max3A = arith.constant dense<0xFF800000> : vector<1024xf32>
    %reduce_max3A_31 = vector.multi_reduction <maximumf>, %add3A_30, %reduce_max3A [1] : vector<1024x128xf32> to vector<1024xf32>
    %broadcast_in_dim3A_32 = vector.shape_cast %reduce_max3A_31 : vector<1024xf32> to vector<1024x1xf32>
    %sub3A = vector.broadcast %broadcast_in_dim3A_32 : vector<1024x1xf32> to vector<1024x128xf32>
    %sub3A_33 = arith.subf %add3A_30, %sub3A : vector<1024x128xf32>
    %exp3A = math.exp %sub3A_33 : vector<1024x128xf32>
    %reduce_sum3A = arith.constant dense<0.000000e+00> : vector<1024xf32>
    %reduce_sum3A_34 = vector.multi_reduction <add>, %exp3A, %reduce_sum3A [1] : vector<1024x128xf32> to vector<1024xf32>
    %broadcast_in_dim3A_35 = vector.shape_cast %reduce_sum3A_34 : vector<1024xf32> to vector<1024x1xf32>
    %div3A_36 = vector.broadcast %broadcast_in_dim3A_35 : vector<1024x1xf32> to vector<1024x128xf32>
    %div3A_37 = arith.divf %exp3A, %div3A_36 : vector<1024x128xf32>
    %swap3A = arith.constant 0 : index
    %swap3A_38 = arith.constant 0 : index
    %swap3A_39 = vector.load %arg15[%swap3A, %swap3A_38] : memref<1024x128xf32, #tpu.memory_space<vmem>>, vector<1024x128xf32>
    tpu.vector_store %arg15[%swap3A, %swap3A_38], %div3A_37 {strides = array<i32>} : memref<1024x128xf32, #tpu.memory_space<vmem>>, vector<1024x128xf32>,
    %iota3A = tpu.iota {dimensions = array<i32: 1>} : vector<1024x128xi32>
    %eq3A = vector.broadcast %broadcast_in_dim3A_32 : vector<1024x1xf32> to vector<1024x128xf32>
    %eq3A_40 = arith.cmpf oeq, %add3A_30, %eq3A : vector<1024x128xf32>
    %jit3A = arith.constant 128 : i32
    %broadcast_in_dim3A_41 = vector.broadcast %jit3A : i32 to vector<1024x128xi32>
    %select_n3A = arith.select %eq3A_40, %iota3A, %broadcast_in_dim3A_41 : vector<1024x128xi1>, vector<1024x128xi32>
    %reduce_min3A = arith.constant dense<2147483647> : vector<1024xi32>
    %reduce_min3A_42 = vector.multi_reduction <minsi>, %select_n3A, %reduce_min3A [1] : vector<1024x128xi32> to vector<1024xi32>
    %mul3A = arith.constant 1024 : i32
    %mul3A_43 = arith.muli %arg0, %mul3A : i32
    %swap3A_44 = arith.index_cast %mul3A_43 : i32 to index
    %swap3A_45 = vector.load %arg17[%swap3A_44] : memref<10240xi32, #tpu.memory_space<vmem>>, vector<1024xi32>
    tpu.vector_store %arg17[%swap3A_44], %reduce_min3A_42 {strides = array<i32>} : memref<10240xi32, #tpu.memory_space<vmem>>, vector<1024xi32>,
    %get3A_46 = arith.constant 0 : index
    %get3A_47 = arith.constant 0 : index
    %get3A_48 = vector.load %arg3[%get3A_46, %get3A_47] : memref<1024x128xf32, #tpu.memory_space<vmem>>, vector<1024x128xf32>
    %get3A_49 = arith.constant 0 : index
    %get3A_50 = arith.constant 0 : index
    %get3A_51 = vector.load %arg4[%get3A_49, %get3A_50] : memref<1024x128xf32, #tpu.memory_space<vmem>>, vector<1024x128xf32>
    %concatenate3A_52 = tpu.concatenate %get3A_48, %get3A_51 in 1 : vector<1024x128xf32>, vector<1024x128xf32> -> vector<1024x256xf32>
    %get3A_53 = arith.constant 0 : index
    %get3A_54 = arith.constant 0 : index
    %get3A_55 = vector.load %arg6[%get3A_53, %get3A_54] : memref<1024x1xf32, #tpu.memory_space<vmem>>, vector<1024x1xf32>
    %max3A_56 = arith.constant 1.000000e+00 : f32
    %max3A_57 = vector.broadcast %max3A_56 : f32 to vector<1024x1xf32>
    %max3A_58 = arith.maximumf %get3A_55, %max3A_57 : vector<1024x1xf32>
    %div3A_59 = vector.broadcast %max3A_58 : vector<1024x1xf32> to vector<1024x256xf32>
    %div3A_60 = arith.divf %concatenate3A_52, %div3A_59 : vector<1024x256xf32>
    %get3A_61 = arith.constant 0 : index
    %get3A_62 = arith.constant 0 : index
    %get3A_63 = vector.load %arg12[%get3A_61, %get3A_62] : memref<256x128xf32, #tpu.memory_space<vmem>>, vector<256x128xf32>
    %dot_general3A_64 = arith.constant dense<0.000000e+00> : vector<1024x128xf32>
    %dot_general3A_65 = tpu.matmul %div3A_60, %get3A_63, %dot_general3A_64 {dimension_numbers = #tpu.dot_dimension_numbers<[1], [0], [0], [1], [0, 0, 1, 1], [], []>, transpose_lhs_hint = false} : vector<1024x256xf32>, vector<256x128xf32>, vector<1024x128xf32> -> vector<1024x128xf32>
    %get3A_66 = arith.constant 0 : index
    %get3A_67 = vector.load %arg14[%get3A_66] : memref<128xf32, #tpu.memory_space<vmem>>, vector<128xf32>
    %broadcast_in_dim3A_68 = vector.shape_cast %get3A_67 : vector<128xf32> to vector<1x128xf32>
    %add3A_69 = vector.broadcast %broadcast_in_dim3A_68 : vector<1x128xf32> to vector<1024x128xf32>
    %add3A_70 = arith.addf %dot_general3A_65, %add3A_69 : vector<1024x128xf32>
    %get3A_71 = arith.constant 0 : index
    %get3A_72 = arith.constant 0 : index
    %get3A_73 = vector.load %arg13[%get3A_71, %get3A_72] : memref<256x128xf32, #tpu.memory_space<vmem>>, vector<256x128xf32>
    %dot_general3A_74 = arith.constant dense<0.000000e+00> : vector<1024x128xf32>
    %dot_general3A_75 = tpu.matmul %concatenate3A, %get3A_73, %dot_general3A_74 {dimension_numbers = #tpu.dot_dimension_numbers<[1], [0], [0], [1], [0, 0, 1, 1], [], []>, transpose_lhs_hint = false} : vector<1024x256xf32>, vector<256x128xf32>, vector<1024x128xf32> -> vector<1024x128xf32>
    %add3A_76 = arith.addf %add3A_70, %dot_general3A_75 : vector<1024x128xf32>
    %reduce_max3A_77 = arith.constant dense<0xFF800000> : vector<1024xf32>
    %reduce_max3A_78 = vector.multi_reduction <maximumf>, %add3A_76, %reduce_max3A_77 [1] : vector<1024x128xf32> to vector<1024xf32>
    %broadcast_in_dim3A_79 = vector.shape_cast %reduce_max3A_78 : vector<1024xf32> to vector<1024x1xf32>
    %sub3A_80 = vector.broadcast %broadcast_in_dim3A_79 : vector<1024x1xf32> to vector<1024x128xf32>
    %sub3A_81 = arith.subf %add3A_76, %sub3A_80 : vector<1024x128xf32>
    %exp3A_82 = math.exp %sub3A_81 : vector<1024x128xf32>
    %reduce_sum3A_83 = arith.constant dense<0.000000e+00> : vector<1024xf32>
    %reduce_sum3A_84 = vector.multi_reduction <add>, %exp3A_82, %reduce_sum3A_83 [1] : vector<1024x128xf32> to vector<1024xf32>
    %broadcast_in_dim3A_85 = vector.shape_cast %reduce_sum3A_84 : vector<1024xf32> to vector<1024x1xf32>
    %div3A_86 = vector.broadcast %broadcast_in_dim3A_85 : vector<1024x1xf32> to vector<1024x128xf32>
    %div3A_87 = arith.divf %exp3A_82, %div3A_86 : vector<1024x128xf32>
    %swap3A_88 = arith.constant 0 : index
    %swap3A_89 = arith.constant 0 : index
    %swap3A_90 = vector.load %arg16[%swap3A_88, %swap3A_89] : memref<1024x128xf32, #tpu.memory_space<vmem>>, vector<1024x128xf32>
    tpu.vector_store %arg16[%swap3A_88, %swap3A_89], %div3A_87 {strides = array<i32>} : memref<1024x128xf32, #tpu.memory_space<vmem>>, vector<1024x128xf32>,
    return
  }
  func.func @transform_0(%arg0: i32) -> (i32, i32) {
    %c0_i32 = arith.constant 0 : i32
    %c0_i32_0 = arith.constant 0 : i32
    return %arg0, %c0_i32 : i32, i32
  }
  func.func @transform_1(%arg0: i32) -> (i32, i32) {
    %c0_i32 = arith.constant 0 : i32
    %c0_i32_0 = arith.constant 0 : i32
    return %arg0, %c0_i32 : i32, i32
  }
  func.func @transform_2(%arg0: i32) -> (i32, i32) {
    %c0_i32 = arith.constant 0 : i32
    %c0_i32_0 = arith.constant 0 : i32
    return %arg0, %c0_i32 : i32, i32
  }
  func.func @transform_3(%arg0: i32) -> (i32, i32) {
    %c0_i32 = arith.constant 0 : i32
    %c0_i32_0 = arith.constant 0 : i32
    return %arg0, %c0_i32 : i32, i32
  }
  func.func @transform_4(%arg0: i32) -> (i32, i32) {
    %c0_i32 = arith.constant 0 : i32
    %c0_i32_0 = arith.constant 0 : i32
    return %arg0, %c0_i32 : i32, i32
  }
  func.func @transform_5(%arg0: i32) -> (i32, i32) {
    %c0_i32 = arith.constant 0 : i32
    %c0_i32_0 = arith.constant 0 : i32
    return %arg0, %c0_i32 : i32, i32
  }
  func.func @transform_6(%arg0: i32) -> (i32, i32) {
    %c0_i32 = arith.constant 0 : i32
    %c0_i32_0 = arith.constant 0 : i32
    return %arg0, %c0_i32 : i32, i32
  }
  func.func @transform_7(%arg0: i32) -> (i32, i32) {
    %c0_i32 = arith.constant 0 : i32
    %c0_i32_0 = arith.constant 0 : i32
    return %arg0, %c0_i32 : i32, i32
  }
  func.func @transform_8(%arg0: i32) -> (i32, i32) {
    %c0_i32 = arith.constant 0 : i32
    %c0_i32_0 = arith.constant 0 : i32
    %c0_i32_1 = arith.constant 0 : i32
    return %c0_i32, %c0_i32_0 : i32, i32
  }
  func.func @transform_9(%arg0: i32) -> (i32, i32) {
    %c0_i32 = arith.constant 0 : i32
    %c0_i32_0 = arith.constant 0 : i32
    %c0_i32_1 = arith.constant 0 : i32
    return %c0_i32, %c0_i32_0 : i32, i32
  }
  func.func @transform_10(%arg0: i32) -> i32 {
    %c0_i32 = arith.constant 0 : i32
    %c0_i32_0 = arith.constant 0 : i32
    return %c0_i32 : i32
  }
  func.func @transform_11(%arg0: i32) -> (i32, i32) {
    %c0_i32 = arith.constant 0 : i32
    %c0_i32_0 = arith.constant 0 : i32
    %c0_i32_1 = arith.constant 0 : i32
    return %c0_i32, %c0_i32_0 : i32, i32
  }
  func.func @transform_12(%arg0: i32) -> (i32, i32) {
    %c0_i32 = arith.constant 0 : i32
    %c0_i32_0 = arith.constant 0 : i32
    %c0_i32_1 = arith.constant 0 : i32
    return %c0_i32, %c0_i32_0 : i32, i32
  }
  func.func @transform_13(%arg0: i32) -> i32 {
    %c0_i32 = arith.constant 0 : i32
    %c0_i32_0 = arith.constant 0 : i32
    return %c0_i32 : i32
  }
  func.func @transform_14(%arg0: i32) -> (i32, i32) {
    %c0_i32 = arith.constant 0 : i32
    %c0_i32_0 = arith.constant 0 : i32
    return %arg0, %c0_i32 : i32, i32
  }
  func.func @transform_15(%arg0: i32) -> (i32, i32) {
    %c0_i32 = arith.constant 0 : i32
    %c0_i32_0 = arith.constant 0 : i32
    return %arg0, %c0_i32 : i32, i32
  }
  func.func @transform_16(%arg0: i32) -> i32 {
    %c0_i32 = arith.constant 0 : i32
    %c0_i32_0 = arith.constant 0 : i32
    return %c0_i32 : i32
  }
}

</mosaic_0001>

<sc_bundles>
// kernel: kernel.10.cloned.1.call-start
scs
__scs_entry_jumppad:
0x0: {  	(pc) =	sbr.rel $0x88, $3  }
0x1: {  	(tag) =	ssettag $0x0;
	lr =	simm.s32 $0x1  }
0x2: {  	[smem:$0x3F95] =	sst lr;
	_ =	strace $0xD0000000  }
0x3: {  	_ = 	snop  }
0x4: {  	_ = 	snop  }
0x5: {  	_ = 	snop  }
0x6: {  	_ = 	snop  }
0x7: {  	_ = 	snop  }
__scs_overlays_trampoline_lowered:
0x8: {  	[smem:$0x3FA4] =	sst s0  }
0x9: {  	[smem:$0x3FA5] =	sst s1  }
0xa: {  	[smem:$0x3FA6] =	sst s2  }
0xb: {  	[smem:$0x3FA7] =	sst s3  }
0xc: {  	[smem:$0x3FA8] =	sst s4  }
0xd: {  	[smem:$0x3FA9] =	sst s5  }
0xe: {  	[smem:$0x3FAA] =	sst s6  }
0xf: {  	[smem:$0x3FAB] =	sst s7  }
0x10: {  	[smem:$0x3FAC] =	sst s8  }
0x11: {  	[smem:$0x3FAD] =	sst s9;
	s0 =	simm.s32 @!p0 $0x0  }
0x12: {  	s1 =	sld [smem:$0x3F93];
	s0 =	simm.s32 @p0 $0x1  }
0x13: {  	[smem:$0x3FAE] =	sst s0;
	s0 =	simm.s32 @!p1 $0x0  }
0x14: {  	s2 =	sld [smem:$0x3F92];
	s0 =	simm.s32 @p1 $0x1  }
0x15: {  	[smem:$0x3FAF] =	sst s0;
	s0 =	simm.s32 @!p2 $0x0  }
0x16: {  	s3 =	sld [smem:$0x3FDB];
	s0 =	simm.s32 @p2 $0x1  }
0x17: {  	s4 =	simm.s32 $0x1BF5;
	[smem:$0x3FB1] =	sst s0  }
0x18: {  	s0 =	sld [smem:$0x3F94];
	_ =	swait.ge [sflag:s4], $0x0  }
0x19: {  	s7 =	sld [smem:$0x3F95]  }
0x1a: {  	s8 =	sadd.s32 $0xFFFFE003, lr  }
0x1b: {  	s9 =	sadd.s32 $0xFFFFFEF7, lr;
	s5 =	simm.s32 $0xFFFFFFFF;
	p2 =	slt.u32 s8, $0xFFFFF086  }
0x1c: {  	p1 =	slt.u32 s9, $0xF7A;
	s5 =	simm.s32 @!p2 $0x0  }
0x1d: {  	s5 =	simm.s32 @p1 $0x1;
	p0 =	seq.s32 s7, s2  }
0x1e: {  	s7 =	smul.u32 @!p0 $0xF7A, s2;
	p2 =	seq.s32 @!p0 s5, $0x0  }
0x1f: {  	s9 =	smul.u32 $0xF7A, s1;
	s8 =	simm.s32 @!p0 $0x1BF5;
	p2 =	por !p2, p0  }
0x20: {  	[sflag:s8] =	ssyncset.s32 @!p0 $0xFFFFF086;
	s6 =	sadd.s32 @!p0 s3, s7;
	s7 =	simm.s32 @!p0 $0x108  }
0x21: {  	s3 =	sadd.s32 s3, s9;
	s6 =	sadd.s32 @!p0 $0x88, s6;
	s7 =	simm.s32 @p2 $0x1082  }
0x22: {  	[simem:s7], [sflag:s8] =	dma.local @!p0 [hbm:s6], $0xF7A  }
0x23: {  	s9 =	sor.u32 $0xD0000000, s2;
	s6 =	simm.s32 $0x108;
	_ =	swait.ge @!p0 [sflag:s8], $0x0  }
0x24: {  	s3 =	sadd.s32 $0x88, s3;
	s6 =	simm.s32 @!p1 $0x1082;
	[sflag:s4] =	ssyncset.s32 $0xFFFFF086  }
0x25: {  	[simem:s6], [sflag:s4] =	dma.local [hbm:s3], $0xF7A  }
0x26: {  	[smem:$0x3F95] =	sst s1;
	(tag) =	ssettag s2;
	_ =	strace s9  }
0x27: {  	s1 =	sld [smem:$0x3FA5]  }
0x28: {  	s2 =	sld [smem:$0x3FA6]  }
0x29: {  	s4 =	sld [smem:$0x3FA8]  }
0x2a: {  	p0 =	seq.s32 s5, $0x0;
	s5 =	sld [smem:$0x3FA9]  }
0x2b: {  	s6 =	sld [smem:$0x3FAA]  }
0x2c: {  	s7 =	sld [smem:$0x3FAB]  }
0x2d: {  	s3 =	simm.s32 $0x108;
	s8 =	sld [smem:$0x3FAC]  }
0x2e: {  	s3 =	simm.s32 @!p0 $0x1082;
	s9 =	sld [smem:$0x3FAD]  }
0x2f: {  	lr =	sadd.s32 s0, s3;
	s0 =	sld [smem:$0x3FA4]  }
0x30: {  	s3 =	sld [smem:$0x3FA7]  }
0x31: {  	[smem:$0x3FB0] =	sst s10  }
0x32: {  	s10 =	sld [smem:$0x3FAE];
	_ =	sdelay $0x3  }
0x33: {  	p0 =	seq.s32 s10, $0x1;
	s10 =	sld [smem:$0x3FB0];
	_ =	sdelay $0x3  }
0x34: {  	[smem:$0x3FB0] =	sst s10  }
0x35: {  	s10 =	sld [smem:$0x3FAF];
	_ =	sdelay $0x3  }
0x36: {  	p1 =	seq.s32 s10, $0x1;
	s10 =	sld [smem:$0x3FB0];
	_ =	sdelay $0x3  }
0x37: {  	[smem:$0x3FB0] =	sst s10  }
0x38: {  	s10 =	sld [smem:$0x3FB1]  }
0x39: {  	_ = 	snop;
	(pc) =	sbr.ind lr, $3  }
0x3a: {  	_ = 	snop  }
0x3b: {  	_ = 	snop  }
0x3c: {  	p2 =	seq.s32 s10, $0x1;
	s10 =	sld [smem:$0x3FB0]  }
0x3d: {  	_ =	shalt  }
0x3e: {  	_ =	shalt  }
0x3f: {  	_ =	shalt  }
0x40: {  	_ =	shalt  }
0x41: {  	_ =	shalt  }
0x42: {  	_ =	shalt  }
0x43: {  	_ =	shalt  }
0x44: {  	_ =	shalt  }
0x45: {  	_ =	shalt  }
0x46: {  	_ =	shalt  }
0x47: {  	_ =	shalt  }
0x48: {  	_ =	shalt  }
0x49: {  	_ =	shalt  }
0x4a: {  	_ =	shalt  }
0x4b: {  	_ =	shalt  }
0x4c: {  	_ =	shalt  }
0x4d: {  	_ =	shalt  }
0x4e: {  	_ =	shalt  }
0x4f: {  	_ =	shalt  }
0x50: {  	_ =	shalt  }
0x51: {  	_ =	shalt  }
0x52: {  	_ =	shalt  }
0x53: {  	_ =	shalt  }
0x54: {  	_ =	shalt  }
0x55: {  	_ =	shalt  }
0x56: {  	_ =	shalt  }
0x57: {  	_ =	shalt  }
0x58: {  	_ =	shalt  }
0x59: {  	_ =	shalt  }
0x5a: {  	_ =	shalt  }
0x5b: {  	_ =	shalt  }
0x5c: {  	_ =	shalt  }
0x5d: {  	_ =	shalt  }
0x5e: {  	_ =	shalt  }
0x5f: {  	_ =	shalt  }
0x60: {  	_ =	shalt  }
0x61: {  	_ =	shalt  }
0x62: {  	_ =	shalt  }
0x63: {  	_ =	shalt  }
0x64: {  	_ =	shalt  }
0x65: {  	_ =	shalt  }
0x66: {  	_ =	shalt  }
0x67: {  	_ =	shalt  }
0x68: {  	_ =	shalt  }
0x69: {  	_ =	shalt  }
0x6a: {  	_ =	shalt  }
0x6b: {  	_ =	shalt  }
0x6c: {  	_ =	shalt  }
0x6d: {  	_ =	shalt  }
0x6e: {  	_ =	shalt  }
0x6f: {  	_ =	shalt  }
0x70: {  	_ =	shalt  }
0x71: {  	_ =	shalt  }
0x72: {  	_ =	shalt  }
0x73: {  	_ =	shalt  }
0x74: {  	_ =	shalt  }
0x75: {  	_ =	shalt  }
0x76: {  	_ =	shalt  }
0x77: {  	_ =	shalt  }
0x78: {  	_ =	shalt  }
0x79: {  	_ =	shalt  }
0x7a: {  	_ =	shalt  }
0x7b: {  	_ =	shalt  }
0x7c: {  	_ =	shalt  }
0x7d: {  	_ =	shalt  }
0x7e: {  	_ =	shalt  }
0x7f: {  	_ =	shalt  }
0x80: {  	_ =	shalt  }
0x81: {  	_ =	shalt  }
0x82: {  	_ =	shalt  }
0x83: {  	_ =	shalt  }
0x84: {  	_ =	shalt  }
0x85: {  	_ =	shalt  }
0x86: {  	_ =	shalt  }
0x87: {  	_ =	shalt  }
.Lfunc_end0:
.L_simem_size_0:
called_computation.1_lowered:
.L_overlay_start_0:
0x88: {  	s2 =	sld [smem:$0x3FD9]  }
0x89: {  	s3 =	sld [smem:$0x3FFE];
	_ =	sdelay $0x1  }
0x8a: {  	s1 =	srdreg.scid  }
0x8b: {  	s0 =	sand.u32 $0x1, s1  }
0x8c: {  	s15 =	sshll.u32 s0, $0xA;
	s2 =	sadd.s32 s3, s2  }
0x8d: {  	s2 =	sadd.s32 s2, s15  }
0x8e: {  	[smem:$0x3FBC] =	sst s2  }
0x8f: {  	_ = 	snop  }
0x90: {  	s2 =	sld [smem:$0x3FD0];
	_ =	sdelay $0x2  }
0x91: {  	s4 =	simm.s32 $0xB;
	s16 =	simm.s32 $0x10  }
0x92: {  	[smem:s16], [sflag:s4] =	dma.local [hbm:s2], $0x1  }
0x93: {  	_ =	swait.eq [sflag:s4], $0x1  }
0x94: {  	[sflag:s4] =	ssyncset.done $0x0  }
0x95: {  	s17 =	sld [smem:$0x10];
	[sflag:s4] =	ssyncadd.s32 $0xFFFFFFFF  }
0x96: {  	s18 =	sld [smem:$0x11];
	(tm) =	ssettm $0x1  }
0x97: {  	s19 =	sld [smem:$0x3FFB];
	_ =	sdelay $0x3  }
0x98: {  	_ =	strace s19  }
0x99: {  	s2 =	sld [smem:$0x3FFC];
	_ =	sdelay $0x3  }
0x9a: {  	_ =	strace s2  }
0x9b: {  	s2 =	sld [smem:$0x3FFD];
	_ =	sdelay $0x3  }
0x9c: {  	_ =	strace s2  }
0x9d: {  	_ =	strace $0x8FFFFFFF  }
0x9e: {  	s20 =	sld [smem:$0x3FDB];
	_ =	sdelay $0x1  }
0x9f: {  	s5 =	simm.s32 $_scs_section_size  }
0xa0: {  	s6 =	simm.s32 $_size__tile_overlayer_lowered;
	s7 =	simm.s32 $_tile_overlayer_lowered  }
0xa1: {  	s8 =	simm.s32 $0x1BFF;
	s21 =	sshll.u32 s7, $0x1;
	s5 =	sadd.s32 s5, s20  }
0xa2: {  	s22 =	simm.s32 $0x0;
	s6 =	sshll.u32 s6, $0x1;
	s7 =	sadd.s32 s21, s5  }
0xa3: {  	[timem:s22], [sflag:s8] =	dma.local [hbm:s7], s6  }
0xa4: {  	_ =	swait.ge [sflag:s8], s6  }
0xa5: {  	s6 =	ssub.s32 $0x0, s6;
	[sflag:s8] =	ssyncset.done $0x0  }
0xa6: {  	[sflag:s8] =	ssyncadd.s32 s6;
	_ =	sdelay $0x1  }
0xa7: {  	s23 =	simm.s32 $0x1B8B  }
0xa8: {  	_ =	swait.ge [sflag:s23], $0x1  }
0xa9: {  	[sflag:s23] =	ssyncset.done $0x0  }
0xaa: {  	[sflag:s23] =	ssyncadd.s32 $0xFFFFFFFF  }
0xab: {  	s6 =	sld [smem:$0x0]  }
0xac: {  	s7 =	sand.u32 $0xFFFFFFFE, s1  }
0xad: {  	p0 =	sne.s32 s1, s7  }
0xae: {  	s7 =	sshll.u32 @p0 s7, $0xE  }
0xaf: {  	s7 =	sadd.s32 @p0 $0x11B8D, s7;
	s8 =	sshll.u32 @p0 s6, $0x11  }
0xb0: {  	s7 =	sor.u32 @p0 s8, s7  }
0xb1: {  	[sflag:s7] =	ssyncadd.remote.s32 @p0 $0x1;
	_ =	sdelay $0x1  }
0xb2: {  	s7 =	simm.s32 @p0 $0x1B8D  }
0xb3: {  	_ =	swait.eq @p0 [sflag:s7], $0x1  }
0xb4: {  	[sflag:s7] =	ssyncadd.s32 @p0 $0xFFFFFFFF  }
0xb5: {  	s8 =	sshll.u32 @!p0 s1, $0xE  }
0xb6: {  	s8 =	sor.u32 @!p0 $0x4000, s8;
	s7 =	simm.s32 @!p0 $0x1B8D  }
0xb7: {  	s6 =	sshll.u32 @!p0 s6, $0x11;
	s8 =	sadd.s32 @!p0 $0x11B8D, s8;
	_ =	swait.eq @!p0 [sflag:s7], $0x1  }
0xb8: {  	s6 =	sor.u32 @!p0 s6, s8;
	[sflag:s7] =	ssyncadd.s32 @!p0 $0xFFFFFFFF  }
0xb9: {  	s25 =	simm.s32 $0x1B8E;
	s24 =	sld [smem:$0x3FFE];
	[sflag:s6] =	ssyncadd.remote.s32 @!p0 $0x1  }
0xba: {  	s26 =	simm.s32 $execute0_lowered;
	[smem:$0x3FD2] =	sst s25  }
0xbb: {  	s7 =	sshll.u32 s26, $0x1;
	_ =	strace $0x80000049;
	[dreg:$0x1] =	wrdreg $0xFFFFFFFF  }
0xbc: {  	s28 =	simm.s32 $_size_execute0_lowered;
	s5 =	sadd.s32 s5, s7;
	[dreg:$0x0] =	wrdreg $0x0  }
0xbd: {  	s7 =	sshll.u32 s28, $0x1;
	[dreg:$0x2] =	wrdreg s5  }
0xbe: {  	[dreg:$0x3] =	wrdreg s7  }
0xbf: {  	[dreg:$0x4] =	wrdreg $0xC0  }
0xc0: {  	_ =	task [dreg:s22], $0x5FFFF  }
0xc1: {  	[dreg:$0x1] =	wrdreg $0xFFFFFFFF  }
0xc2: {  	[dreg:$0x0] =	wrdreg $0x60  }
0xc3: {  	[dreg:$0x2] =	wrdreg s17  }
0xc4: {  	[dreg:$0x3] =	wrdreg s18  }
0xc5: {  	[dreg:$0x4] =	wrdreg s24  }
0xc6: {  	[dreg:$0x5] =	wrdreg $0xB6200  }
0xc7: {  	[dreg:$0x6] =	wrdreg $0xA  }
0xc8: {  	_ =	task.clear_ibuf [dreg:s22], $0x7FFFF;
	_ =	strace $0x90000049  }
0xc9: {  	s29 =	simm.s32 $0xA;
	_ =	strace $0x8000004B  }
0xca: {  	_ =	swait.ge [sflag:s29], $0x1  }
0xcb: {  	[sflag:s29] =	ssyncadd.s32 $0xFFFFFFFF  }
0xcc: {  	_ =	strace $0x9000004B  }
0xcd: {  	_ =	sfence  }
0xce: {  	s30 =	sld [smem:$0x0];
	_ =	sdelay $0x2  }
0xcf: {  	s31 =	sshll.u32 s1, $0xD;
	s1 =	sshrl.u32 s1, $0x2  }
0xd0: {  	s4 =	sand.u32 $0x4000, s31;
	s1 =	sadd.s32 s1, s30  }
0xd1: {  	s0 =	sor.u32 s4, s0;
	s1 =	sshll.u32 s1, $0x11  }
0xd2: {  	s0 =	sor.u32 s1, s0  }
0xd3: {  	s0 =	sadd.s32 $0x8F2B, s0  }
0xd4: {  	[sflag:s0] =	ssyncadd.remote.s32 $0x1  }
0xd5: {  	_ =	sfence.sel $0xFFFF  }
0xd6: {  	[dreg:$0x0] =	wrdreg $0xFFFFFFFF;
	(pc) =	sbr.abs _section_cstart, $3  }
0xd7: {  	[dreg:$0x1] =	wrdreg $0xFFFFFFFF  }
0xd8: {  	_ =	task.clear_ibuf [dreg:s22], $0x2FFFF;
	_ =	strace $0x9FFFFFFF  }
0xd9: {  	(tm) =	ssettm $0x7FFFFFFF  }
tec
execute0_lowered:
.L_overlay_start_1:
0x0: {  	(tag) =	ssettag $0x1  }
0x1: {  	s1 =	rddreg [dreg:$0x0]  }
0x2: {  	s2 =	rddreg [dreg:$0x1]  }
0x3: {  	s8 =	rddreg [dreg:$0x2]  }
0x4: {  	s4 =	rddreg [dreg:$0x3];
	s5 =	simm.s32 $0x0  }
0x5: {  	s3 =	stileid.u32;
	s7 =	srdreg.scid;
	s23 =	simm.s32 $0x1  }
0x6: {  	s24 =	simm.s32 $0x2710;
	s25 =	simm.s32 $0x50;
	s26 =	simm.s32 $0x4E20  }
0x7: {  	s28 =	simm.s32 $0x0;
	[smem:$0x7FF] =	sst s5;
	s6 =	smul.u32 $0x4E2, s3  }
0x8: {  	s22 =	sand.u32 $0x1, s7;
	s16 =	smul.u32 $0x14000, s3;
	s7 =	sadd.s32 $0x18A00, s8  }
0x9: {  	_ =	strace $0x8000004A;
	s9 =	ssub.s32 $0x2, s22;
	p0 =	sne.s32 s22, $0x0  }
0xa: {  	s22 =	simm.s32 $0x7620;
	s15 =	sadd.s32 s6, s8;
	s6 =	sadd.s32 $0x18200, s8  }
0xb: {  	s8 =	sadd.s32 $0x40A00, s8;
	s10 =	sshrl.u32 s9, $0x1;
	s17 =	sadd.s32 $0x4000, s16  }
0xc: {  	s18 =	sadd.s32 $0x8000, s16;
	s19 =	sadd.s32 $0xC000, s16;
	s20 =	sadd.s32 $0x10000, s16  }
.Ltmp0:
0xd: {  	s21 =	ssub.s32 s9, s10;
	s9 =	sadd.s32 s16, s4;
	(pc) =	sbr.rel .LBB2_1-.Ltmp0, $4  }
0xe: {  	s10 =	sadd.s32 s17, s4;
	s11 =	sadd.s32 s18, s4;
	s12 =	sadd.s32 s19, s4  }
0xf: {  	s13 =	sadd.s32 s20, s4;
	s14 =	sadd.s32 $0x8800, s15;
	s15 =	sadd.s32 $0x3800, s15  }
0x10: {  	s16 =	sshrl.u32 s16, $0x3;
	s17 =	sshrl.u32 s17, $0x3;
	s18 =	sshrl.u32 s18, $0x3  }
0x11: {  	s19 =	sshrl.u32 s19, $0x3;
	s20 =	sshrl.u32 s20, $0x3;
	s21 =	smax.u32 s21, $0x1  }
.LBB2_7:
0x12: {  	s0 =	sshra.s32 s29, $0x2;
	[sflag:s23] =	ssyncadd.s32 $0xFFFFD800  }
0x13: {  	[tilespmem:s26], [sflag:$0x1] =	stream.indirect.gather [hbm4b:s2+s25], $0x80, s0, s25, $0xb8;
	[tilespmem:$0x1F620] =	vst v63  }
0x14: {  	_ =	swait.ge [sflag:s23], $0x2800  }
0x15: {  	[sflag:s23] =	ssyncset.done $0x0  }
0x16: {  	s0 =	sadd.s32 $0x2710, s0;
	[sflag:s23] =	ssyncadd.s32 $0xFFFFD800  }
0x17: {  	[spmem:s4] =	stream.indirect.scatter.add.f32 [tilespmem:s26], [sflag:$0x1], $0x80, s0, s25, $0xb8;
	[tilespmem:$0x1F620] =	vst v63  }
0x18: {  	_ =	swait.ge [sflag:s23], $0x2800  }
0x19: {  	[sflag:s23] =	ssyncset.done $0x0  }
0x1a: {  	s29 =	smov.u32 s8;
	[sflag:s23] =	ssyncadd.s32 $0xFFFFD800  }
.LBB2_8:
0x1b: {  	[bflag:$0x0] =	sbarrier.arrive $0xFFFF  }
0x1c: {  	[tilespmem:s22], [sflag:$0x1] =	stream.linear.gather [spmem:s9], $0x4000, $0x38;
	[tilespmem:$0x1F620] =	vst v63  }
0x1d: {  	_ =	swait.ge [sflag:s23], $0x4000  }
0x1e: {  	[sflag:s23] =	ssyncset.done $0x0  }
0x1f: {  	s0 =	sadd.s32 s29, s16;
	[sflag:s23] =	ssyncadd.s32 $0xFFFFC000  }
0x20: {  	[hbm4b:s0+s5] =	stream.linear.scatter [tilespmem:s22], [sflag:$0x1], $0x4000, $0x38;
	[tilespmem:$0x1F620] =	vst v63  }
0x21: {  	_ =	swait.ge [sflag:s23], $0x4000  }
0x22: {  	[sflag:s23] =	ssyncset.done $0x0  }
0x23: {  	[sflag:s23] =	ssyncadd.s32 $0xFFFFC000  }
0x24: {  	[tilespmem:s22], [sflag:$0x1] =	stream.linear.gather [spmem:s10], $0x4000, $0x38;
	[tilespmem:$0x1F620] =	vst v63  }
0x25: {  	_ =	swait.ge [sflag:s23], $0x4000  }
0x26: {  	[sflag:s23] =	ssyncset.done $0x0  }
0x27: {  	s30 =	sadd.s32 s29, s17;
	[sflag:s23] =	ssyncadd.s32 $0xFFFFC000  }
0x28: {  	[hbm4b:s30+s5] =	stream.linear.scatter [tilespmem:s22], [sflag:$0x1], $0x4000, $0x38;
	[tilespmem:$0x1F620] =	vst v63  }
0x29: {  	_ =	swait.ge [sflag:s23], $0x4000  }
0x2a: {  	[sflag:s23] =	ssyncset.done $0x0  }
0x2b: {  	[sflag:s23] =	ssyncadd.s32 $0xFFFFC000  }
0x2c: {  	[tilespmem:s22], [sflag:$0x1] =	stream.linear.gather [spmem:s11], $0x4000, $0x38;
	[tilespmem:$0x1F620] =	vst v63  }
0x2d: {  	_ =	swait.ge [sflag:s23], $0x4000  }
0x2e: {  	[sflag:s23] =	ssyncset.done $0x0  }
0x2f: {  	s31 =	sadd.s32 s29, s18;
	[sflag:s23] =	ssyncadd.s32 $0xFFFFC000  }
0x30: {  	[hbm4b:s31+s5] =	stream.linear.scatter [tilespmem:s22], [sflag:$0x1], $0x4000, $0x38;
	[tilespmem:$0x1F620] =	vst v63  }
0x31: {  	_ =	swait.ge [sflag:s23], $0x4000  }
0x32: {  	[sflag:s23] =	ssyncset.done $0x0  }
0x33: {  	[sflag:s23] =	ssyncadd.s32 $0xFFFFC000  }
0x34: {  	[tilespmem:s22], [sflag:$0x1] =	stream.linear.gather [spmem:s12], $0x4000, $0x38;
	[tilespmem:$0x1F620] =	vst v63  }
0x35: {  	_ =	swait.ge [sflag:s23], $0x4000  }
0x36: {  	[sflag:s23] =	ssyncset.done $0x0  }
0x37: {  	s30 =	sadd.s32 s29, s19;
	[sflag:s23] =	ssyncadd.s32 $0xFFFFC000  }
0x38: {  	[hbm4b:s30+s5] =	stream.linear.scatter [tilespmem:s22], [sflag:$0x1], $0x4000, $0x38;
	[tilespmem:$0x1F620] =	vst v63  }
0x39: {  	_ =	swait.ge [sflag:s23], $0x4000  }
0x3a: {  	[sflag:s23] =	ssyncset.done $0x0  }
0x3b: {  	[sflag:s23] =	ssyncadd.s32 $0xFFFFC000  }
0x3c: {  	[tilespmem:s22], [sflag:$0x1] =	stream.linear.gather [spmem:s13], $0x4000, $0x38;
	[tilespmem:$0x1F620] =	vst v63  }
0x3d: {  	s28 =	sadd.s32 $0x1, s28;
	_ =	swait.ge [sflag:s23], $0x4000  }
0x3e: {  	p1 =	sne.s32 s28, s21;
	[sflag:s23] =	ssyncset.done $0x0  }
.Ltmp1:
0x3f: {  	s31 =	sadd.s32 s29, s20;
	[sflag:s23] =	ssyncadd.s32 $0xFFFFC000;
	(pc) =	sbr.rel @!p1 .LBB2_9-.Ltmp1, $4  }
0x40: {  	[hbm4b:s31+s5] =	stream.linear.scatter [tilespmem:s22], [sflag:$0x1], $0x4000, $0x38;
	[tilespmem:$0x1F620] =	vst v63  }
0x41: {  	_ =	swait.ge [sflag:s23], $0x4000  }
0x42: {  	[sflag:s23] =	ssyncset.done $0x0  }
0x43: {  	[sflag:s23] =	ssyncadd.s32 $0xFFFFC000  }
.LBB2_1:
0x44: {  	[tilespmem:s22], [sflag:$0x1] =	stream.linear.gather [hbm4b:s6+s5], $0x4000, $0x38;
	[tilespmem:$0x1F620] =	vst v63  }
0x45: {  	_ =	swait.ge [sflag:s23], $0x4000  }
0x46: {  	[sflag:s23] =	ssyncset.done $0x0  }
0x47: {  	[sflag:s23] =	ssyncadd.s32 $0xFFFFC000  }
0x48: {  	[spmem:s9] =	stream.linear.scatter [tilespmem:s22], [sflag:$0x1], $0x4000, $0x38;
	[tilespmem:$0x1F620] =	vst v63  }
0x49: {  	_ =	swait.ge [sflag:s23], $0x4000  }
0x4a: {  	[sflag:s23] =	ssyncset.done $0x0  }
0x4b: {  	[sflag:s23] =	ssyncadd.s32 $0xFFFFC000  }
0x4c: {  	[spmem:s10] =	stream.linear.scatter [tilespmem:s22], [sflag:$0x1], $0x4000, $0x38;
	[tilespmem:$0x1F620] =	vst v63  }
0x4d: {  	_ =	swait.ge [sflag:s23], $0x4000  }
0x4e: {  	[sflag:s23] =	ssyncset.done $0x0  }
0x4f: {  	[sflag:s23] =	ssyncadd.s32 $0xFFFFC000  }
0x50: {  	[spmem:s11] =	stream.linear.scatter [tilespmem:s22], [sflag:$0x1], $0x4000, $0x38;
	[tilespmem:$0x1F620] =	vst v63  }
0x51: {  	_ =	swait.ge [sflag:s23], $0x4000  }
0x52: {  	[sflag:s23] =	ssyncset.done $0x0  }
0x53: {  	[sflag:s23] =	ssyncadd.s32 $0xFFFFC000  }
0x54: {  	[spmem:s12] =	stream.linear.scatter [tilespmem:s22], [sflag:$0x1], $0x4000, $0x38;
	[tilespmem:$0x1F620] =	vst v63  }
0x55: {  	_ =	swait.ge [sflag:s23], $0x4000  }
0x56: {  	[sflag:s23] =	ssyncset.done $0x0  }
0x57: {  	[sflag:s23] =	ssyncadd.s32 $0xFFFFC000  }
0x58: {  	[spmem:s13] =	stream.linear.scatter [tilespmem:s22], [sflag:$0x1], $0x4000, $0x38;
	[tilespmem:$0x1F620] =	vst v63  }
0x59: {  	_ =	swait.ge [sflag:s23], $0x4000  }
0x5a: {  	[sflag:s23] =	ssyncset.done $0x0  }
0x5b: {  	[sflag:s23] =	ssyncadd.s32 $0xFFFFC000  }
0x5c: {  	[bflag:$0x0] =	sbarrier.arrive $0xFFFF  }
0x5d: {  	[tilespmem:s5], [sflag:$0x1] =	stream.linear.gather [hbm4b:s14+s5], $0x2710, $0x38;
	[tilespmem:$0x1F620] =	vst v63  }
0x5e: {  	_ =	swait.ge [sflag:s23], $0x2710  }
0x5f: {  	[sflag:s23] =	ssyncset.done $0x0  }
.Ltmp2:
0x60: {  	[sflag:s23] =	ssyncadd.s32 $0xFFFFD8F0;
	(pc) =	sbr.rel @p0 .LBB2_5-.Ltmp2, $4  }
0x61: {  	[tilespmem:s24], [sflag:$0x1] =	stream.linear.gather [hbm4b:s15+s5], $0x2710, $0x38;
	[tilespmem:$0x1F620] =	vst v63  }
0x62: {  	_ =	swait.ge [sflag:s23], $0x2710  }
0x63: {  	[sflag:s23] =	ssyncset.done $0x0  }
0x64: {  	[sflag:s23] =	ssyncadd.s32 $0xFFFFD8F0  }
0x65: {  	s29 =	simm.s32 $0x0  }
0x66: {  	[tilespmem:s26], [sflag:$0x1] =	stream.indirect.gather [hbm4b:s1+s25], $0x80, s29, s25, $0xb8;
	[tilespmem:$0x1F620] =	vst v63  }
0x67: {  	_ =	swait.ge [sflag:s23], $0x2800  }
0x68: {  	[sflag:s23] =	ssyncset.done $0x0  }
0x69: {  	s29 =	simm.s32 $0x2710;
	[sflag:s23] =	ssyncadd.s32 $0xFFFFD800  }
0x6a: {  	[spmem:s4] =	stream.indirect.scatter.add.f32 [tilespmem:s26], [sflag:$0x1], $0x80, s29, s25, $0xb8;
	[tilespmem:$0x1F620] =	vst v63  }
0x6b: {  	_ =	swait.ge [sflag:s23], $0x2800  }
0x6c: {  	s30 =	simm.s32 $0x280;
	s29 =	simm.s32 $0x140;
	[sflag:s23] =	ssyncset.done $0x0  }
.LBB2_3:
0x6d: {  	s31 =	sshra.s32 s29, $0x2  }
0x6e: {  	[sflag:s23] =	ssyncadd.s32 $0xFFFFD800;
	s29 =	smov.u32 s30;
	s0 =	sadd.s32 $0x140, s30  }
0x6f: {  	[tilespmem:s26], [sflag:$0x1] =	stream.indirect.gather [hbm4b:s1+s25], $0x80, s31, s25, $0xb8;
	[tilespmem:$0x1F620] =	vst v63  }
0x70: {  	p1 =	seq.s32 s30, $0x9B00;
	_ =	swait.ge [sflag:s23], $0x2800  }
.Ltmp3:
0x71: {  	[sflag:s23] =	ssyncset.done $0x0;
	(pc) =	sbr.rel @!p1 .LBB2_3-.Ltmp3, $4  }
0x72: {  	s30 =	sadd.s32 $0x2710, s31;
	[sflag:s23] =	ssyncadd.s32 $0xFFFFD800  }
0x73: {  	[spmem:s4] =	stream.indirect.scatter.add.f32 [tilespmem:s26], [sflag:$0x1], $0x80, s30, s25, $0xb8;
	[tilespmem:$0x1F620] =	vst v63  }
0x74: {  	_ =	swait.ge [sflag:s23], $0x2800  }
0x75: {  	s30 =	smov.u32 s0;
	[sflag:s23] =	ssyncset.done $0x0  }
0x76: {  	s0 =	sshra.s32 s29, $0x2;
	[sflag:s23] =	ssyncadd.s32 $0xFFFFD800  }
0x77: {  	[tilespmem:s26], [sflag:$0x1] =	stream.indirect.gather [hbm4b:s1+s25], $0x80, s0, s25, $0xb8;
	[tilespmem:$0x1F620] =	vst v63  }
0x78: {  	_ =	swait.ge [sflag:s23], $0x2800  }
0x79: {  	[sflag:s23] =	ssyncset.done $0x0  }
.Ltmp4:
0x7a: {  	s0 =	sadd.s32 $0x2710, s0;
	[sflag:s23] =	ssyncadd.s32 $0xFFFFD800;
	(pc) =	sbr.rel .LBB2_8-.Ltmp4, $4  }
0x7b: {  	[spmem:s4] =	stream.indirect.scatter.add.f32 [tilespmem:s26], [sflag:$0x1], $0x80, s0, s25, $0xb8;
	[tilespmem:$0x1F620] =	vst v63  }
0x7c: {  	_ =	swait.ge [sflag:s23], $0x2800  }
0x7d: {  	[sflag:s23] =	ssyncset.done $0x0  }
0x7e: {  	s29 =	smov.u32 s7;
	[sflag:s23] =	ssyncadd.s32 $0xFFFFD800  }
.LBB2_5:
0x7f: {  	s0 =	simm.s32 $0x0  }
0x80: {  	[tilespmem:s26], [sflag:$0x1] =	stream.indirect.gather [hbm4b:s2+s25], $0x80, s0, s25, $0xb8;
	[tilespmem:$0x1F620] =	vst v63  }
0x81: {  	_ =	swait.ge [sflag:s23], $0x2800  }
0x82: {  	[sflag:s23] =	ssyncset.done $0x0  }
0x83: {  	s31 =	simm.s32 $0x2710;
	[sflag:s23] =	ssyncadd.s32 $0xFFFFD800  }
0x84: {  	[spmem:s4] =	stream.indirect.scatter.add.f32 [tilespmem:s26], [sflag:$0x1], $0x80, s31, s25, $0xb8;
	[tilespmem:$0x1F620] =	vst v63  }
0x85: {  	_ =	swait.ge [sflag:s23], $0x2800  }
0x86: {  	s29 =	simm.s32 $0x140;
	s30 =	simm.s32 $0x280;
	[sflag:s23] =	ssyncset.done $0x0  }
.LBB2_6:
0x87: {  	s0 =	sshra.s32 s29, $0x2  }
0x88: {  	[sflag:s23] =	ssyncadd.s32 $0xFFFFD800;
	s29 =	smov.u32 s30;
	s31 =	sadd.s32 $0x140, s30  }
0x89: {  	[tilespmem:s26], [sflag:$0x1] =	stream.indirect.gather [hbm4b:s2+s25], $0x80, s0, s25, $0xb8;
	[tilespmem:$0x1F620] =	vst v63  }
0x8a: {  	p1 =	sne.s32 s30, $0x9B00;
	_ =	swait.ge [sflag:s23], $0x2800  }
.Ltmp5:
0x8b: {  	[sflag:s23] =	ssyncset.done $0x0;
	(pc) =	sbr.rel @p1 .LBB2_6-.Ltmp5, $4  }
0x8c: {  	s0 =	sadd.s32 $0x2710, s0;
	[sflag:s23] =	ssyncadd.s32 $0xFFFFD800  }
0x8d: {  	[spmem:s4] =	stream.indirect.scatter.add.f32 [tilespmem:s26], [sflag:$0x1], $0x80, s0, s25, $0xb8;
	[tilespmem:$0x1F620] =	vst v63  }
0x8e: {  	_ =	swait.ge [sflag:s23], $0x2800  }
0x8f: {  	s30 =	smov.u32 s31;
	[sflag:s23] =	ssyncset.done $0x0  }
.Ltmp6:
0x90: {  	_ = 	snop;
	(pc) =	sbr.rel .LBB2_7-.Ltmp6, $1  }
0x91: {  	_ =	sdelay $0x3  }
.LBB2_9:
0x92: {  	_ =	sfence.sel $0x180000  }
0x93: {  	[bflag:$0x0] =	sbarrier.arrive $0xFFFF  }
0x94: {  	_ =	strace $0x9000004A  }
0x95: {  	[bflag:$0x2] =	sbarrier.arrive $0xFFFF  }
0x96: {  	p0 =	sne.s32 s3, $0x0;
	s0 =	rddreg [dreg:$0x4]  }
0x97: {  	s0 =	sadd.s32 @!p0 $0x100000, s0  }
0x98: {  	[sflag:s0] =	ssyncadd.tile.s32 @!p0 $0x1;
	_ =	shalt  }
.Lfunc_end2:
_tile_overlayer_lowered:
.L_overlay_start_2:
0x99: {  	(tag) =	ssettag $0x2  }
0x9a: {  	s0 =	rddreg [dreg:$0x0];
	s2 =	stileid.u32  }
0x9b: {  	s1 =	rddreg [dreg:$0x1];
	p0 =	sne.s32 s2, $0x0  }
0x9c: {  	s3 =	rddreg [dreg:$0x2];
	[bflag:$0x3] =	sbarrier.arrive $0xFFFF;
	s2 =	simm.s32 @!p0 $0x1C01  }
0x9d: {  	[timem:s3], [sflag:s2] =	dma.local @!p0 [hbm:s0], s1  }
0x9e: {  	s0 =	simm.s32 @!p0 $0x1  }
0x9f: {  	_ =	swait.ge @!p0 [sflag:s0], s1  }
0xa0: {  	s1 =	ssub.s32 @!p0 $0x0, s1;
	[sflag:s0] =	ssyncset.done @!p0 $0x0  }
0xa1: {  	[sflag:s0] =	ssyncadd.s32 @!p0 s1  }
0xa2: {  	[bflag:$0x3] =	sbarrier.arrive $0xFFFF  }
0xa3: {  	_ =	shalt  }

// kernel: kernel.13.cloned.1.call-start
scs
__scs_entry_jumppad:
0x0: {  	(pc) =	sbr.rel $0x88, $3  }
0x1: {  	(tag) =	ssettag $0x0;
	lr =	simm.s32 $0x1  }
0x2: {  	[smem:$0x3F95] =	sst lr;
	_ =	strace $0xD0000000  }
0x3: {  	_ = 	snop  }
0x4: {  	_ = 	snop  }
0x5: {  	_ = 	snop  }
0x6: {  	_ = 	snop  }
0x7: {  	_ = 	snop  }
__scs_overlays_trampoline_lowered:
0x8: {  	[smem:$0x3FA4] =	sst s0  }
0x9: {  	[smem:$0x3FA5] =	sst s1  }
0xa: {  	[smem:$0x3FA6] =	sst s2  }
0xb: {  	[smem:$0x3FA7] =	sst s3  }
0xc: {  	[smem:$0x3FA8] =	sst s4  }
0xd: {  	[smem:$0x3FA9] =	sst s5  }
0xe: {  	[smem:$0x3FAA] =	sst s6  }
0xf: {  	[smem:$0x3FAB] =	sst s7  }
0x10: {  	[smem:$0x3FAC] =	sst s8  }
0x11: {  	[smem:$0x3FAD] =	sst s9;
	s0 =	simm.s32 @!p0 $0x0  }
0x12: {  	s1 =	sld [smem:$0x3F93];
	s0 =	simm.s32 @p0 $0x1  }
0x13: {  	[smem:$0x3FAE] =	sst s0;
	s0 =	simm.s32 @!p1 $0x0  }
0x14: {  	s2 =	sld [smem:$0x3F92];
	s0 =	simm.s32 @p1 $0x1  }
0x15: {  	[smem:$0x3FAF] =	sst s0;
	s0 =	simm.s32 @!p2 $0x0  }
0x16: {  	s3 =	sld [smem:$0x3FDB];
	s0 =	simm.s32 @p2 $0x1  }
0x17: {  	s4 =	simm.s32 $0x1BF5;
	[smem:$0x3FB1] =	sst s0  }
0x18: {  	s0 =	sld [smem:$0x3F94];
	_ =	swait.ge [sflag:s4], $0x0  }
0x19: {  	s7 =	sld [smem:$0x3F95]  }
0x1a: {  	s8 =	sadd.s32 $0xFFFFE003, lr  }
0x1b: {  	s9 =	sadd.s32 $0xFFFFFEF7, lr;
	s5 =	simm.s32 $0xFFFFFFFF;
	p2 =	slt.u32 s8, $0xFFFFF086  }
0x1c: {  	p1 =	slt.u32 s9, $0xF7A;
	s5 =	simm.s32 @!p2 $0x0  }
0x1d: {  	s5 =	simm.s32 @p1 $0x1;
	p0 =	seq.s32 s7, s2  }
0x1e: {  	s7 =	smul.u32 @!p0 $0xF7A, s2;
	p2 =	seq.s32 @!p0 s5, $0x0  }
0x1f: {  	s9 =	smul.u32 $0xF7A, s1;
	s8 =	simm.s32 @!p0 $0x1BF5;
	p2 =	por !p2, p0  }
0x20: {  	[sflag:s8] =	ssyncset.s32 @!p0 $0xFFFFF086;
	s6 =	sadd.s32 @!p0 s3, s7;
	s7 =	simm.s32 @!p0 $0x108  }
0x21: {  	s3 =	sadd.s32 s3, s9;
	s6 =	sadd.s32 @!p0 $0x88, s6;
	s7 =	simm.s32 @p2 $0x1082  }
0x22: {  	[simem:s7], [sflag:s8] =	dma.local @!p0 [hbm:s6], $0xF7A  }
0x23: {  	s9 =	sor.u32 $0xD0000000, s2;
	s6 =	simm.s32 $0x108;
	_ =	swait.ge @!p0 [sflag:s8], $0x0  }
0x24: {  	s3 =	sadd.s32 $0x88, s3;
	s6 =	simm.s32 @!p1 $0x1082;
	[sflag:s4] =	ssyncset.s32 $0xFFFFF086  }
0x25: {  	[simem:s6], [sflag:s4] =	dma.local [hbm:s3], $0xF7A  }
0x26: {  	[smem:$0x3F95] =	sst s1;
	(tag) =	ssettag s2;
	_ =	strace s9  }
0x27: {  	s1 =	sld [smem:$0x3FA5]  }
0x28: {  	s2 =	sld [smem:$0x3FA6]  }
0x29: {  	s4 =	sld [smem:$0x3FA8]  }
0x2a: {  	p0 =	seq.s32 s5, $0x0;
	s5 =	sld [smem:$0x3FA9]  }
0x2b: {  	s6 =	sld [smem:$0x3FAA]  }
0x2c: {  	s7 =	sld [smem:$0x3FAB]  }
0x2d: {  	s3 =	simm.s32 $0x108;
	s8 =	sld [smem:$0x3FAC]  }
0x2e: {  	s3 =	simm.s32 @!p0 $0x1082;
	s9 =	sld [smem:$0x3FAD]  }
0x2f: {  	lr =	sadd.s32 s0, s3;
	s0 =	sld [smem:$0x3FA4]  }
0x30: {  	s3 =	sld [smem:$0x3FA7]  }
0x31: {  	[smem:$0x3FB0] =	sst s10  }
0x32: {  	s10 =	sld [smem:$0x3FAE];
	_ =	sdelay $0x3  }
0x33: {  	p0 =	seq.s32 s10, $0x1;
	s10 =	sld [smem:$0x3FB0];
	_ =	sdelay $0x3  }
0x34: {  	[smem:$0x3FB0] =	sst s10  }
0x35: {  	s10 =	sld [smem:$0x3FAF];
	_ =	sdelay $0x3  }
0x36: {  	p1 =	seq.s32 s10, $0x1;
	s10 =	sld [smem:$0x3FB0];
	_ =	sdelay $0x3  }
0x37: {  	[smem:$0x3FB0] =	sst s10  }
0x38: {  	s10 =	sld [smem:$0x3FB1]  }
0x39: {  	_ = 	snop;
	(pc) =	sbr.ind lr, $3  }
0x3a: {  	_ = 	snop  }
0x3b: {  	_ = 	snop  }
0x3c: {  	p2 =	seq.s32 s10, $0x1;
	s10 =	sld [smem:$0x3FB0]  }
0x3d: {  	_ =	shalt  }
0x3e: {  	_ =	shalt  }
0x3f: {  	_ =	shalt  }
0x40: {  	_ =	shalt  }
0x41: {  	_ =	shalt  }
0x42: {  	_ =	shalt  }
0x43: {  	_ =	shalt  }
0x44: {  	_ =	shalt  }
0x45: {  	_ =	shalt  }
0x46: {  	_ =	shalt  }
0x47: {  	_ =	shalt  }
0x48: {  	_ =	shalt  }
0x49: {  	_ =	shalt  }
0x4a: {  	_ =	shalt  }
0x4b: {  	_ =	shalt  }
0x4c: {  	_ =	shalt  }
0x4d: {  	_ =	shalt  }
0x4e: {  	_ =	shalt  }
0x4f: {  	_ =	shalt  }
0x50: {  	_ =	shalt  }
0x51: {  	_ =	shalt  }
0x52: {  	_ =	shalt  }
0x53: {  	_ =	shalt  }
0x54: {  	_ =	shalt  }
0x55: {  	_ =	shalt  }
0x56: {  	_ =	shalt  }
0x57: {  	_ =	shalt  }
0x58: {  	_ =	shalt  }
0x59: {  	_ =	shalt  }
0x5a: {  	_ =	shalt  }
0x5b: {  	_ =	shalt  }
0x5c: {  	_ =	shalt  }
0x5d: {  	_ =	shalt  }
0x5e: {  	_ =	shalt  }
0x5f: {  	_ =	shalt  }
0x60: {  	_ =	shalt  }
0x61: {  	_ =	shalt  }
0x62: {  	_ =	shalt  }
0x63: {  	_ =	shalt  }
0x64: {  	_ =	shalt  }
0x65: {  	_ =	shalt  }
0x66: {  	_ =	shalt  }
0x67: {  	_ =	shalt  }
0x68: {  	_ =	shalt  }
0x69: {  	_ =	shalt  }
0x6a: {  	_ =	shalt  }
0x6b: {  	_ =	shalt  }
0x6c: {  	_ =	shalt  }
0x6d: {  	_ =	shalt  }
0x6e: {  	_ =	shalt  }
0x6f: {  	_ =	shalt  }
0x70: {  	_ =	shalt  }
0x71: {  	_ =	shalt  }
0x72: {  	_ =	shalt  }
0x73: {  	_ =	shalt  }
0x74: {  	_ =	shalt  }
0x75: {  	_ =	shalt  }
0x76: {  	_ =	shalt  }
0x77: {  	_ =	shalt  }
0x78: {  	_ =	shalt  }
0x79: {  	_ =	shalt  }
0x7a: {  	_ =	shalt  }
0x7b: {  	_ =	shalt  }
0x7c: {  	_ =	shalt  }
0x7d: {  	_ =	shalt  }
0x7e: {  	_ =	shalt  }
0x7f: {  	_ =	shalt  }
0x80: {  	_ =	shalt  }
0x81: {  	_ =	shalt  }
0x82: {  	_ =	shalt  }
0x83: {  	_ =	shalt  }
0x84: {  	_ =	shalt  }
0x85: {  	_ =	shalt  }
0x86: {  	_ =	shalt  }
0x87: {  	_ =	shalt  }
.Lfunc_end0:
.L_simem_size_0:
called_computation.2_lowered:
.L_overlay_start_0:
0x88: {  	s2 =	sld [smem:$0x3FD9]  }
0x89: {  	s3 =	sld [smem:$0x3FFE];
	_ =	sdelay $0x1  }
0x8a: {  	s1 =	srdreg.scid  }
0x8b: {  	s0 =	sand.u32 $0x1, s1  }
0x8c: {  	s16 =	sshll.u32 s0, $0xA;
	s2 =	sadd.s32 s3, s2  }
0x8d: {  	s2 =	sadd.s32 s2, s16  }
0x8e: {  	[smem:$0x3FBC] =	sst s2  }
0x8f: {  	_ = 	snop  }
0x90: {  	(tm) =	ssettm $0x1  }
0x91: {  	s17 =	sld [smem:$0x3FFB];
	_ =	sdelay $0x3  }
0x92: {  	_ =	strace s17  }
0x93: {  	s2 =	sld [smem:$0x3FFC];
	_ =	sdelay $0x3  }
0x94: {  	_ =	strace s2  }
0x95: {  	s2 =	sld [smem:$0x3FFD];
	_ =	sdelay $0x3  }
0x96: {  	_ =	strace s2  }
0x97: {  	_ =	strace $0x8FFFFFFF  }
0x98: {  	s18 =	sld [smem:$0x3FDB];
	_ =	sdelay $0x1  }
0x99: {  	s19 =	simm.s32 $_scs_section_size  }
0x9a: {  	s4 =	simm.s32 $_size__tile_overlayer_lowered;
	s5 =	simm.s32 $_tile_overlayer_lowered  }
0x9b: {  	s22 =	simm.s32 $0x1BFF;
	s21 =	sshll.u32 s5, $0x1;
	s2 =	sadd.s32 s19, s18  }
0x9c: {  	s6 =	simm.s32 $0x0;
	s20 =	sshll.u32 s4, $0x1;
	s4 =	sadd.s32 s21, s2  }
0x9d: {  	[timem:s6], [sflag:s22] =	dma.local [hbm:s4], s20  }
0x9e: {  	_ =	swait.ge [sflag:s22], s20  }
0x9f: {  	s3 =	ssub.s32 $0x0, s20;
	[sflag:s22] =	ssyncset.done $0x0  }
0xa0: {  	[sflag:s22] =	ssyncadd.s32 s3;
	_ =	sdelay $0x1  }
0xa1: {  	s23 =	simm.s32 $0x1B8B  }
0xa2: {  	_ =	swait.ge [sflag:s23], $0x1  }
0xa3: {  	[sflag:s23] =	ssyncset.done $0x0  }
0xa4: {  	s25 =	simm.s32 $0x1B8E;
	s24 =	sld [smem:$0x3FFE];
	[sflag:s23] =	ssyncadd.s32 $0xFFFFFFFF  }
0xa5: {  	s26 =	simm.s32 $execute0_lowered;
	[smem:$0x3FD2] =	sst s25  }
0xa6: {  	s4 =	sshll.u32 s26, $0x1;
	_ =	strace $0x8000004C;
	[dreg:$0x1] =	wrdreg $0xFFFFFFFF  }
0xa7: {  	s28 =	simm.s32 $_size_execute0_lowered;
	s2 =	sadd.s32 s2, s4;
	[dreg:$0x0] =	wrdreg $0x0  }
0xa8: {  	s4 =	sshll.u32 s28, $0x1;
	[dreg:$0x2] =	wrdreg s2  }
0xa9: {  	[dreg:$0x3] =	wrdreg s4  }
0xaa: {  	[dreg:$0x4] =	wrdreg $0xC0  }
0xab: {  	_ =	task [dreg:s6], $0x5FFFF  }
0xac: {  	[dreg:$0x1] =	wrdreg $0xFFFFFFFF  }
0xad: {  	[dreg:$0x0] =	wrdreg $0x60  }
0xae: {  	[dreg:$0x2] =	wrdreg s24  }
0xaf: {  	[dreg:$0x3] =	wrdreg $0xB6200  }
0xb0: {  	[dreg:$0x4] =	wrdreg $0x9  }
0xb1: {  	_ =	task.clear_ibuf [dreg:s6], $0x5FFFF;
	_ =	strace $0x9000004C  }
0xb2: {  	s29 =	simm.s32 $0x9;
	_ =	strace $0x8000004E  }
0xb3: {  	_ =	swait.ge [sflag:s29], $0x1  }
0xb4: {  	[sflag:s29] =	ssyncadd.s32 $0xFFFFFFFF  }
0xb5: {  	_ =	strace $0x9000004E  }
0xb6: {  	_ =	sfence  }
0xb7: {  	s30 =	sld [smem:$0x0];
	_ =	sdelay $0x2  }
0xb8: {  	s31 =	sshll.u32 s1, $0xD;
	s1 =	sshrl.u32 s1, $0x2  }
0xb9: {  	s3 =	sand.u32 $0x4000, s31;
	s1 =	sadd.s32 s1, s30  }
0xba: {  	s0 =	sor.u32 s3, s0;
	s1 =	sshll.u32 s1, $0x11  }
0xbb: {  	s0 =	sor.u32 s1, s0  }
0xbc: {  	s0 =	sadd.s32 $0x8F2B, s0  }
0xbd: {  	[sflag:s0] =	ssyncadd.remote.s32 $0x1  }
0xbe: {  	_ =	sfence.sel $0xFFFF  }
0xbf: {  	[dreg:$0x0] =	wrdreg $0xFFFFFFFF;
	(pc) =	sbr.abs _section_cstart, $3  }
0xc0: {  	[dreg:$0x1] =	wrdreg $0xFFFFFFFF  }
0xc1: {  	_ =	task.clear_ibuf [dreg:s6], $0x2FFFF;
	_ =	strace $0x9FFFFFFF  }
0xc2: {  	(tm) =	ssettm $0x7FFFFFFF  }
0xc3: {  	_ =	shalt  }
tec
execute0_lowered:
.L_overlay_start_1:
0x0: {  	(tag) =	ssettag $0x1  }
0x1: {  	s0 =	rddreg [dreg:$0x0]  }
0x2: {  	s2 =	rddreg [dreg:$0x1];
	s3 =	simm.s32 $0x0  }
0x3: {  	s8 =	stileid.u32;
	s7 =	srdreg.scid;
	s28 =	simm.s32 $0x1  }
0x4: {  	s29 =	simm.s32 $0x2710;
	s30 =	simm.s32 $0x50;
	s31 =	simm.s32 $0x4E20  }
0x5: {  	[smem:$0x7FF] =	sst s3;
	s1 =	smul.u32 $0x4E2, s8;
	s4 =	sadd.s32 $0x18A00, s0  }
0x6: {  	s5 =	sadd.s32 $0x40A00, s0;
	s6 =	sadd.s32 $0x18200, s0;
	s9 =	sadd.s32 $0x68A00, s0  }
0x7: {  	s7 =	sand.u32 $0x1, s7;
	s24 =	sadd.s32 $0x90A00, s0;
	s18 =	smul.u32 $0x14000, s8  }
0x8: {  	s25 =	sadd.s32 $0xE0A00, s0;
	_ =	strace $0x8000004D;
	[dreg:$0x3] =	wrdreg s9  }
0x9: {  	s10 =	sadd.s32 $0x108A00, s0;
	[dreg:$0x4] =	wrdreg s24;
	s11 =	ssub.s32 $0x2, s7  }
0xa: {  	[dreg:$0x5] =	wrdreg s25;
	p0 =	sne.s32 s7, $0x0;
	s1 =	sadd.s32 s1, s0  }
0xb: {  	s26 =	sshrl.u32 s11, $0x1;
	s19 =	sadd.s32 $0x4000, s18;
	s20 =	sadd.s32 $0x8000, s18  }
0xc: {  	s21 =	sadd.s32 $0xC000, s18;
	s22 =	sadd.s32 $0x10000, s18;
	s0 =	ssub.s32 s11, s26  }
0xd: {  	s11 =	sadd.s32 s18, s2;
	s12 =	sadd.s32 s19, s2;
	s13 =	sadd.s32 s20, s2  }
.Ltmp0:
0xe: {  	s14 =	sadd.s32 s21, s2;
	s15 =	sadd.s32 s22, s2;
	(pc) =	sbr.rel .LBB2_1-.Ltmp0, $4  }
0xf: {  	s16 =	sadd.s32 $0x8800, s1;
	s17 =	sadd.s32 $0x3800, s1;
	s18 =	sshrl.u32 s18, $0x3  }
0x10: {  	s19 =	sshrl.u32 s19, $0x3;
	s20 =	sshrl.u32 s20, $0x3;
	s21 =	sshrl.u32 s21, $0x3  }
0x11: {  	s22 =	sshrl.u32 s22, $0x3;
	s23 =	sadd.s32 $0xD800, s1;
	s24 =	sadd.s32 $0x12800, s1  }
0x12: {  	s26 =	simm.s32 $0x7620;
	s25 =	smax.u32 s0, $0x1;
	s0 =	simm.s32 $0x0  }
.LBB2_14:
0x13: {  	s1 =	sshra.s32 s1, $0x2;
	[sflag:s28] =	ssyncadd.s32 $0xFFFFD800  }
0x14: {  	[tilespmem:s31], [sflag:$0x1] =	stream.indirect.gather [hbm4b:s5+s30], $0x80, s1, s30, $0xb8;
	[tilespmem:$0x1F620] =	vst v63  }
0x15: {  	_ =	swait.ge [sflag:s28], $0x2800  }
0x16: {  	[sflag:s28] =	ssyncset.done $0x0  }
0x17: {  	s1 =	sadd.s32 $0x2710, s1;
	[sflag:s28] =	ssyncadd.s32 $0xFFFFD800  }
0x18: {  	[spmem:s2] =	stream.indirect.scatter.add.f32 [tilespmem:s31], [sflag:$0x1], $0x80, s1, s30, $0xb8;
	[tilespmem:$0x1F620] =	vst v63  }
0x19: {  	_ =	swait.ge [sflag:s28], $0x2800  }
0x1a: {  	[sflag:s28] =	ssyncset.done $0x0  }
0x1b: {  	s1 =	smov.u32 s10;
	[sflag:s28] =	ssyncadd.s32 $0xFFFFD800  }
.LBB2_15:
0x1c: {  	[bflag:$0x0] =	sbarrier.arrive $0xFFFF  }
0x1d: {  	[tilespmem:s26], [sflag:$0x1] =	stream.linear.gather [spmem:s11], $0x4000, $0x38;
	[tilespmem:$0x1F620] =	vst v63  }
0x1e: {  	_ =	swait.ge [sflag:s28], $0x4000  }
0x1f: {  	[sflag:s28] =	ssyncset.done $0x0  }
0x20: {  	s7 =	sadd.s32 s1, s18;
	[sflag:s28] =	ssyncadd.s32 $0xFFFFC000  }
0x21: {  	[hbm4b:s7+s3] =	stream.linear.scatter [tilespmem:s26], [sflag:$0x1], $0x4000, $0x38;
	[tilespmem:$0x1F620] =	vst v63  }
0x22: {  	_ =	swait.ge [sflag:s28], $0x4000  }
0x23: {  	[sflag:s28] =	ssyncset.done $0x0  }
0x24: {  	[sflag:s28] =	ssyncadd.s32 $0xFFFFC000  }
0x25: {  	[tilespmem:s26], [sflag:$0x1] =	stream.linear.gather [spmem:s12], $0x4000, $0x38;
	[tilespmem:$0x1F620] =	vst v63  }
0x26: {  	_ =	swait.ge [sflag:s28], $0x4000  }
0x27: {  	[sflag:s28] =	ssyncset.done $0x0  }
0x28: {  	s8 =	sadd.s32 s1, s19;
	[sflag:s28] =	ssyncadd.s32 $0xFFFFC000  }
0x29: {  	[hbm4b:s8+s3] =	stream.linear.scatter [tilespmem:s26], [sflag:$0x1], $0x4000, $0x38;
	[tilespmem:$0x1F620] =	vst v63  }
0x2a: {  	_ =	swait.ge [sflag:s28], $0x4000  }
0x2b: {  	[sflag:s28] =	ssyncset.done $0x0  }
0x2c: {  	[sflag:s28] =	ssyncadd.s32 $0xFFFFC000  }
0x2d: {  	[tilespmem:s26], [sflag:$0x1] =	stream.linear.gather [spmem:s13], $0x4000, $0x38;
	[tilespmem:$0x1F620] =	vst v63  }
0x2e: {  	_ =	swait.ge [sflag:s28], $0x4000  }
0x2f: {  	[sflag:s28] =	ssyncset.done $0x0  }
0x30: {  	s9 =	sadd.s32 s1, s20;
	[sflag:s28] =	ssyncadd.s32 $0xFFFFC000  }
0x31: {  	[hbm4b:s9+s3] =	stream.linear.scatter [tilespmem:s26], [sflag:$0x1], $0x4000, $0x38;
	[tilespmem:$0x1F620] =	vst v63  }
0x32: {  	_ =	swait.ge [sflag:s28], $0x4000  }
0x33: {  	[sflag:s28] =	ssyncset.done $0x0  }
0x34: {  	[sflag:s28] =	ssyncadd.s32 $0xFFFFC000  }
0x35: {  	[tilespmem:s26], [sflag:$0x1] =	stream.linear.gather [spmem:s14], $0x4000, $0x38;
	[tilespmem:$0x1F620] =	vst v63  }
0x36: {  	_ =	swait.ge [sflag:s28], $0x4000  }
0x37: {  	[sflag:s28] =	ssyncset.done $0x0  }
0x38: {  	s8 =	sadd.s32 s1, s21;
	[sflag:s28] =	ssyncadd.s32 $0xFFFFC000  }
0x39: {  	[hbm4b:s8+s3] =	stream.linear.scatter [tilespmem:s26], [sflag:$0x1], $0x4000, $0x38;
	[tilespmem:$0x1F620] =	vst v63  }
0x3a: {  	_ =	swait.ge [sflag:s28], $0x4000  }
0x3b: {  	[sflag:s28] =	ssyncset.done $0x0  }
0x3c: {  	[sflag:s28] =	ssyncadd.s32 $0xFFFFC000  }
0x3d: {  	[tilespmem:s26], [sflag:$0x1] =	stream.linear.gather [spmem:s15], $0x4000, $0x38;
	[tilespmem:$0x1F620] =	vst v63  }
0x3e: {  	s0 =	sadd.s32 $0x1, s0;
	_ =	swait.ge [sflag:s28], $0x4000  }
0x3f: {  	p1 =	sne.s32 s0, s25;
	[sflag:s28] =	ssyncset.done $0x0  }
.Ltmp1:
0x40: {  	s9 =	sadd.s32 s1, s22;
	[sflag:s28] =	ssyncadd.s32 $0xFFFFC000;
	(pc) =	sbr.rel @!p1 .LBB2_16-.Ltmp1, $4  }
0x41: {  	[hbm4b:s9+s3] =	stream.linear.scatter [tilespmem:s26], [sflag:$0x1], $0x4000, $0x38;
	[tilespmem:$0x1F620] =	vst v63  }
0x42: {  	_ =	swait.ge [sflag:s28], $0x4000  }
0x43: {  	[sflag:s28] =	ssyncset.done $0x0  }
0x44: {  	[sflag:s28] =	ssyncadd.s32 $0xFFFFC000  }
.LBB2_1:
0x45: {  	[tilespmem:s26], [sflag:$0x1] =	stream.linear.gather [hbm4b:s6+s3], $0x4000, $0x38;
	[tilespmem:$0x1F620] =	vst v63  }
0x46: {  	_ =	swait.ge [sflag:s28], $0x4000  }
0x47: {  	[sflag:s28] =	ssyncset.done $0x0  }
0x48: {  	[sflag:s28] =	ssyncadd.s32 $0xFFFFC000  }
0x49: {  	[spmem:s11] =	stream.linear.scatter [tilespmem:s26], [sflag:$0x1], $0x4000, $0x38;
	[tilespmem:$0x1F620] =	vst v63  }
0x4a: {  	_ =	swait.ge [sflag:s28], $0x4000  }
0x4b: {  	[sflag:s28] =	ssyncset.done $0x0  }
0x4c: {  	[sflag:s28] =	ssyncadd.s32 $0xFFFFC000  }
0x4d: {  	[spmem:s12] =	stream.linear.scatter [tilespmem:s26], [sflag:$0x1], $0x4000, $0x38;
	[tilespmem:$0x1F620] =	vst v63  }
0x4e: {  	_ =	swait.ge [sflag:s28], $0x4000  }
0x4f: {  	[sflag:s28] =	ssyncset.done $0x0  }
0x50: {  	[sflag:s28] =	ssyncadd.s32 $0xFFFFC000  }
0x51: {  	[spmem:s13] =	stream.linear.scatter [tilespmem:s26], [sflag:$0x1], $0x4000, $0x38;
	[tilespmem:$0x1F620] =	vst v63  }
0x52: {  	_ =	swait.ge [sflag:s28], $0x4000  }
0x53: {  	[sflag:s28] =	ssyncset.done $0x0  }
0x54: {  	[sflag:s28] =	ssyncadd.s32 $0xFFFFC000  }
0x55: {  	[spmem:s14] =	stream.linear.scatter [tilespmem:s26], [sflag:$0x1], $0x4000, $0x38;
	[tilespmem:$0x1F620] =	vst v63  }
0x56: {  	_ =	swait.ge [sflag:s28], $0x4000  }
0x57: {  	[sflag:s28] =	ssyncset.done $0x0  }
0x58: {  	[sflag:s28] =	ssyncadd.s32 $0xFFFFC000  }
0x59: {  	[spmem:s15] =	stream.linear.scatter [tilespmem:s26], [sflag:$0x1], $0x4000, $0x38;
	[tilespmem:$0x1F620] =	vst v63  }
0x5a: {  	_ =	swait.ge [sflag:s28], $0x4000  }
0x5b: {  	[sflag:s28] =	ssyncset.done $0x0  }
0x5c: {  	[sflag:s28] =	ssyncadd.s32 $0xFFFFC000  }
0x5d: {  	[bflag:$0x0] =	sbarrier.arrive $0xFFFF  }
0x5e: {  	[tilespmem:s3], [sflag:$0x1] =	stream.linear.gather [hbm4b:s16+s3], $0x2710, $0x38;
	[tilespmem:$0x1F620] =	vst v63  }
0x5f: {  	_ =	swait.ge [sflag:s28], $0x2710  }
0x60: {  	[sflag:s28] =	ssyncset.done $0x0  }
.Ltmp2:
0x61: {  	[sflag:s28] =	ssyncadd.s32 $0xFFFFD8F0;
	(pc) =	sbr.rel @p0 .LBB2_5-.Ltmp2, $4  }
0x62: {  	[tilespmem:s29], [sflag:$0x1] =	stream.linear.gather [hbm4b:s17+s3], $0x2710, $0x38;
	[tilespmem:$0x1F620] =	vst v63  }
0x63: {  	_ =	swait.ge [sflag:s28], $0x2710  }
0x64: {  	[sflag:s28] =	ssyncset.done $0x0  }
0x65: {  	s1 =	simm.s32 $0x0;
	[sflag:s28] =	ssyncadd.s32 $0xFFFFD8F0  }
0x66: {  	[tilespmem:s31], [sflag:$0x1] =	stream.indirect.gather [hbm4b:s4+s30], $0x80, s1, s30, $0xb8;
	[tilespmem:$0x1F620] =	vst v63  }
0x67: {  	_ =	swait.ge [sflag:s28], $0x2800  }
0x68: {  	[sflag:s28] =	ssyncset.done $0x0  }
0x69: {  	s9 =	simm.s32 $0x2710;
	[sflag:s28] =	ssyncadd.s32 $0xFFFFD800  }
0x6a: {  	[spmem:s2] =	stream.indirect.scatter.add.f32 [tilespmem:s31], [sflag:$0x1], $0x80, s9, s30, $0xb8;
	[tilespmem:$0x1F620] =	vst v63  }
0x6b: {  	_ =	swait.ge [sflag:s28], $0x2800  }
0x6c: {  	s1 =	simm.s32 $0x140;
	s7 =	simm.s32 $0x280;
	[sflag:s28] =	ssyncset.done $0x0  }
.LBB2_3:
0x6d: {  	s8 =	sshra.s32 s1, $0x2  }
0x6e: {  	[sflag:s28] =	ssyncadd.s32 $0xFFFFD800;
	s1 =	smov.u32 s7;
	s9 =	sadd.s32 $0x140, s7  }
0x6f: {  	[tilespmem:s31], [sflag:$0x1] =	stream.indirect.gather [hbm4b:s4+s30], $0x80, s8, s30, $0xb8;
	[tilespmem:$0x1F620] =	vst v63  }
0x70: {  	p1 =	seq.s32 s7, $0x9B00;
	_ =	swait.ge [sflag:s28], $0x2800  }
.Ltmp3:
0x71: {  	[sflag:s28] =	ssyncset.done $0x0;
	(pc) =	sbr.rel @!p1 .LBB2_3-.Ltmp3, $4  }
0x72: {  	s7 =	sadd.s32 $0x2710, s8;
	[sflag:s28] =	ssyncadd.s32 $0xFFFFD800  }
0x73: {  	[spmem:s2] =	stream.indirect.scatter.add.f32 [tilespmem:s31], [sflag:$0x1], $0x80, s7, s30, $0xb8;
	[tilespmem:$0x1F620] =	vst v63  }
0x74: {  	_ =	swait.ge [sflag:s28], $0x2800  }
0x75: {  	s7 =	smov.u32 s9;
	[sflag:s28] =	ssyncset.done $0x0  }
0x76: {  	s1 =	sshra.s32 s1, $0x2;
	[sflag:s28] =	ssyncadd.s32 $0xFFFFD800  }
0x77: {  	[tilespmem:s31], [sflag:$0x1] =	stream.indirect.gather [hbm4b:s4+s30], $0x80, s1, s30, $0xb8;
	[tilespmem:$0x1F620] =	vst v63  }
0x78: {  	_ =	swait.ge [sflag:s28], $0x2800  }
0x79: {  	[sflag:s28] =	ssyncset.done $0x0  }
.Ltmp4:
0x7a: {  	s1 =	sadd.s32 $0x2710, s1;
	[sflag:s28] =	ssyncadd.s32 $0xFFFFD800;
	(pc) =	sbr.rel .LBB2_8-.Ltmp4, $4  }
0x7b: {  	[spmem:s2] =	stream.indirect.scatter.add.f32 [tilespmem:s31], [sflag:$0x1], $0x80, s1, s30, $0xb8;
	[tilespmem:$0x1F620] =	vst v63  }
0x7c: {  	_ =	swait.ge [sflag:s28], $0x2800  }
0x7d: {  	[sflag:s28] =	ssyncset.done $0x0  }
0x7e: {  	s7 =	rddreg [dreg:$0x3];
	[sflag:s28] =	ssyncadd.s32 $0xFFFFD800  }
.LBB2_5:
0x7f: {  	[tilespmem:s31], [sflag:$0x1] =	stream.indirect.gather [hbm4b:s5+s30], $0x80, s1, s30, $0xb8;
	[tilespmem:$0x1F620] =	vst v63  }
0x80: {  	_ =	swait.ge [sflag:s28], $0x2800  }
0x81: {  	[sflag:s28] =	ssyncset.done $0x0  }
0x82: {  	s9 =	simm.s32 $0x2710;
	[sflag:s28] =	ssyncadd.s32 $0xFFFFD800  }
0x83: {  	[spmem:s2] =	stream.indirect.scatter.add.f32 [tilespmem:s31], [sflag:$0x1], $0x80, s9, s30, $0xb8;
	[tilespmem:$0x1F620] =	vst v63  }
0x84: {  	_ =	swait.ge [sflag:s28], $0x2800  }
0x85: {  	s1 =	simm.s32 $0x140;
	s7 =	simm.s32 $0x280;
	[sflag:s28] =	ssyncset.done $0x0  }
.LBB2_6:
0x86: {  	s8 =	sshra.s32 s1, $0x2  }
0x87: {  	[sflag:s28] =	ssyncadd.s32 $0xFFFFD800;
	s1 =	smov.u32 s7;
	s9 =	sadd.s32 $0x140, s7  }
0x88: {  	[tilespmem:s31], [sflag:$0x1] =	stream.indirect.gather [hbm4b:s5+s30], $0x80, s8, s30, $0xb8;
	[tilespmem:$0x1F620] =	vst v63  }
0x89: {  	p1 =	sne.s32 s7, $0x9B00;
	_ =	swait.ge [sflag:s28], $0x2800  }
.Ltmp5:
0x8a: {  	[sflag:s28] =	ssyncset.done $0x0;
	(pc) =	sbr.rel @p1 .LBB2_6-.Ltmp5, $4  }
0x8b: {  	s7 =	sadd.s32 $0x2710, s8;
	[sflag:s28] =	ssyncadd.s32 $0xFFFFD800  }
0x8c: {  	[spmem:s2] =	stream.indirect.scatter.add.f32 [tilespmem:s31], [sflag:$0x1], $0x80, s7, s30, $0xb8;
	[tilespmem:$0x1F620] =	vst v63  }
0x8d: {  	_ =	swait.ge [sflag:s28], $0x2800  }
0x8e: {  	s7 =	smov.u32 s9;
	[sflag:s28] =	ssyncset.done $0x0  }
0x8f: {  	s1 =	sshra.s32 s1, $0x2;
	[sflag:s28] =	ssyncadd.s32 $0xFFFFD800  }
0x90: {  	[tilespmem:s31], [sflag:$0x1] =	stream.indirect.gather [hbm4b:s5+s30], $0x80, s1, s30, $0xb8;
	[tilespmem:$0x1F620] =	vst v63  }
0x91: {  	_ =	swait.ge [sflag:s28], $0x2800  }
0x92: {  	[sflag:s28] =	ssyncset.done $0x0  }
0x93: {  	s1 =	sadd.s32 $0x2710, s1;
	[sflag:s28] =	ssyncadd.s32 $0xFFFFD800  }
0x94: {  	[spmem:s2] =	stream.indirect.scatter.add.f32 [tilespmem:s31], [sflag:$0x1], $0x80, s1, s30, $0xb8;
	[tilespmem:$0x1F620] =	vst v63  }
0x95: {  	_ =	swait.ge [sflag:s28], $0x2800  }
0x96: {  	[sflag:s28] =	ssyncset.done $0x0  }
0x97: {  	s7 =	rddreg [dreg:$0x4];
	[sflag:s28] =	ssyncadd.s32 $0xFFFFD800  }
.LBB2_8:
0x98: {  	[bflag:$0x0] =	sbarrier.arrive $0xFFFF  }
0x99: {  	[tilespmem:s26], [sflag:$0x1] =	stream.linear.gather [spmem:s11], $0x4000, $0x38;
	[tilespmem:$0x1F620] =	vst v63  }
0x9a: {  	_ =	swait.ge [sflag:s28], $0x4000  }
0x9b: {  	[sflag:s28] =	ssyncset.done $0x0  }
0x9c: {  	s8 =	sadd.s32 s7, s18;
	s1 =	simm.s32 $0x0;
	[sflag:s28] =	ssyncadd.s32 $0xFFFFC000  }
0x9d: {  	[hbm4b:s8+s1] =	stream.linear.scatter [tilespmem:s26], [sflag:$0x1], $0x4000, $0x38;
	[tilespmem:$0x1F620] =	vst v63  }
0x9e: {  	_ =	swait.ge [sflag:s28], $0x4000  }
0x9f: {  	[sflag:s28] =	ssyncset.done $0x0  }
0xa0: {  	[sflag:s28] =	ssyncadd.s32 $0xFFFFC000  }
0xa1: {  	[tilespmem:s26], [sflag:$0x1] =	stream.linear.gather [spmem:s12], $0x4000, $0x38;
	[tilespmem:$0x1F620] =	vst v63  }
0xa2: {  	_ =	swait.ge [sflag:s28], $0x4000  }
0xa3: {  	[sflag:s28] =	ssyncset.done $0x0  }
0xa4: {  	s9 =	sadd.s32 s7, s19;
	[sflag:s28] =	ssyncadd.s32 $0xFFFFC000  }
0xa5: {  	[hbm4b:s9+s1] =	stream.linear.scatter [tilespmem:s26], [sflag:$0x1], $0x4000, $0x38;
	[tilespmem:$0x1F620] =	vst v63  }
0xa6: {  	_ =	swait.ge [sflag:s28], $0x4000  }
0xa7: {  	[sflag:s28] =	ssyncset.done $0x0  }
0xa8: {  	[sflag:s28] =	ssyncadd.s32 $0xFFFFC000  }
0xa9: {  	[tilespmem:s26], [sflag:$0x1] =	stream.linear.gather [spmem:s13], $0x4000, $0x38;
	[tilespmem:$0x1F620] =	vst v63  }
0xaa: {  	_ =	swait.ge [sflag:s28], $0x4000  }
0xab: {  	[sflag:s28] =	ssyncset.done $0x0  }
0xac: {  	s9 =	sadd.s32 s7, s20;
	[sflag:s28] =	ssyncadd.s32 $0xFFFFC000  }
0xad: {  	[hbm4b:s9+s1] =	stream.linear.scatter [tilespmem:s26], [sflag:$0x1], $0x4000, $0x38;
	[tilespmem:$0x1F620] =	vst v63  }
0xae: {  	_ =	swait.ge [sflag:s28], $0x4000  }
0xaf: {  	[sflag:s28] =	ssyncset.done $0x0  }
0xb0: {  	[sflag:s28] =	ssyncadd.s32 $0xFFFFC000  }
0xb1: {  	[tilespmem:s26], [sflag:$0x1] =	stream.linear.gather [spmem:s14], $0x4000, $0x38;
	[tilespmem:$0x1F620] =	vst v63  }
0xb2: {  	_ =	swait.ge [sflag:s28], $0x4000  }
0xb3: {  	[sflag:s28] =	ssyncset.done $0x0  }
0xb4: {  	s9 =	sadd.s32 s7, s21;
	[sflag:s28] =	ssyncadd.s32 $0xFFFFC000  }
0xb5: {  	[hbm4b:s9+s1] =	stream.linear.scatter [tilespmem:s26], [sflag:$0x1], $0x4000, $0x38;
	[tilespmem:$0x1F620] =	vst v63  }
0xb6: {  	_ =	swait.ge [sflag:s28], $0x4000  }
0xb7: {  	[sflag:s28] =	ssyncset.done $0x0  }
0xb8: {  	[sflag:s28] =	ssyncadd.s32 $0xFFFFC000  }
0xb9: {  	[tilespmem:s26], [sflag:$0x1] =	stream.linear.gather [spmem:s15], $0x4000, $0x38;
	[tilespmem:$0x1F620] =	vst v63  }
0xba: {  	_ =	swait.ge [sflag:s28], $0x4000  }
0xbb: {  	[sflag:s28] =	ssyncset.done $0x0  }
0xbc: {  	s9 =	sadd.s32 s7, s22;
	[sflag:s28] =	ssyncadd.s32 $0xFFFFC000  }
0xbd: {  	[hbm4b:s9+s1] =	stream.linear.scatter [tilespmem:s26], [sflag:$0x1], $0x4000, $0x38;
	[tilespmem:$0x1F620] =	vst v63  }
0xbe: {  	_ =	swait.ge [sflag:s28], $0x4000  }
0xbf: {  	[sflag:s28] =	ssyncset.done $0x0  }
0xc0: {  	[sflag:s28] =	ssyncadd.s32 $0xFFFFC000  }
0xc1: {  	[tilespmem:s26], [sflag:$0x1] =	stream.linear.gather [hbm4b:s6+s1], $0x4000, $0x38;
	[tilespmem:$0x1F620] =	vst v63  }
0xc2: {  	_ =	swait.ge [sflag:s28], $0x4000  }
0xc3: {  	[sflag:s28] =	ssyncset.done $0x0  }
0xc4: {  	[sflag:s28] =	ssyncadd.s32 $0xFFFFC000  }
0xc5: {  	[spmem:s11] =	stream.linear.scatter [tilespmem:s26], [sflag:$0x1], $0x4000, $0x38;
	[tilespmem:$0x1F620] =	vst v63  }
0xc6: {  	_ =	swait.ge [sflag:s28], $0x4000  }
0xc7: {  	[sflag:s28] =	ssyncset.done $0x0  }
0xc8: {  	[sflag:s28] =	ssyncadd.s32 $0xFFFFC000  }
0xc9: {  	[spmem:s12] =	stream.linear.scatter [tilespmem:s26], [sflag:$0x1], $0x4000, $0x38;
	[tilespmem:$0x1F620] =	vst v63  }
0xca: {  	_ =	swait.ge [sflag:s28], $0x4000  }
0xcb: {  	[sflag:s28] =	ssyncset.done $0x0  }
0xcc: {  	[sflag:s28] =	ssyncadd.s32 $0xFFFFC000  }
0xcd: {  	[spmem:s13] =	stream.linear.scatter [tilespmem:s26], [sflag:$0x1], $0x4000, $0x38;
	[tilespmem:$0x1F620] =	vst v63  }
0xce: {  	_ =	swait.ge [sflag:s28], $0x4000  }
0xcf: {  	[sflag:s28] =	ssyncset.done $0x0  }
0xd0: {  	[sflag:s28] =	ssyncadd.s32 $0xFFFFC000  }
0xd1: {  	[spmem:s14] =	stream.linear.scatter [tilespmem:s26], [sflag:$0x1], $0x4000, $0x38;
	[tilespmem:$0x1F620] =	vst v63  }
0xd2: {  	_ =	swait.ge [sflag:s28], $0x4000  }
0xd3: {  	[sflag:s28] =	ssyncset.done $0x0  }
0xd4: {  	[sflag:s28] =	ssyncadd.s32 $0xFFFFC000  }
0xd5: {  	[spmem:s15] =	stream.linear.scatter [tilespmem:s26], [sflag:$0x1], $0x4000, $0x38;
	[tilespmem:$0x1F620] =	vst v63  }
0xd6: {  	_ =	swait.ge [sflag:s28], $0x4000  }
0xd7: {  	[sflag:s28] =	ssyncset.done $0x0  }
0xd8: {  	[sflag:s28] =	ssyncadd.s32 $0xFFFFC000  }
0xd9: {  	[tilespmem:s1], [sflag:$0x1] =	stream.linear.gather [hbm4b:s23+s1], $0x2710, $0x38;
	[tilespmem:$0x1F620] =	vst v63  }
0xda: {  	_ =	swait.ge [sflag:s28], $0x2710  }
0xdb: {  	[sflag:s28] =	ssyncset.done $0x0  }
0xdc: {  	[sflag:s28] =	ssyncadd.s32 $0xFFFFD8F0  }
0xdd: {  	[tilespmem:s29], [sflag:$0x1] =	stream.linear.gather [hbm4b:s24+s1], $0x2710, $0x38;
	[tilespmem:$0x1F620] =	vst v63  }
.Ltmp6:
0xde: {  	_ =	swait.ge [sflag:s28], $0x2710;
	(pc) =	sbr.rel @p0 .LBB2_12-.Ltmp6, $4  }
0xdf: {  	[sflag:s28] =	ssyncset.done $0x0  }
0xe0: {  	[sflag:s28] =	ssyncadd.s32 $0xFFFFD8F0  }
0xe1: {  	[bflag:$0x0] =	sbarrier.arrive $0xFFFF  }
0xe2: {  	s1 =	simm.s32 $0x0  }
0xe3: {  	[tilespmem:s31], [sflag:$0x1] =	stream.indirect.gather [hbm4b:s4+s30], $0x80, s1, s30, $0xb8;
	[tilespmem:$0x1F620] =	vst v63  }
0xe4: {  	_ =	swait.ge [sflag:s28], $0x2800  }
0xe5: {  	[sflag:s28] =	ssyncset.done $0x0  }
0xe6: {  	s9 =	simm.s32 $0x2710;
	[sflag:s28] =	ssyncadd.s32 $0xFFFFD800  }
0xe7: {  	[spmem:s2] =	stream.indirect.scatter.add.f32 [tilespmem:s31], [sflag:$0x1], $0x80, s9, s30, $0xb8;
	[tilespmem:$0x1F620] =	vst v63  }
0xe8: {  	_ =	swait.ge [sflag:s28], $0x2800  }
0xe9: {  	s1 =	simm.s32 $0x140;
	s7 =	simm.s32 $0x280;
	[sflag:s28] =	ssyncset.done $0x0  }
.LBB2_10:
0xea: {  	s8 =	sshra.s32 s1, $0x2  }
0xeb: {  	[sflag:s28] =	ssyncadd.s32 $0xFFFFD800;
	s1 =	smov.u32 s7;
	s9 =	sadd.s32 $0x140, s7  }
0xec: {  	[tilespmem:s31], [sflag:$0x1] =	stream.indirect.gather [hbm4b:s4+s30], $0x80, s8, s30, $0xb8;
	[tilespmem:$0x1F620] =	vst v63  }
0xed: {  	p1 =	seq.s32 s7, $0x9B00;
	_ =	swait.ge [sflag:s28], $0x2800  }
.Ltmp7:
0xee: {  	[sflag:s28] =	ssyncset.done $0x0;
	(pc) =	sbr.rel @!p1 .LBB2_10-.Ltmp7, $4  }
0xef: {  	s7 =	sadd.s32 $0x2710, s8;
	[sflag:s28] =	ssyncadd.s32 $0xFFFFD800  }
0xf0: {  	[spmem:s2] =	stream.indirect.scatter.add.f32 [tilespmem:s31], [sflag:$0x1], $0x80, s7, s30, $0xb8;
	[tilespmem:$0x1F620] =	vst v63  }
0xf1: {  	_ =	swait.ge [sflag:s28], $0x2800  }
0xf2: {  	s7 =	smov.u32 s9;
	[sflag:s28] =	ssyncset.done $0x0  }
0xf3: {  	s1 =	sshra.s32 s1, $0x2;
	[sflag:s28] =	ssyncadd.s32 $0xFFFFD800  }
0xf4: {  	[tilespmem:s31], [sflag:$0x1] =	stream.indirect.gather [hbm4b:s4+s30], $0x80, s1, s30, $0xb8;
	[tilespmem:$0x1F620] =	vst v63  }
0xf5: {  	_ =	swait.ge [sflag:s28], $0x2800  }
0xf6: {  	[sflag:s28] =	ssyncset.done $0x0  }
.Ltmp8:
0xf7: {  	s1 =	sadd.s32 $0x2710, s1;
	[sflag:s28] =	ssyncadd.s32 $0xFFFFD800;
	(pc) =	sbr.rel .LBB2_15-.Ltmp8, $4  }
0xf8: {  	[spmem:s2] =	stream.indirect.scatter.add.f32 [tilespmem:s31], [sflag:$0x1], $0x80, s1, s30, $0xb8;
	[tilespmem:$0x1F620] =	vst v63  }
0xf9: {  	_ =	swait.ge [sflag:s28], $0x2800  }
0xfa: {  	[sflag:s28] =	ssyncset.done $0x0  }
0xfb: {  	s1 =	rddreg [dreg:$0x5];
	[sflag:s28] =	ssyncadd.s32 $0xFFFFD800  }
.LBB2_12:
0xfc: {  	[tilespmem:s31], [sflag:$0x1] =	stream.indirect.gather [hbm4b:s5+s30], $0x80, s1, s30, $0xb8;
	[tilespmem:$0x1F620] =	vst v63  }
0xfd: {  	_ =	swait.ge [sflag:s28], $0x2800  }
0xfe: {  	[sflag:s28] =	ssyncset.done $0x0  }
0xff: {  	s9 =	simm.s32 $0x2710;
	[sflag:s28] =	ssyncadd.s32 $0xFFFFD800  }
0x100: {  	[spmem:s2] =	stream.indirect.scatter.add.f32 [tilespmem:s31], [sflag:$0x1], $0x80, s9, s30, $0xb8;
	[tilespmem:$0x1F620] =	vst v63  }
0x101: {  	_ =	swait.ge [sflag:s28], $0x2800  }
0x102: {  	s1 =	simm.s32 $0x140;
	s7 =	simm.s32 $0x280;
	[sflag:s28] =	ssyncset.done $0x0  }
.LBB2_13:
0x103: {  	s8 =	sshra.s32 s1, $0x2  }
0x104: {  	[sflag:s28] =	ssyncadd.s32 $0xFFFFD800;
	s1 =	smov.u32 s7;
	s9 =	sadd.s32 $0x140, s7  }
0x105: {  	[tilespmem:s31], [sflag:$0x1] =	stream.indirect.gather [hbm4b:s5+s30], $0x80, s8, s30, $0xb8;
	[tilespmem:$0x1F620] =	vst v63  }
0x106: {  	p1 =	sne.s32 s7, $0x9B00;
	_ =	swait.ge [sflag:s28], $0x2800  }
.Ltmp9:
0x107: {  	[sflag:s28] =	ssyncset.done $0x0;
	(pc) =	sbr.rel @p1 .LBB2_13-.Ltmp9, $4  }
0x108: {  	s7 =	sadd.s32 $0x2710, s8;
	[sflag:s28] =	ssyncadd.s32 $0xFFFFD800  }
0x109: {  	[spmem:s2] =	stream.indirect.scatter.add.f32 [tilespmem:s31], [sflag:$0x1], $0x80, s7, s30, $0xb8;
	[tilespmem:$0x1F620] =	vst v63  }
0x10a: {  	_ =	swait.ge [sflag:s28], $0x2800  }
0x10b: {  	s7 =	smov.u32 s9;
	[sflag:s28] =	ssyncset.done $0x0  }
.Ltmp10:
0x10c: {  	_ = 	snop;
	(pc) =	sbr.rel .LBB2_14-.Ltmp10, $1  }
0x10d: {  	_ =	sdelay $0x3  }
.LBB2_16:
0x10e: {  	_ =	sfence.sel $0x180000  }
0x10f: {  	[bflag:$0x0] =	sbarrier.arrive $0xFFFF  }
0x110: {  	_ =	strace $0x9000004D  }
0x111: {  	s0 =	stileid.u32;
	[bflag:$0x2] =	sbarrier.arrive $0xFFFF  }
0x112: {  	p0 =	sne.s32 s0, $0x0;
	s0 =	rddreg [dreg:$0x2]  }
0x113: {  	s0 =	sadd.s32 @!p0 $0x100000, s0  }
0x114: {  	[sflag:s0] =	ssyncadd.tile.s32 @!p0 $0x1;
	_ =	shalt  }
.Lfunc_end2:
_tile_overlayer_lowered:
.L_overlay_start_2:
0x115: {  	(tag) =	ssettag $0x2  }
0x116: {  	s0 =	rddreg [dreg:$0x0];
	s2 =	stileid.u32  }
0x117: {  	s1 =	rddreg [dreg:$0x1];
	p0 =	sne.s32 s2, $0x0  }
0x118: {  	s3 =	rddreg [dreg:$0x2];
	[bflag:$0x3] =	sbarrier.arrive $0xFFFF;
	s2 =	simm.s32 @!p0 $0x1C01  }
0x119: {  	[timem:s3], [sflag:s2] =	dma.local @!p0 [hbm:s0], s1  }
0x11a: {  	s0 =	simm.s32 @!p0 $0x1  }
0x11b: {  	_ =	swait.ge @!p0 [sflag:s0], s1  }
0x11c: {  	s1 =	ssub.s32 @!p0 $0x0, s1;
	[sflag:s0] =	ssyncset.done @!p0 $0x0  }
0x11d: {  	[sflag:s0] =	ssyncadd.s32 @!p0 s1  }
0x11e: {  	[bflag:$0x3] =	sbarrier.arrive $0xFFFF  }
0x11f: {  	_ =	shalt  }

// kernel: kernel.7.cloned.1.call-start
scs
__scs_entry_jumppad:
0x0: {  	(pc) =	sbr.rel $0x88, $3  }
0x1: {  	(tag) =	ssettag $0x0;
	lr =	simm.s32 $0x1  }
0x2: {  	[smem:$0x3F95] =	sst lr;
	_ =	strace $0xD0000000  }
0x3: {  	_ = 	snop  }
0x4: {  	_ = 	snop  }
0x5: {  	_ = 	snop  }
0x6: {  	_ = 	snop  }
0x7: {  	_ = 	snop  }
__scs_overlays_trampoline_lowered:
0x8: {  	[smem:$0x3FA4] =	sst s0  }
0x9: {  	[smem:$0x3FA5] =	sst s1  }
0xa: {  	[smem:$0x3FA6] =	sst s2  }
0xb: {  	[smem:$0x3FA7] =	sst s3  }
0xc: {  	[smem:$0x3FA8] =	sst s4  }
0xd: {  	[smem:$0x3FA9] =	sst s5  }
0xe: {  	[smem:$0x3FAA] =	sst s6  }
0xf: {  	[smem:$0x3FAB] =	sst s7  }
0x10: {  	[smem:$0x3FAC] =	sst s8  }
0x11: {  	[smem:$0x3FAD] =	sst s9;
	s0 =	simm.s32 @!p0 $0x0  }
0x12: {  	s1 =	sld [smem:$0x3F93];
	s0 =	simm.s32 @p0 $0x1  }
0x13: {  	[smem:$0x3FAE] =	sst s0;
	s0 =	simm.s32 @!p1 $0x0  }
0x14: {  	s2 =	sld [smem:$0x3F92];
	s0 =	simm.s32 @p1 $0x1  }
0x15: {  	[smem:$0x3FAF] =	sst s0;
	s0 =	simm.s32 @!p2 $0x0  }
0x16: {  	s3 =	sld [smem:$0x3FDB];
	s0 =	simm.s32 @p2 $0x1  }
0x17: {  	s4 =	simm.s32 $0x1BF5;
	[smem:$0x3FB1] =	sst s0  }
0x18: {  	s0 =	sld [smem:$0x3F94];
	_ =	swait.ge [sflag:s4], $0x0  }
0x19: {  	s7 =	sld [smem:$0x3F95]  }
0x1a: {  	s8 =	sadd.s32 $0xFFFFE003, lr  }
0x1b: {  	s9 =	sadd.s32 $0xFFFFFEF7, lr;
	s5 =	simm.s32 $0xFFFFFFFF;
	p2 =	slt.u32 s8, $0xFFFFF086  }
0x1c: {  	p1 =	slt.u32 s9, $0xF7A;
	s5 =	simm.s32 @!p2 $0x0  }
0x1d: {  	s5 =	simm.s32 @p1 $0x1;
	p0 =	seq.s32 s7, s2  }
0x1e: {  	s7 =	smul.u32 @!p0 $0xF7A, s2;
	p2 =	seq.s32 @!p0 s5, $0x0  }
0x1f: {  	s9 =	smul.u32 $0xF7A, s1;
	s8 =	simm.s32 @!p0 $0x1BF5;
	p2 =	por !p2, p0  }
0x20: {  	[sflag:s8] =	ssyncset.s32 @!p0 $0xFFFFF086;
	s6 =	sadd.s32 @!p0 s3, s7;
	s7 =	simm.s32 @!p0 $0x108  }
0x21: {  	s3 =	sadd.s32 s3, s9;
	s6 =	sadd.s32 @!p0 $0x88, s6;
	s7 =	simm.s32 @p2 $0x1082  }
0x22: {  	[simem:s7], [sflag:s8] =	dma.local @!p0 [hbm:s6], $0xF7A  }
0x23: {  	s9 =	sor.u32 $0xD0000000, s2;
	s6 =	simm.s32 $0x108;
	_ =	swait.ge @!p0 [sflag:s8], $0x0  }
0x24: {  	s3 =	sadd.s32 $0x88, s3;
	s6 =	simm.s32 @!p1 $0x1082;
	[sflag:s4] =	ssyncset.s32 $0xFFFFF086  }
0x25: {  	[simem:s6], [sflag:s4] =	dma.local [hbm:s3], $0xF7A  }
0x26: {  	[smem:$0x3F95] =	sst s1;
	(tag) =	ssettag s2;
	_ =	strace s9  }
0x27: {  	s1 =	sld [smem:$0x3FA5]  }
0x28: {  	s2 =	sld [smem:$0x3FA6]  }
0x29: {  	s4 =	sld [smem:$0x3FA8]  }
0x2a: {  	p0 =	seq.s32 s5, $0x0;
	s5 =	sld [smem:$0x3FA9]  }
0x2b: {  	s6 =	sld [smem:$0x3FAA]  }
0x2c: {  	s7 =	sld [smem:$0x3FAB]  }
0x2d: {  	s3 =	simm.s32 $0x108;
	s8 =	sld [smem:$0x3FAC]  }
0x2e: {  	s3 =	simm.s32 @!p0 $0x1082;
	s9 =	sld [smem:$0x3FAD]  }
0x2f: {  	lr =	sadd.s32 s0, s3;
	s0 =	sld [smem:$0x3FA4]  }
0x30: {  	s3 =	sld [smem:$0x3FA7]  }
0x31: {  	[smem:$0x3FB0] =	sst s10  }
0x32: {  	s10 =	sld [smem:$0x3FAE];
	_ =	sdelay $0x3  }
0x33: {  	p0 =	seq.s32 s10, $0x1;
	s10 =	sld [smem:$0x3FB0];
	_ =	sdelay $0x3  }
0x34: {  	[smem:$0x3FB0] =	sst s10  }
0x35: {  	s10 =	sld [smem:$0x3FAF];
	_ =	sdelay $0x3  }
0x36: {  	p1 =	seq.s32 s10, $0x1;
	s10 =	sld [smem:$0x3FB0];
	_ =	sdelay $0x3  }
0x37: {  	[smem:$0x3FB0] =	sst s10  }
0x38: {  	s10 =	sld [smem:$0x3FB1]  }
0x39: {  	_ = 	snop;
	(pc) =	sbr.ind lr, $3  }
0x3a: {  	_ = 	snop  }
0x3b: {  	_ = 	snop  }
0x3c: {  	p2 =	seq.s32 s10, $0x1;
	s10 =	sld [smem:$0x3FB0]  }
0x3d: {  	_ =	shalt  }
0x3e: {  	_ =	shalt  }
0x3f: {  	_ =	shalt  }
0x40: {  	_ =	shalt  }
0x41: {  	_ =	shalt  }
0x42: {  	_ =	shalt  }
0x43: {  	_ =	shalt  }
0x44: {  	_ =	shalt  }
0x45: {  	_ =	shalt  }
0x46: {  	_ =	shalt  }
0x47: {  	_ =	shalt  }
0x48: {  	_ =	shalt  }
0x49: {  	_ =	shalt  }
0x4a: {  	_ =	shalt  }
0x4b: {  	_ =	shalt  }
0x4c: {  	_ =	shalt  }
0x4d: {  	_ =	shalt  }
0x4e: {  	_ =	shalt  }
0x4f: {  	_ =	shalt  }
0x50: {  	_ =	shalt  }
0x51: {  	_ =	shalt  }
0x52: {  	_ =	shalt  }
0x53: {  	_ =	shalt  }
0x54: {  	_ =	shalt  }
0x55: {  	_ =	shalt  }
0x56: {  	_ =	shalt  }
0x57: {  	_ =	shalt  }
0x58: {  	_ =	shalt  }
0x59: {  	_ =	shalt  }
0x5a: {  	_ =	shalt  }
0x5b: {  	_ =	shalt  }
0x5c: {  	_ =	shalt  }
0x5d: {  	_ =	shalt  }
0x5e: {  	_ =	shalt  }
0x5f: {  	_ =	shalt  }
0x60: {  	_ =	shalt  }
0x61: {  	_ =	shalt  }
0x62: {  	_ =	shalt  }
0x63: {  	_ =	shalt  }
0x64: {  	_ =	shalt  }
0x65: {  	_ =	shalt  }
0x66: {  	_ =	shalt  }
0x67: {  	_ =	shalt  }
0x68: {  	_ =	shalt  }
0x69: {  	_ =	shalt  }
0x6a: {  	_ =	shalt  }
0x6b: {  	_ =	shalt  }
0x6c: {  	_ =	shalt  }
0x6d: {  	_ =	shalt  }
0x6e: {  	_ =	shalt  }
0x6f: {  	_ =	shalt  }
0x70: {  	_ =	shalt  }
0x71: {  	_ =	shalt  }
0x72: {  	_ =	shalt  }
0x73: {  	_ =	shalt  }
0x74: {  	_ =	shalt  }
0x75: {  	_ =	shalt  }
0x76: {  	_ =	shalt  }
0x77: {  	_ =	shalt  }
0x78: {  	_ =	shalt  }
0x79: {  	_ =	shalt  }
0x7a: {  	_ =	shalt  }
0x7b: {  	_ =	shalt  }
0x7c: {  	_ =	shalt  }
0x7d: {  	_ =	shalt  }
0x7e: {  	_ =	shalt  }
0x7f: {  	_ =	shalt  }
0x80: {  	_ =	shalt  }
0x81: {  	_ =	shalt  }
0x82: {  	_ =	shalt  }
0x83: {  	_ =	shalt  }
0x84: {  	_ =	shalt  }
0x85: {  	_ =	shalt  }
0x86: {  	_ =	shalt  }
0x87: {  	_ =	shalt  }
.Lfunc_end0:
.L_simem_size_0:
called_computation_lowered:
.L_overlay_start_0:
0x88: {  	s2 =	sld [smem:$0x3FD9]  }
0x89: {  	s3 =	sld [smem:$0x3FFE];
	_ =	sdelay $0x1  }
0x8a: {  	s1 =	srdreg.scid  }
0x8b: {  	s0 =	sand.u32 $0x1, s1  }
0x8c: {  	s14 =	sshll.u32 s0, $0xA;
	s2 =	sadd.s32 s3, s2  }
0x8d: {  	s2 =	sadd.s32 s2, s14  }
0x8e: {  	[smem:$0x3FBC] =	sst s2  }
0x8f: {  	_ = 	snop  }
0x90: {  	s2 =	sld [smem:$0x3FD0];
	_ =	sdelay $0x2  }
0x91: {  	s15 =	simm.s32 $0xB;
	s4 =	simm.s32 $0x10  }
0x92: {  	[smem:s4], [sflag:s15] =	dma.local [hbm:s2], $0x1  }
0x93: {  	_ =	swait.eq [sflag:s15], $0x1  }
0x94: {  	[sflag:s15] =	ssyncset.done $0x0  }
0x95: {  	[sflag:s15] =	ssyncadd.s32 $0xFFFFFFFF  }
0x96: {  	s16 =	sld [smem:$0x12];
	(tm) =	ssettm $0x1  }
0x97: {  	s17 =	sld [smem:$0x3FFB];
	_ =	sdelay $0x3  }
0x98: {  	_ =	strace s17  }
0x99: {  	s3 =	sld [smem:$0x3FFC];
	_ =	sdelay $0x3  }
0x9a: {  	_ =	strace s3  }
0x9b: {  	s3 =	sld [smem:$0x3FFD];
	_ =	sdelay $0x3  }
0x9c: {  	_ =	strace s3  }
0x9d: {  	_ =	strace $0x8FFFFFFF  }
0x9e: {  	s18 =	sld [smem:$0x3FDB];
	_ =	sdelay $0x1  }
0x9f: {  	s19 =	simm.s32 $_scs_section_size  }
0xa0: {  	s5 =	simm.s32 $_size__tile_overlayer_lowered;
	s6 =	simm.s32 $_tile_overlayer_lowered  }
0xa1: {  	s22 =	simm.s32 $0x1BFF;
	s21 =	sshll.u32 s6, $0x1;
	s3 =	sadd.s32 s19, s18  }
0xa2: {  	s7 =	simm.s32 $0x0;
	s20 =	sshll.u32 s5, $0x1;
	s5 =	sadd.s32 s21, s3  }
0xa3: {  	[timem:s7], [sflag:s22] =	dma.local [hbm:s5], s20  }
0xa4: {  	_ =	swait.ge [sflag:s22], s20  }
0xa5: {  	s4 =	ssub.s32 $0x0, s20;
	[sflag:s22] =	ssyncset.done $0x0  }
0xa6: {  	[sflag:s22] =	ssyncadd.s32 s4;
	_ =	sdelay $0x1  }
0xa7: {  	s23 =	simm.s32 $0x1B8B  }
0xa8: {  	_ =	swait.ge [sflag:s23], $0x1  }
0xa9: {  	[sflag:s23] =	ssyncset.done $0x0  }
0xaa: {  	s25 =	simm.s32 $0x1B8E;
	s24 =	sld [smem:$0x3FFE];
	[sflag:s23] =	ssyncadd.s32 $0xFFFFFFFF  }
0xab: {  	s26 =	simm.s32 $execute0_lowered;
	[smem:$0x3FD2] =	sst s25  }
0xac: {  	s5 =	sshll.u32 s26, $0x1;
	_ =	strace $0x80000046;
	[dreg:$0x1] =	wrdreg $0xFFFFFFFF  }
0xad: {  	s28 =	simm.s32 $_size_execute0_lowered;
	s3 =	sadd.s32 s3, s5;
	[dreg:$0x0] =	wrdreg $0x0  }
0xae: {  	s5 =	sshll.u32 s28, $0x1;
	[dreg:$0x2] =	wrdreg s3  }
0xaf: {  	[dreg:$0x3] =	wrdreg s5  }
0xb0: {  	[dreg:$0x4] =	wrdreg $0xC0  }
0xb1: {  	_ =	task [dreg:s7], $0x5FFFF  }
0xb2: {  	[dreg:$0x1] =	wrdreg $0xFFFFFFFF  }
0xb3: {  	[dreg:$0x0] =	wrdreg $0x60  }
0xb4: {  	[dreg:$0x2] =	wrdreg s24  }
0xb5: {  	[dreg:$0x3] =	wrdreg s16  }
0xb6: {  	[dreg:$0x4] =	wrdreg $0x29E00  }
0xb7: {  	[dreg:$0x5] =	wrdreg $0x9  }
0xb8: {  	_ =	task.clear_ibuf [dreg:s7], $0x6FFFF;
	_ =	strace $0x90000046  }
0xb9: {  	s29 =	simm.s32 $0x9;
	_ =	strace $0x80000048  }
0xba: {  	_ =	swait.ge [sflag:s29], $0x1  }
0xbb: {  	[sflag:s29] =	ssyncadd.s32 $0xFFFFFFFF  }
0xbc: {  	_ =	strace $0x90000048  }
0xbd: {  	_ =	sfence  }
0xbe: {  	s30 =	sld [smem:$0x0];
	_ =	sdelay $0x2  }
0xbf: {  	s31 =	sshll.u32 s1, $0xD;
	s1 =	sshrl.u32 s1, $0x2  }
0xc0: {  	s3 =	sand.u32 $0x4000, s31;
	s1 =	sadd.s32 s1, s30  }
0xc1: {  	s0 =	sor.u32 s3, s0;
	s1 =	sshll.u32 s1, $0x11  }
0xc2: {  	s0 =	sor.u32 s1, s0  }
0xc3: {  	s0 =	sadd.s32 $0x8F2B, s0  }
0xc4: {  	[sflag:s0] =	ssyncadd.remote.s32 $0x1  }
0xc5: {  	_ =	sfence.sel $0xFFFF  }
0xc6: {  	[dreg:$0x0] =	wrdreg $0xFFFFFFFF;
	(pc) =	sbr.abs _section_cstart, $3  }
0xc7: {  	[dreg:$0x1] =	wrdreg $0xFFFFFFFF  }
0xc8: {  	_ =	task.clear_ibuf [dreg:s7], $0x2FFFF;
	_ =	strace $0x9FFFFFFF  }
0xc9: {  	(tm) =	ssettm $0x7FFFFFFF  }
tec
execute0_lowered:
.L_overlay_start_1:
0x0: {  	(tag) =	ssettag $0x1  }
0x1: {  	s6 =	rddreg [dreg:$0x0]  }
0x2: {  	s9 =	rddreg [dreg:$0x1]  }
0x3: {  	s1 =	rddreg [dreg:$0x2]  }
0x4: {  	s0 =	rddreg [dreg:$0x3];
	s2 =	simm.s32 $0x0;
	s3 =	srdreg.scid  }
0x5: {  	s14 =	simm.s32 $0x0;
	[smem:$0x7FF] =	sst s2;
	s7 =	sadd.s32 $0x3800, s6  }
0x6: {  	s8 =	sadd.s32 $0x12800, s6;
	s4 =	sadd.s32 $0x17A00, s6;
	s10 =	sand.u32 $0x1, s3  }
0x7: {  	s5 =	sadd.s32 $0x17800, s6;
	s3 =	stileid.u32;
	s12 =	sadd.s32 $0x17C00, s6  }
0x8: {  	_ =	strace $0x80000047;
	s11 =	ssub.s32 $0x2, s10;
	s13 =	smul.u32 $0x280, s3  }
0x9: {  	p0 =	seq.s32 s10, $0x0;
	s31 =	smul.u32 $0x4E2, s3;
	s10 =	simm.s32 $0x2760  }
0xa: {  	s30 =	sshrl.u32 s11, $0x1;
	s8 =	smov.u32 @p0 s7;
	s12 =	smov.u32 @p0 s9  }
0xb: {  	s11 =	ssub.s32 s11, s30;
	s6 =	sadd.s32 s13, s1;
	s13 =	sshrl.u32 s13, $0x3  }
0xc: {  	s8 =	sadd.s32 s8, s31;
	s7 =	smax.u32 s11, $0x1;
	s9 =	sadd.s32 s12, s13  }
0xd: {  	s11 =	simm.s32 $0x1;
	s12 =	simm.s32 $0x2710;
	s13 =	simm.s32 $0x50  }
.LBB2_1:
0xe: {  	[tilespmem:s10], [sflag:$0x1] =	stream.linear.gather [hbm4b:s4+s2], $0x280, $0x38;
	[tilespmem:$0x2C60] =	vst v63  }
0xf: {  	_ =	swait.ge [sflag:s11], $0x280  }
0x10: {  	[sflag:s11] =	ssyncset.done $0x0  }
0x11: {  	[sflag:s11] =	ssyncadd.s32 $0xFFFFFD80  }
0x12: {  	[spmem:s6] =	stream.linear.scatter [tilespmem:s10], [sflag:$0x1], $0x280, $0x38;
	[tilespmem:$0x2C60] =	vst v63  }
0x13: {  	_ =	swait.ge [sflag:s11], $0x280  }
0x14: {  	[sflag:s11] =	ssyncset.done $0x0  }
0x15: {  	[sflag:s11] =	ssyncadd.s32 $0xFFFFFD80  }
0x16: {  	[bflag:$0x0] =	sbarrier.arrive $0xFFFF  }
0x17: {  	[tilespmem:s12], [sflag:$0x1] =	stream.linear.gather [hbm4b:s5+s2], $0x50, $0x38;
	[tilespmem:$0x2C60] =	vst v63  }
0x18: {  	_ =	swait.ge [sflag:s11], $0x50  }
0x19: {  	[sflag:s11] =	ssyncset.done $0x0  }
0x1a: {  	[sflag:s11] =	ssyncadd.s32 $0xFFFFFFB0  }
0x1b: {  	[tilespmem:s2], [sflag:$0x1] =	stream.linear.gather [hbm4b:s8+s2], $0x2710, $0x38;
	[tilespmem:$0x2C60] =	vst v63  }
0x1c: {  	_ =	swait.ge [sflag:s11], $0x2710  }
0x1d: {  	[sflag:s11] =	ssyncset.done $0x0  }
0x1e: {  	s15 =	simm.s32 $0x0;
	[sflag:s11] =	ssyncadd.s32 $0xFFFFD8F0  }
0x1f: {  	[spmem:s1] =	stream.indirect.scatter.add.f32 [tilespmem:s12], [sflag:$0x1], $0x1, s15, s13, $0xb8;
	[tilespmem:$0x2C60] =	vst v63  }
0x20: {  	_ =	swait.ge [sflag:s11], $0x50  }
0x21: {  	s15 =	simm.s32 $0x140;
	[sflag:s11] =	ssyncset.done $0x0  }
.LBB2_2:
0x22: {  	s16 =	sshra.s32 s15, $0x2;
	[sflag:s11] =	ssyncadd.s32 $0xFFFFFFB0;
	p0 =	sne.s32 s15, $0x9B00  }
0x23: {  	[spmem:s1] =	stream.indirect.scatter.add.f32 [tilespmem:s12], [sflag:$0x1], $0x1, s16, s13, $0xb8;
	[tilespmem:$0x2C60] =	vst v63  }
.Ltmp0:
0x24: {  	_ = 	snop;
	(pc) =	sbr.rel @p0 .LBB2_2-.Ltmp0, $4  }
0x25: {  	_ = 	snop  }
0x26: {  	s15 =	sadd.s32 $0x140, s15  }
0x27: {  	_ =	swait.ge [sflag:s11], $0x50  }
0x28: {  	[sflag:s11] =	ssyncset.done $0x0  }
0x29: {  	[sflag:s11] =	ssyncadd.s32 $0xFFFFFFB0  }
0x2a: {  	[bflag:$0x0] =	sbarrier.arrive $0xFFFF  }
0x2b: {  	[tilespmem:s10], [sflag:$0x1] =	stream.linear.gather [spmem:s6], $0x280, $0x38;
	[tilespmem:$0x2C60] =	vst v63  }
0x2c: {  	s14 =	sadd.s32 $0x1, s14;
	_ =	swait.ge [sflag:s11], $0x280  }
0x2d: {  	p0 =	sne.s32 s14, s7;
	[sflag:s11] =	ssyncset.done $0x0  }
.Ltmp1:
0x2e: {  	[sflag:s11] =	ssyncadd.s32 $0xFFFFFD80;
	(pc) =	sbr.rel @p0 .LBB2_1-.Ltmp1, $4  }
0x2f: {  	[hbm4b:s9+s2] =	stream.linear.scatter [tilespmem:s10], [sflag:$0x1], $0x280, $0x38;
	[tilespmem:$0x2C60] =	vst v63  }
0x30: {  	_ =	swait.ge [sflag:s11], $0x280  }
0x31: {  	[sflag:s11] =	ssyncset.done $0x0  }
0x32: {  	[sflag:s11] =	ssyncadd.s32 $0xFFFFFD80  }
0x33: {  	_ =	sfence.sel $0x180000  }
0x34: {  	[bflag:$0x0] =	sbarrier.arrive $0xFFFF  }
0x35: {  	p0 =	sne.s32 s3, $0x0;
	_ =	strace $0x90000047  }
0x36: {  	s0 =	sadd.s32 @!p0 $0x100000, s0;
	[bflag:$0x2] =	sbarrier.arrive $0xFFFF  }
0x37: {  	[sflag:s0] =	ssyncadd.tile.s32 @!p0 $0x1;
	_ =	shalt  }
.Lfunc_end2:
_tile_overlayer_lowered:
.L_overlay_start_2:
0x38: {  	(tag) =	ssettag $0x2  }
0x39: {  	s0 =	rddreg [dreg:$0x0];
	s2 =	stileid.u32  }
0x3a: {  	s1 =	rddreg [dreg:$0x1];
	p0 =	sne.s32 s2, $0x0  }
0x3b: {  	s3 =	rddreg [dreg:$0x2];
	[bflag:$0x3] =	sbarrier.arrive $0xFFFF;
	s2 =	simm.s32 @!p0 $0x1C01  }
0x3c: {  	[timem:s3], [sflag:s2] =	dma.local @!p0 [hbm:s0], s1  }
0x3d: {  	s0 =	simm.s32 @!p0 $0x1  }
0x3e: {  	_ =	swait.ge @!p0 [sflag:s0], s1  }
0x3f: {  	s1 =	ssub.s32 @!p0 $0x0, s1;
	[sflag:s0] =	ssyncset.done @!p0 $0x0  }
0x40: {  	[sflag:s0] =	ssyncadd.s32 @!p0 s1  }
0x41: {  	[bflag:$0x3] =	sbarrier.arrive $0xFFFF  }
0x42: {  	_ =	shalt  }

</sc_bundles>
